<compile_context>
chip_gen: v7x
topology: tpu7x:2x2x1
jax: 0.10.2.dev20260603
libtpu: 0.0.44.dev20260713+nightly
codegen_flags: <defaults>
</compile_context>

<pallas_src>
import functools

import jax
from jax import lax
import jax.numpy as jnp
from jax.experimental import pallas as pl
from jax.experimental.pallas import tpu as pltpu
from jax.experimental.pallas import tpu_sc as plsc

_B, _S, _D, _E, _K, _F, _FS = 64, 1, 2048, 64, 8, 512, 512
_T = _B * _S
_FB = 512
_NF = _F // _FB
_NW = 32
_TPW = _T // _NW
_NSL = _E // 16


def _dot_t(a, b, precision=None):
    return jax.lax.dot_general(
        a, b, (((1,), (1,)), ((), ())),
        preferred_element_type=jnp.float32, precision=precision)


def _dot_t_bf16(a, b):
    return jax.lax.dot_general(
        a.astype(jnp.bfloat16), b.astype(jnp.bfloat16),
        (((1,), (1,)), ((), ())), preferred_element_type=jnp.float32)


def _logits_kernel(x_ref, rw_ref, logits_ref):
    logits_ref[...] = _dot_t(x_ref[...], rw_ref[...])


def _shared_kernel(x_ref, sgw_ref, suw_ref, sdw_ref, segw_ref, out_ref):
    fi = pl.program_id(0)
    x = x_ref[...]
    sg = _dot_t_bf16(x, sgw_ref[...])
    su = _dot_t_bf16(x, suw_ref[...])
    sh = (sg * jax.nn.sigmoid(sg)) * su
    tok_gate = jax.nn.sigmoid(_dot_t(x, segw_ref[...]))
    part = tok_gate * _dot_t_bf16(sh, sdw_ref[...])

    @pl.when(fi == 0)
    def _init():
        out_ref[...] = part

    @pl.when(fi != 0)
    def _acc():
        out_ref[...] += part


def _route_sc_kernel(logits_hbm, w_hbm, rows_v, out_v):
    wid = lax.axis_index("s") * 2 + lax.axis_index("c")
    base = wid * _TPW
    pltpu.sync_copy(logits_hbm.at[pl.ds(base, _TPW)], rows_v)
    lanes = lax.broadcasted_iota(jnp.int32, (16,), 0)
    for ti in range(_TPW):
        r = [rows_v[ti, pl.ds(16 * j, 16)] for j in range(_NSL)]
        row_max = jnp.max(jnp.maximum(jnp.maximum(r[0], r[1]),
                                      jnp.maximum(r[2], r[3])), axis=0)
        p = [jnp.exp(r[j] - row_max) for j in range(_NSL)]
        acc = [jnp.zeros((16,), jnp.float32) for _ in range(_NSL)]
        rem = list(r)
        for _ in range(_K):
            m = jnp.max(jnp.maximum(jnp.maximum(rem[0], rem[1]),
                                    jnp.maximum(rem[2], rem[3])), axis=0)
            first = jnp.int32(_E)
            for j in range(_NSL):
                cand = jnp.where(rem[j] == m, lanes + 16 * j, _E)
                first = jnp.minimum(first, jnp.min(cand, axis=0))
            for j in range(_NSL):
                pick = (lanes + 16 * j) == first
                acc[j] = jnp.where(pick, p[j], acc[j])
                rem[j] = jnp.where(pick, -jnp.inf, rem[j])
        s = jnp.float32(0.0)
        for j in range(_NSL):
            s = s + jnp.sum(acc[j], axis=0)
        for j in range(_NSL):
            out_v[ti, pl.ds(16 * j, 16)] = acc[j] / s
    pltpu.sync_copy(out_v, w_hbm.at[pl.ds(base, _TPW)])


_route_sc = functools.partial(
    pl.kernel,
    mesh=plsc.VectorSubcoreMesh(core_axis_name="c", subcore_axis_name="s"),
    out_type=jax.ShapeDtypeStruct((_T, _E), jnp.float32),
    scratch_types=[
        pltpu.VMEM((_TPW, _E), jnp.float32),
        pltpu.VMEM((_TPW, _E), jnp.float32),
    ],
    compiler_params=pltpu.CompilerParams(needs_layout_passes=False),
)(_route_sc_kernel)


def _moe_kernel(x_ref, w_ref, shared_ref, gw_ref, uw_ref, dw_ref, out_ref):
    e = pl.program_id(0)
    x = x_ref[...]

    @pl.when(e == 0)
    def _prologue():
        out_ref[...] = shared_ref[...]

    w_e = jnp.sum(
        jnp.where(jax.lax.broadcasted_iota(jnp.int32, (_T, _E), 1) == e,
                  w_ref[...], 0.0),
        axis=1, keepdims=True)
    g = _dot_t_bf16(x, gw_ref[0])
    u = _dot_t_bf16(x, uw_ref[0])
    h = (g * jax.nn.sigmoid(g)) * u * w_e
    out_ref[...] += _dot_t_bf16(h, dw_ref[0])


@jax.jit
def kernel(hidden_states, router_w, expert_gate_w, expert_up_w, expert_down_w,
           shared_gate_w, shared_up_w, shared_down_w, shared_expert_gate_w):
    x = hidden_states.reshape(_T, _D)
    logits = pl.pallas_call(
        _logits_kernel,
        out_shape=jax.ShapeDtypeStruct((_T, _E), jnp.float32),
    )(x, router_w)
    w = _route_sc(logits)
    shared_out = pl.pallas_call(
        _shared_kernel,
        grid=(2,),
        in_specs=[
            pl.BlockSpec((_T, _D), lambda f: (0, 0)),
            pl.BlockSpec((_FS // 2, _D), lambda f: (f, 0)),
            pl.BlockSpec((_FS // 2, _D), lambda f: (f, 0)),
            pl.BlockSpec((_D, _FS // 2), lambda f: (0, f)),
            pl.BlockSpec((1, _D), lambda f: (0, 0)),
        ],
        out_specs=pl.BlockSpec((_T, _D), lambda f: (0, 0)),
        out_shape=jax.ShapeDtypeStruct((_T, _D), jnp.float32),
        compiler_params=pltpu.CompilerParams(
            dimension_semantics=("arbitrary",)),
    )(x, shared_gate_w, shared_up_w, shared_down_w, shared_expert_gate_w)
    out = pl.pallas_call(
        _moe_kernel,
        grid=(_E,),
        in_specs=[
            pl.BlockSpec((_T, _D), lambda e: (0, 0)),
            pl.BlockSpec((_T, _E), lambda e: (0, 0)),
            pl.BlockSpec((_T, _D), lambda e: (0, 0)),
            pl.BlockSpec((1, _F, _D), lambda e: (e, 0, 0)),
            pl.BlockSpec((1, _F, _D), lambda e: (e, 0, 0)),
            pl.BlockSpec((1, _D, _F), lambda e: (e, 0, 0)),
        ],
        out_specs=pl.BlockSpec((_T, _D), lambda e: (0, 0)),
        out_shape=jax.ShapeDtypeStruct((_T, _D), jnp.float32),
        compiler_params=pltpu.CompilerParams(
            dimension_semantics=("arbitrary",)),
    )(x, w, shared_out, expert_gate_w, expert_up_w, expert_down_w)
    return out.reshape(_B, _S, _D), logits

# --- scband reference (transcript-rebuilt; emitter-appended) ---
"""Pipeline reference for scband-qwen3-next-sparse-moe-block-618475290760 (READ-ONLY COPY).

The authoritative reference and input builder live on the scoring server;
editing this copy changes nothing except your own understanding.
"""

import jax, jax.numpy as jnp
import numpy as np

B, S, D, E, K, F, FS = 64, 1, 2048, 64, 8, 512, 512


def setup_inputs(seed: int = 0) -> dict:
    key = jax.random.key(seed)
    ks = jax.random.split(key, 9)
    return {
        "hidden_states": jax.random.normal(ks[0], (B, S, D), dtype=jnp.float32),
        "router_w": jax.random.normal(ks[1], (E, D), dtype=jnp.float32) * 0.02,
        "expert_gate_w": jax.random.normal(ks[2], (E, F, D), dtype=jnp.float32) * 0.02,
        "expert_up_w": jax.random.normal(ks[3], (E, F, D), dtype=jnp.float32) * 0.02,
        "expert_down_w": jax.random.normal(ks[4], (E, D, F), dtype=jnp.float32) * 0.02,
        "shared_gate_w": jax.random.normal(ks[5], (FS, D), dtype=jnp.float32) * 0.02,
        "shared_up_w": jax.random.normal(ks[6], (FS, D), dtype=jnp.float32) * 0.02,
        "shared_down_w": jax.random.normal(ks[7], (D, FS), dtype=jnp.float32) * 0.02,
        "shared_expert_gate_w": jax.random.normal(ks[8], (1, D), dtype=jnp.float32) * 0.02,
    }


def reference(hidden_states, router_w, expert_gate_w, expert_up_w, expert_down_w,
              shared_gate_w, shared_up_w, shared_down_w, shared_expert_gate_w):
    b, s, d = hidden_states.shape
    x = hidden_states.reshape(-1, d)  # [T, D]
    router_logits = x @ router_w.T  # [T, E]
    probs = jax.nn.softmax(router_logits.astype(jnp.float32), axis=1)
    routing_weights, selected_experts = jax.lax.top_k(probs, K)  # [T, K]
    # norm_topk_prob = True
    routing_weights = routing_weights / jnp.sum(routing_weights, axis=-1, keepdims=True)
    routing_weights = routing_weights.astype(x.dtype)
    # Dense (all-experts) compute, then gather selected experts per token.
    # Mathematically identical to the torch dispatch loop.
    g = jnp.einsum('td,efd->tef', x, expert_gate_w)
    u = jnp.einsum('td,efd->tef', x, expert_up_w)
    h = jax.nn.silu(g) * u
    expert_out = jnp.einsum('tef,edf->ted', h, expert_down_w)  # [T, E, D]
    sel_out = jnp.take_along_axis(expert_out, selected_experts[:, :, None], axis=1)  # [T, K, D]
    final = jnp.sum(sel_out * routing_weights[:, :, None], axis=1)  # [T, D]
    # Shared expert (SwiGLU MLP) gated by sigmoid(shared_expert_gate(x))
    shared = (jax.nn.silu(x @ shared_gate_w.T) * (x @ shared_up_w.T)) @ shared_down_w.T
    shared = jax.nn.sigmoid(x @ shared_expert_gate_w.T) * shared
    final = final + shared
    return final.reshape(b, s, d), router_logits

if __name__ == "__main__":
    import jax
    _d = setup_inputs()
    print(jax.jit(kernel)(*tuple(_d.values())))

</pallas_src>

<mosaic_0001>
#map = affine_map<(d0, d1) -> (0, 0)>
module attributes {stable_mosaic.version = 14 : i64} {
  func.func @_route_sc_kernel(%arg0: i32, %arg1: i32, %arg2: memref<64x64xf32, #tpu.memory_space<hbm>>, %arg3: memref<64x64xf32, #tpu.memory_space<hbm>>, %arg4: memref<2x64xf32, #tpu.memory_space<vmem>>, %arg5: memref<2x64xf32, #tpu.memory_space<vmem>>) attributes {dimension_semantics = [#tpu.dimension_semantics<core_parallel>, #tpu.dimension_semantics<subcore_parallel>], iteration_bounds = array<i64: 2, 16>, scalar_prefetch = 0 : i64, scratch_operands = 2 : i64, tpu.core_type = #tpu.core_type<sc_vector_subcore>, window_params = [{transform_indices = #map}, {transform_indices = #map}]} {
    %mul3A = arith.constant 2 : i32
    %mul3A_0 = arith.muli %arg1, %mul3A : i32
    %add3A = arith.addi %mul3A_0, %arg0 : i32
    %mul3A_1 = arith.constant 2 : i32
    %mul3A_2 = arith.muli %add3A, %mul3A_1 : i32
    "tpu.region"() ({
      %run_scoped3A = tpu.sem_alloc : memref<!tpu.dma_semaphore, #tpu.memory_space<semaphore_mem>>
      %dma_start3A = arith.constant 0 : i32
      %dma_start3A_1957 = tpu.memref_slice %arg2[%mul3A_2, %dma_start3A] : memref<64x64xf32, #tpu.memory_space<hbm>> -> memref<2x64xf32, #tpu.memory_space<hbm>>
      %dma_start3A_1958 = arith.constant 0 : i32
      %dma_start3A_1959 = tpu.memref_slice %arg2[%mul3A_2, %dma_start3A_1958] : memref<64x64xf32, #tpu.memory_space<hbm>> -> memref<2x64xf32, #tpu.memory_space<hbm>>
      tpu.enqueue_dma source(%dma_start3A_1959 : memref<2x64xf32, #tpu.memory_space<hbm>>) target(%arg4 : memref<2x64xf32, #tpu.memory_space<vmem>>) target_semaphore(%run_scoped3A : memref<!tpu.dma_semaphore, #tpu.memory_space<semaphore_mem>>)
      %dma_wait3A = arith.constant 0 : i32
      %dma_wait3A_1960 = tpu.memref_slice %arg2[%mul3A_2, %dma_wait3A] : memref<64x64xf32, #tpu.memory_space<hbm>> -> memref<2x64xf32, #tpu.memory_space<hbm>>
      %dma_wait3A_1961 = arith.constant 0 : i32
      %dma_wait3A_1962 = tpu.memref_slice %arg2[%mul3A_2, %dma_wait3A_1961] : memref<64x64xf32, #tpu.memory_space<hbm>> -> memref<2x64xf32, #tpu.memory_space<hbm>>
      tpu.wait_dma2 semaphore(%run_scoped3A : memref<!tpu.dma_semaphore, #tpu.memory_space<semaphore_mem>>) src(%dma_wait3A_1962 : memref<2x64xf32, #tpu.memory_space<hbm>>) dst(%arg4 : memref<2x64xf32, #tpu.memory_space<vmem>>)
      tpu.yield
    }) : () -> ()
    %iota3A = tpu.iota {dimensions = array<i32: 0>} : vector<16xi32>
    %get3A = arith.constant 0 : i32
    %get3A_3 = arith.index_cast %get3A : i32 to index
    %get3A_4 = arith.constant 0 : index
    %get3A_5 = tpu.vector_load %arg4[%get3A_3, %get3A_4] {strides = array<i32>} : memref<2x64xf32, #tpu.memory_space<vmem>>, vector<16xf32>,
    %get3A_6 = arith.constant 0 : i32
    %get3A_7 = arith.index_cast %get3A_6 : i32 to index
    %get3A_8 = arith.constant 16 : index
    %get3A_9 = tpu.vector_load %arg4[%get3A_7, %get3A_8] {strides = array<i32>} : memref<2x64xf32, #tpu.memory_space<vmem>>, vector<16xf32>,
    %get3A_10 = arith.constant 0 : i32
    %get3A_11 = arith.index_cast %get3A_10 : i32 to index
    %get3A_12 = arith.constant 32 : index
    %get3A_13 = tpu.vector_load %arg4[%get3A_11, %get3A_12] {strides = array<i32>} : memref<2x64xf32, #tpu.memory_space<vmem>>, vector<16xf32>,
    %get3A_14 = arith.constant 0 : i32
    %get3A_15 = arith.index_cast %get3A_14 : i32 to index
    %get3A_16 = arith.constant 48 : index
    %get3A_17 = tpu.vector_load %arg4[%get3A_15, %get3A_16] {strides = array<i32>} : memref<2x64xf32, #tpu.memory_space<vmem>>, vector<16xf32>,
    %max3A = arith.maximumf %get3A_5, %get3A_9 : vector<16xf32>
    %max3A_18 = arith.maximumf %get3A_13, %get3A_17 : vector<16xf32>
    %max3A_19 = arith.maximumf %max3A, %max3A_18 : vector<16xf32>
    %reduce_max3A = arith.constant true
    %reduce_max3A_20 = vector.broadcast %reduce_max3A : i1 to vector<16xi1>
    %reduce_max3A_21 = tpu.scan <max>, %max3A_19 masked %reduce_max3A_20 : vector<16xf32>, vector<16xi1> -> vector<16xf32>
    %reduce_max3A_22 = vector.extract %reduce_max3A_21[15] : f32 from vector<16xf32>
    %sub3A = vector.broadcast %reduce_max3A_22 : f32 to vector<16xf32>
    %sub3A_23 = arith.subf %get3A_5, %sub3A : vector<16xf32>
    %exp3A = math.exp %sub3A_23 : vector<16xf32>
    %sub3A_24 = vector.broadcast %reduce_max3A_22 : f32 to vector<16xf32>
    %sub3A_25 = arith.subf %get3A_9, %sub3A_24 : vector<16xf32>
    %exp3A_26 = math.exp %sub3A_25 : vector<16xf32>
    %sub3A_27 = vector.broadcast %reduce_max3A_22 : f32 to vector<16xf32>
    %sub3A_28 = arith.subf %get3A_13, %sub3A_27 : vector<16xf32>
    %exp3A_29 = math.exp %sub3A_28 : vector<16xf32>
    %sub3A_30 = vector.broadcast %reduce_max3A_22 : f32 to vector<16xf32>
    %sub3A_31 = arith.subf %get3A_17, %sub3A_30 : vector<16xf32>
    %exp3A_32 = math.exp %sub3A_31 : vector<16xf32>
    %broadcast_in_dim3A = arith.constant 0.000000e+00 : f32
    %broadcast_in_dim3A_33 = vector.broadcast %broadcast_in_dim3A : f32 to vector<16xf32>
    %broadcast_in_dim3A_34 = arith.constant 0.000000e+00 : f32
    %broadcast_in_dim3A_35 = vector.broadcast %broadcast_in_dim3A_34 : f32 to vector<16xf32>
    %broadcast_in_dim3A_36 = arith.constant 0.000000e+00 : f32
    %broadcast_in_dim3A_37 = vector.broadcast %broadcast_in_dim3A_36 : f32 to vector<16xf32>
    %broadcast_in_dim3A_38 = arith.constant 0.000000e+00 : f32
    %broadcast_in_dim3A_39 = vector.broadcast %broadcast_in_dim3A_38 : f32 to vector<16xf32>
    %max3A_40 = arith.maximumf %get3A_5, %get3A_9 : vector<16xf32>
    %max3A_41 = arith.maximumf %get3A_13, %get3A_17 : vector<16xf32>
    %max3A_42 = arith.maximumf %max3A_40, %max3A_41 : vector<16xf32>
    %reduce_max3A_43 = arith.constant true
    %reduce_max3A_44 = vector.broadcast %reduce_max3A_43 : i1 to vector<16xi1>
    %reduce_max3A_45 = tpu.scan <max>, %max3A_42 masked %reduce_max3A_44 : vector<16xf32>, vector<16xi1> -> vector<16xf32>
    %reduce_max3A_46 = vector.extract %reduce_max3A_45[15] : f32 from vector<16xf32>
    %eq3A = vector.broadcast %reduce_max3A_46 : f32 to vector<16xf32>
    %eq3A_47 = arith.cmpf oeq, %get3A_5, %eq3A : vector<16xf32>
    %add3A_48 = arith.constant 0 : i32
    %add3A_49 = vector.broadcast %add3A_48 : i32 to vector<16xi32>
    %add3A_50 = arith.addi %iota3A, %add3A_49 : vector<16xi32>
    %jit3A = arith.constant 64 : i32
    %broadcast_in_dim3A_51 = vector.broadcast %jit3A : i32 to vector<16xi32>
    %select_n3A = arith.select %eq3A_47, %add3A_50, %broadcast_in_dim3A_51 : vector<16xi1>, vector<16xi32>
    %reduce_min3A = arith.constant true
    %reduce_min3A_52 = vector.broadcast %reduce_min3A : i1 to vector<16xi1>
    %reduce_min3A_53 = arith.constant -2147483648 : i32
    %reduce_min3A_54 = vector.broadcast %reduce_min3A_53 : i32 to vector<16xi32>
    %reduce_min3A_55 = arith.xori %select_n3A, %reduce_min3A_54 : vector<16xi32>
    %reduce_min3A_56 = tpu.scan <min>, %reduce_min3A_55 masked %reduce_min3A_52 : vector<16xi32>, vector<16xi1> -> vector<16xi32>
    %reduce_min3A_57 = arith.xori %reduce_min3A_56, %reduce_min3A_54 : vector<16xi32>
    %reduce_min3A_58 = vector.extract %reduce_min3A_57[15] : i32 from vector<16xi32>
    %min3A = arith.constant 64 : i32
    %min3A_59 = arith.minsi %min3A, %reduce_min3A_58 : i32
    %eq3A_60 = vector.broadcast %reduce_max3A_46 : f32 to vector<16xf32>
    %eq3A_61 = arith.cmpf oeq, %get3A_9, %eq3A_60 : vector<16xf32>
    %add3A_62 = arith.constant 16 : i32
    %add3A_63 = vector.broadcast %add3A_62 : i32 to vector<16xi32>
    %add3A_64 = arith.addi %iota3A, %add3A_63 : vector<16xi32>
    %jit3A_65 = arith.constant 64 : i32
    %broadcast_in_dim3A_66 = vector.broadcast %jit3A_65 : i32 to vector<16xi32>
    %select_n3A_67 = arith.select %eq3A_61, %add3A_64, %broadcast_in_dim3A_66 : vector<16xi1>, vector<16xi32>
    %reduce_min3A_68 = arith.constant true
    %reduce_min3A_69 = vector.broadcast %reduce_min3A_68 : i1 to vector<16xi1>
    %reduce_min3A_70 = arith.constant -2147483648 : i32
    %reduce_min3A_71 = vector.broadcast %reduce_min3A_70 : i32 to vector<16xi32>
    %reduce_min3A_72 = arith.xori %select_n3A_67, %reduce_min3A_71 : vector<16xi32>
    %reduce_min3A_73 = tpu.scan <min>, %reduce_min3A_72 masked %reduce_min3A_69 : vector<16xi32>, vector<16xi1> -> vector<16xi32>
    %reduce_min3A_74 = arith.xori %reduce_min3A_73, %reduce_min3A_71 : vector<16xi32>
    %reduce_min3A_75 = vector.extract %reduce_min3A_74[15] : i32 from vector<16xi32>
    %min3A_76 = arith.minsi %min3A_59, %reduce_min3A_75 : i32
    %eq3A_77 = vector.broadcast %reduce_max3A_46 : f32 to vector<16xf32>
    %eq3A_78 = arith.cmpf oeq, %get3A_13, %eq3A_77 : vector<16xf32>
    %add3A_79 = arith.constant 32 : i32
    %add3A_80 = vector.broadcast %add3A_79 : i32 to vector<16xi32>
    %add3A_81 = arith.addi %iota3A, %add3A_80 : vector<16xi32>
    %jit3A_82 = arith.constant 64 : i32
    %broadcast_in_dim3A_83 = vector.broadcast %jit3A_82 : i32 to vector<16xi32>
    %select_n3A_84 = arith.select %eq3A_78, %add3A_81, %broadcast_in_dim3A_83 : vector<16xi1>, vector<16xi32>
    %reduce_min3A_85 = arith.constant true
    %reduce_min3A_86 = vector.broadcast %reduce_min3A_85 : i1 to vector<16xi1>
    %reduce_min3A_87 = arith.constant -2147483648 : i32
    %reduce_min3A_88 = vector.broadcast %reduce_min3A_87 : i32 to vector<16xi32>
    %reduce_min3A_89 = arith.xori %select_n3A_84, %reduce_min3A_88 : vector<16xi32>
    %reduce_min3A_90 = tpu.scan <min>, %reduce_min3A_89 masked %reduce_min3A_86 : vector<16xi32>, vector<16xi1> -> vector<16xi32>
    %reduce_min3A_91 = arith.xori %reduce_min3A_90, %reduce_min3A_88 : vector<16xi32>
    %reduce_min3A_92 = vector.extract %reduce_min3A_91[15] : i32 from vector<16xi32>
    %min3A_93 = arith.minsi %min3A_76, %reduce_min3A_92 : i32
    %eq3A_94 = vector.broadcast %reduce_max3A_46 : f32 to vector<16xf32>
    %eq3A_95 = arith.cmpf oeq, %get3A_17, %eq3A_94 : vector<16xf32>
    %add3A_96 = arith.constant 48 : i32
    %add3A_97 = vector.broadcast %add3A_96 : i32 to vector<16xi32>
    %add3A_98 = arith.addi %iota3A, %add3A_97 : vector<16xi32>
    %jit3A_99 = arith.constant 64 : i32
    %broadcast_in_dim3A_100 = vector.broadcast %jit3A_99 : i32 to vector<16xi32>
    %select_n3A_101 = arith.select %eq3A_95, %add3A_98, %broadcast_in_dim3A_100 : vector<16xi1>, vector<16xi32>
    %reduce_min3A_102 = arith.constant true
    %reduce_min3A_103 = vector.broadcast %reduce_min3A_102 : i1 to vector<16xi1>
    %reduce_min3A_104 = arith.constant -2147483648 : i32
    %reduce_min3A_105 = vector.broadcast %reduce_min3A_104 : i32 to vector<16xi32>
    %reduce_min3A_106 = arith.xori %select_n3A_101, %reduce_min3A_105 : vector<16xi32>
    %reduce_min3A_107 = tpu.scan <min>, %reduce_min3A_106 masked %reduce_min3A_103 : vector<16xi32>, vector<16xi1> -> vector<16xi32>
    %reduce_min3A_108 = arith.xori %reduce_min3A_107, %reduce_min3A_105 : vector<16xi32>
    %reduce_min3A_109 = vector.extract %reduce_min3A_108[15] : i32 from vector<16xi32>
    %min3A_110 = arith.minsi %min3A_93, %reduce_min3A_109 : i32
    %add3A_111 = arith.constant 0 : i32
    %add3A_112 = vector.broadcast %add3A_111 : i32 to vector<16xi32>
    %add3A_113 = arith.addi %iota3A, %add3A_112 : vector<16xi32>
    %eq3A_114 = vector.broadcast %min3A_110 : i32 to vector<16xi32>
    %eq3A_115 = arith.cmpi eq, %add3A_113, %eq3A_114 : vector<16xi32>
    %select_n3A_116 = arith.select %eq3A_115, %exp3A, %broadcast_in_dim3A_33 : vector<16xi1>, vector<16xf32>
    %jit3A_117 = arith.constant 0xFF800000 : f32
    %broadcast_in_dim3A_118 = vector.broadcast %jit3A_117 : f32 to vector<16xf32>
    %select_n3A_119 = arith.select %eq3A_115, %broadcast_in_dim3A_118, %get3A_5 : vector<16xi1>, vector<16xf32>
    %add3A_120 = arith.constant 16 : i32
    %add3A_121 = vector.broadcast %add3A_120 : i32 to vector<16xi32>
    %add3A_122 = arith.addi %iota3A, %add3A_121 : vector<16xi32>
    %eq3A_123 = vector.broadcast %min3A_110 : i32 to vector<16xi32>
    %eq3A_124 = arith.cmpi eq, %add3A_122, %eq3A_123 : vector<16xi32>
    %select_n3A_125 = arith.select %eq3A_124, %exp3A_26, %broadcast_in_dim3A_35 : vector<16xi1>, vector<16xf32>
    %jit3A_126 = arith.constant 0xFF800000 : f32
    %broadcast_in_dim3A_127 = vector.broadcast %jit3A_126 : f32 to vector<16xf32>
    %select_n3A_128 = arith.select %eq3A_124, %broadcast_in_dim3A_127, %get3A_9 : vector<16xi1>, vector<16xf32>
    %add3A_129 = arith.constant 32 : i32
    %add3A_130 = vector.broadcast %add3A_129 : i32 to vector<16xi32>
    %add3A_131 = arith.addi %iota3A, %add3A_130 : vector<16xi32>
    %eq3A_132 = vector.broadcast %min3A_110 : i32 to vector<16xi32>
    %eq3A_133 = arith.cmpi eq, %add3A_131, %eq3A_132 : vector<16xi32>
    %select_n3A_134 = arith.select %eq3A_133, %exp3A_29, %broadcast_in_dim3A_37 : vector<16xi1>, vector<16xf32>
    %jit3A_135 = arith.constant 0xFF800000 : f32
    %broadcast_in_dim3A_136 = vector.broadcast %jit3A_135 : f32 to vector<16xf32>
    %select_n3A_137 = arith.select %eq3A_133, %broadcast_in_dim3A_136, %get3A_13 : vector<16xi1>, vector<16xf32>
    %add3A_138 = arith.constant 48 : i32
    %add3A_139 = vector.broadcast %add3A_138 : i32 to vector<16xi32>
    %add3A_140 = arith.addi %iota3A, %add3A_139 : vector<16xi32>
    %eq3A_141 = vector.broadcast %min3A_110 : i32 to vector<16xi32>
    %eq3A_142 = arith.cmpi eq, %add3A_140, %eq3A_141 : vector<16xi32>
    %select_n3A_143 = arith.select %eq3A_142, %exp3A_32, %broadcast_in_dim3A_39 : vector<16xi1>, vector<16xf32>
    %jit3A_144 = arith.constant 0xFF800000 : f32
    %broadcast_in_dim3A_145 = vector.broadcast %jit3A_144 : f32 to vector<16xf32>
    %select_n3A_146 = arith.select %eq3A_142, %broadcast_in_dim3A_145, %get3A_17 : vector<16xi1>, vector<16xf32>
    %max3A_147 = arith.maximumf %select_n3A_119, %select_n3A_128 : vector<16xf32>
    %max3A_148 = arith.maximumf %select_n3A_137, %select_n3A_146 : vector<16xf32>
    %max3A_149 = arith.maximumf %max3A_147, %max3A_148 : vector<16xf32>
    %reduce_max3A_150 = arith.constant true
    %reduce_max3A_151 = vector.broadcast %reduce_max3A_150 : i1 to vector<16xi1>
    %reduce_max3A_152 = tpu.scan <max>, %max3A_149 masked %reduce_max3A_151 : vector<16xf32>, vector<16xi1> -> vector<16xf32>
    %reduce_max3A_153 = vector.extract %reduce_max3A_152[15] : f32 from vector<16xf32>
    %eq3A_154 = vector.broadcast %reduce_max3A_153 : f32 to vector<16xf32>
    %eq3A_155 = arith.cmpf oeq, %select_n3A_119, %eq3A_154 : vector<16xf32>
    %add3A_156 = arith.constant 0 : i32
    %add3A_157 = vector.broadcast %add3A_156 : i32 to vector<16xi32>
    %add3A_158 = arith.addi %iota3A, %add3A_157 : vector<16xi32>
    %jit3A_159 = arith.constant 64 : i32
    %broadcast_in_dim3A_160 = vector.broadcast %jit3A_159 : i32 to vector<16xi32>
    %select_n3A_161 = arith.select %eq3A_155, %add3A_158, %broadcast_in_dim3A_160 : vector<16xi1>, vector<16xi32>
    %reduce_min3A_162 = arith.constant true
    %reduce_min3A_163 = vector.broadcast %reduce_min3A_162 : i1 to vector<16xi1>
    %reduce_min3A_164 = arith.constant -2147483648 : i32
    %reduce_min3A_165 = vector.broadcast %reduce_min3A_164 : i32 to vector<16xi32>
    %reduce_min3A_166 = arith.xori %select_n3A_161, %reduce_min3A_165 : vector<16xi32>
    %reduce_min3A_167 = tpu.scan <min>, %reduce_min3A_166 masked %reduce_min3A_163 : vector<16xi32>, vector<16xi1> -> vector<16xi32>
    %reduce_min3A_168 = arith.xori %reduce_min3A_167, %reduce_min3A_165 : vector<16xi32>
    %reduce_min3A_169 = vector.extract %reduce_min3A_168[15] : i32 from vector<16xi32>
    %min3A_170 = arith.constant 64 : i32
    %min3A_171 = arith.minsi %min3A_170, %reduce_min3A_169 : i32
    %eq3A_172 = vector.broadcast %reduce_max3A_153 : f32 to vector<16xf32>
    %eq3A_173 = arith.cmpf oeq, %select_n3A_128, %eq3A_172 : vector<16xf32>
    %add3A_174 = arith.constant 16 : i32
    %add3A_175 = vector.broadcast %add3A_174 : i32 to vector<16xi32>
    %add3A_176 = arith.addi %iota3A, %add3A_175 : vector<16xi32>
    %jit3A_177 = arith.constant 64 : i32
    %broadcast_in_dim3A_178 = vector.broadcast %jit3A_177 : i32 to vector<16xi32>
    %select_n3A_179 = arith.select %eq3A_173, %add3A_176, %broadcast_in_dim3A_178 : vector<16xi1>, vector<16xi32>
    %reduce_min3A_180 = arith.constant true
    %reduce_min3A_181 = vector.broadcast %reduce_min3A_180 : i1 to vector<16xi1>
    %reduce_min3A_182 = arith.constant -2147483648 : i32
    %reduce_min3A_183 = vector.broadcast %reduce_min3A_182 : i32 to vector<16xi32>
    %reduce_min3A_184 = arith.xori %select_n3A_179, %reduce_min3A_183 : vector<16xi32>
    %reduce_min3A_185 = tpu.scan <min>, %reduce_min3A_184 masked %reduce_min3A_181 : vector<16xi32>, vector<16xi1> -> vector<16xi32>
    %reduce_min3A_186 = arith.xori %reduce_min3A_185, %reduce_min3A_183 : vector<16xi32>
    %reduce_min3A_187 = vector.extract %reduce_min3A_186[15] : i32 from vector<16xi32>
    %min3A_188 = arith.minsi %min3A_171, %reduce_min3A_187 : i32
    %eq3A_189 = vector.broadcast %reduce_max3A_153 : f32 to vector<16xf32>
    %eq3A_190 = arith.cmpf oeq, %select_n3A_137, %eq3A_189 : vector<16xf32>
    %add3A_191 = arith.constant 32 : i32
    %add3A_192 = vector.broadcast %add3A_191 : i32 to vector<16xi32>
    %add3A_193 = arith.addi %iota3A, %add3A_192 : vector<16xi32>
    %jit3A_194 = arith.constant 64 : i32
    %broadcast_in_dim3A_195 = vector.broadcast %jit3A_194 : i32 to vector<16xi32>
    %select_n3A_196 = arith.select %eq3A_190, %add3A_193, %broadcast_in_dim3A_195 : vector<16xi1>, vector<16xi32>
    %reduce_min3A_197 = arith.constant true
    %reduce_min3A_198 = vector.broadcast %reduce_min3A_197 : i1 to vector<16xi1>
    %reduce_min3A_199 = arith.constant -2147483648 : i32
    %reduce_min3A_200 = vector.broadcast %reduce_min3A_199 : i32 to vector<16xi32>
    %reduce_min3A_201 = arith.xori %select_n3A_196, %reduce_min3A_200 : vector<16xi32>
    %reduce_min3A_202 = tpu.scan <min>, %reduce_min3A_201 masked %reduce_min3A_198 : vector<16xi32>, vector<16xi1> -> vector<16xi32>
    %reduce_min3A_203 = arith.xori %reduce_min3A_202, %reduce_min3A_200 : vector<16xi32>
    %reduce_min3A_204 = vector.extract %reduce_min3A_203[15] : i32 from vector<16xi32>
    %min3A_205 = arith.minsi %min3A_188, %reduce_min3A_204 : i32
    %eq3A_206 = vector.broadcast %reduce_max3A_153 : f32 to vector<16xf32>
    %eq3A_207 = arith.cmpf oeq, %select_n3A_146, %eq3A_206 : vector<16xf32>
    %add3A_208 = arith.constant 48 : i32
    %add3A_209 = vector.broadcast %add3A_208 : i32 to vector<16xi32>
    %add3A_210 = arith.addi %iota3A, %add3A_209 : vector<16xi32>
    %jit3A_211 = arith.constant 64 : i32
    %broadcast_in_dim3A_212 = vector.broadcast %jit3A_211 : i32 to vector<16xi32>
    %select_n3A_213 = arith.select %eq3A_207, %add3A_210, %broadcast_in_dim3A_212 : vector<16xi1>, vector<16xi32>
    %reduce_min3A_214 = arith.constant true
    %reduce_min3A_215 = vector.broadcast %reduce_min3A_214 : i1 to vector<16xi1>
    %reduce_min3A_216 = arith.constant -2147483648 : i32
    %reduce_min3A_217 = vector.broadcast %reduce_min3A_216 : i32 to vector<16xi32>
    %reduce_min3A_218 = arith.xori %select_n3A_213, %reduce_min3A_217 : vector<16xi32>
    %reduce_min3A_219 = tpu.scan <min>, %reduce_min3A_218 masked %reduce_min3A_215 : vector<16xi32>, vector<16xi1> -> vector<16xi32>
    %reduce_min3A_220 = arith.xori %reduce_min3A_219, %reduce_min3A_217 : vector<16xi32>
    %reduce_min3A_221 = vector.extract %reduce_min3A_220[15] : i32 from vector<16xi32>
    %min3A_222 = arith.minsi %min3A_205, %reduce_min3A_221 : i32
    %add3A_223 = arith.constant 0 : i32
    %add3A_224 = vector.broadcast %add3A_223 : i32 to vector<16xi32>
    %add3A_225 = arith.addi %iota3A, %add3A_224 : vector<16xi32>
    %eq3A_226 = vector.broadcast %min3A_222 : i32 to vector<16xi32>
    %eq3A_227 = arith.cmpi eq, %add3A_225, %eq3A_226 : vector<16xi32>
    %select_n3A_228 = arith.select %eq3A_227, %exp3A, %select_n3A_116 : vector<16xi1>, vector<16xf32>
    %jit3A_229 = arith.constant 0xFF800000 : f32
    %broadcast_in_dim3A_230 = vector.broadcast %jit3A_229 : f32 to vector<16xf32>
    %select_n3A_231 = arith.select %eq3A_227, %broadcast_in_dim3A_230, %select_n3A_119 : vector<16xi1>, vector<16xf32>
    %add3A_232 = arith.constant 16 : i32
    %add3A_233 = vector.broadcast %add3A_232 : i32 to vector<16xi32>
    %add3A_234 = arith.addi %iota3A, %add3A_233 : vector<16xi32>
    %eq3A_235 = vector.broadcast %min3A_222 : i32 to vector<16xi32>
    %eq3A_236 = arith.cmpi eq, %add3A_234, %eq3A_235 : vector<16xi32>
    %select_n3A_237 = arith.select %eq3A_236, %exp3A_26, %select_n3A_125 : vector<16xi1>, vector<16xf32>
    %jit3A_238 = arith.constant 0xFF800000 : f32
    %broadcast_in_dim3A_239 = vector.broadcast %jit3A_238 : f32 to vector<16xf32>
    %select_n3A_240 = arith.select %eq3A_236, %broadcast_in_dim3A_239, %select_n3A_128 : vector<16xi1>, vector<16xf32>
    %add3A_241 = arith.constant 32 : i32
    %add3A_242 = vector.broadcast %add3A_241 : i32 to vector<16xi32>
    %add3A_243 = arith.addi %iota3A, %add3A_242 : vector<16xi32>
    %eq3A_244 = vector.broadcast %min3A_222 : i32 to vector<16xi32>
    %eq3A_245 = arith.cmpi eq, %add3A_243, %eq3A_244 : vector<16xi32>
    %select_n3A_246 = arith.select %eq3A_245, %exp3A_29, %select_n3A_134 : vector<16xi1>, vector<16xf32>
    %jit3A_247 = arith.constant 0xFF800000 : f32
    %broadcast_in_dim3A_248 = vector.broadcast %jit3A_247 : f32 to vector<16xf32>
    %select_n3A_249 = arith.select %eq3A_245, %broadcast_in_dim3A_248, %select_n3A_137 : vector<16xi1>, vector<16xf32>
    %add3A_250 = arith.constant 48 : i32
    %add3A_251 = vector.broadcast %add3A_250 : i32 to vector<16xi32>
    %add3A_252 = arith.addi %iota3A, %add3A_251 : vector<16xi32>
    %eq3A_253 = vector.broadcast %min3A_222 : i32 to vector<16xi32>
    %eq3A_254 = arith.cmpi eq, %add3A_252, %eq3A_253 : vector<16xi32>
    %select_n3A_255 = arith.select %eq3A_254, %exp3A_32, %select_n3A_143 : vector<16xi1>, vector<16xf32>
    %jit3A_256 = arith.constant 0xFF800000 : f32
    %broadcast_in_dim3A_257 = vector.broadcast %jit3A_256 : f32 to vector<16xf32>
    %select_n3A_258 = arith.select %eq3A_254, %broadcast_in_dim3A_257, %select_n3A_146 : vector<16xi1>, vector<16xf32>
    %max3A_259 = arith.maximumf %select_n3A_231, %select_n3A_240 : vector<16xf32>
    %max3A_260 = arith.maximumf %select_n3A_249, %select_n3A_258 : vector<16xf32>
    %max3A_261 = arith.maximumf %max3A_259, %max3A_260 : vector<16xf32>
    %reduce_max3A_262 = arith.constant true
    %reduce_max3A_263 = vector.broadcast %reduce_max3A_262 : i1 to vector<16xi1>
    %reduce_max3A_264 = tpu.scan <max>, %max3A_261 masked %reduce_max3A_263 : vector<16xf32>, vector<16xi1> -> vector<16xf32>
    %reduce_max3A_265 = vector.extract %reduce_max3A_264[15] : f32 from vector<16xf32>
    %eq3A_266 = vector.broadcast %reduce_max3A_265 : f32 to vector<16xf32>
    %eq3A_267 = arith.cmpf oeq, %select_n3A_231, %eq3A_266 : vector<16xf32>
    %add3A_268 = arith.constant 0 : i32
    %add3A_269 = vector.broadcast %add3A_268 : i32 to vector<16xi32>
    %add3A_270 = arith.addi %iota3A, %add3A_269 : vector<16xi32>
    %jit3A_271 = arith.constant 64 : i32
    %broadcast_in_dim3A_272 = vector.broadcast %jit3A_271 : i32 to vector<16xi32>
    %select_n3A_273 = arith.select %eq3A_267, %add3A_270, %broadcast_in_dim3A_272 : vector<16xi1>, vector<16xi32>
    %reduce_min3A_274 = arith.constant true
    %reduce_min3A_275 = vector.broadcast %reduce_min3A_274 : i1 to vector<16xi1>
    %reduce_min3A_276 = arith.constant -2147483648 : i32
    %reduce_min3A_277 = vector.broadcast %reduce_min3A_276 : i32 to vector<16xi32>
    %reduce_min3A_278 = arith.xori %select_n3A_273, %reduce_min3A_277 : vector<16xi32>
    %reduce_min3A_279 = tpu.scan <min>, %reduce_min3A_278 masked %reduce_min3A_275 : vector<16xi32>, vector<16xi1> -> vector<16xi32>
    %reduce_min3A_280 = arith.xori %reduce_min3A_279, %reduce_min3A_277 : vector<16xi32>
    %reduce_min3A_281 = vector.extract %reduce_min3A_280[15] : i32 from vector<16xi32>
    %min3A_282 = arith.constant 64 : i32
    %min3A_283 = arith.minsi %min3A_282, %reduce_min3A_281 : i32
    %eq3A_284 = vector.broadcast %reduce_max3A_265 : f32 to vector<16xf32>
    %eq3A_285 = arith.cmpf oeq, %select_n3A_240, %eq3A_284 : vector<16xf32>
    %add3A_286 = arith.constant 16 : i32
    %add3A_287 = vector.broadcast %add3A_286 : i32 to vector<16xi32>
    %add3A_288 = arith.addi %iota3A, %add3A_287 : vector<16xi32>
    %jit3A_289 = arith.constant 64 : i32
    %broadcast_in_dim3A_290 = vector.broadcast %jit3A_289 : i32 to vector<16xi32>
    %select_n3A_291 = arith.select %eq3A_285, %add3A_288, %broadcast_in_dim3A_290 : vector<16xi1>, vector<16xi32>
    %reduce_min3A_292 = arith.constant true
    %reduce_min3A_293 = vector.broadcast %reduce_min3A_292 : i1 to vector<16xi1>
    %reduce_min3A_294 = arith.constant -2147483648 : i32
    %reduce_min3A_295 = vector.broadcast %reduce_min3A_294 : i32 to vector<16xi32>
    %reduce_min3A_296 = arith.xori %select_n3A_291, %reduce_min3A_295 : vector<16xi32>
    %reduce_min3A_297 = tpu.scan <min>, %reduce_min3A_296 masked %reduce_min3A_293 : vector<16xi32>, vector<16xi1> -> vector<16xi32>
    %reduce_min3A_298 = arith.xori %reduce_min3A_297, %reduce_min3A_295 : vector<16xi32>
    %reduce_min3A_299 = vector.extract %reduce_min3A_298[15] : i32 from vector<16xi32>
    %min3A_300 = arith.minsi %min3A_283, %reduce_min3A_299 : i32
    %eq3A_301 = vector.broadcast %reduce_max3A_265 : f32 to vector<16xf32>
    %eq3A_302 = arith.cmpf oeq, %select_n3A_249, %eq3A_301 : vector<16xf32>
    %add3A_303 = arith.constant 32 : i32
    %add3A_304 = vector.broadcast %add3A_303 : i32 to vector<16xi32>
    %add3A_305 = arith.addi %iota3A, %add3A_304 : vector<16xi32>
    %jit3A_306 = arith.constant 64 : i32
    %broadcast_in_dim3A_307 = vector.broadcast %jit3A_306 : i32 to vector<16xi32>
    %select_n3A_308 = arith.select %eq3A_302, %add3A_305, %broadcast_in_dim3A_307 : vector<16xi1>, vector<16xi32>
    %reduce_min3A_309 = arith.constant true
    %reduce_min3A_310 = vector.broadcast %reduce_min3A_309 : i1 to vector<16xi1>
    %reduce_min3A_311 = arith.constant -2147483648 : i32
    %reduce_min3A_312 = vector.broadcast %reduce_min3A_311 : i32 to vector<16xi32>
    %reduce_min3A_313 = arith.xori %select_n3A_308, %reduce_min3A_312 : vector<16xi32>
    %reduce_min3A_314 = tpu.scan <min>, %reduce_min3A_313 masked %reduce_min3A_310 : vector<16xi32>, vector<16xi1> -> vector<16xi32>
    %reduce_min3A_315 = arith.xori %reduce_min3A_314, %reduce_min3A_312 : vector<16xi32>
    %reduce_min3A_316 = vector.extract %reduce_min3A_315[15] : i32 from vector<16xi32>
    %min3A_317 = arith.minsi %min3A_300, %reduce_min3A_316 : i32
    %eq3A_318 = vector.broadcast %reduce_max3A_265 : f32 to vector<16xf32>
    %eq3A_319 = arith.cmpf oeq, %select_n3A_258, %eq3A_318 : vector<16xf32>
    %add3A_320 = arith.constant 48 : i32
    %add3A_321 = vector.broadcast %add3A_320 : i32 to vector<16xi32>
    %add3A_322 = arith.addi %iota3A, %add3A_321 : vector<16xi32>
    %jit3A_323 = arith.constant 64 : i32
    %broadcast_in_dim3A_324 = vector.broadcast %jit3A_323 : i32 to vector<16xi32>
    %select_n3A_325 = arith.select %eq3A_319, %add3A_322, %broadcast_in_dim3A_324 : vector<16xi1>, vector<16xi32>
    %reduce_min3A_326 = arith.constant true
    %reduce_min3A_327 = vector.broadcast %reduce_min3A_326 : i1 to vector<16xi1>
    %reduce_min3A_328 = arith.constant -2147483648 : i32
    %reduce_min3A_329 = vector.broadcast %reduce_min3A_328 : i32 to vector<16xi32>
    %reduce_min3A_330 = arith.xori %select_n3A_325, %reduce_min3A_329 : vector<16xi32>
    %reduce_min3A_331 = tpu.scan <min>, %reduce_min3A_330 masked %reduce_min3A_327 : vector<16xi32>, vector<16xi1> -> vector<16xi32>
    %reduce_min3A_332 = arith.xori %reduce_min3A_331, %reduce_min3A_329 : vector<16xi32>
    %reduce_min3A_333 = vector.extract %reduce_min3A_332[15] : i32 from vector<16xi32>
    %min3A_334 = arith.minsi %min3A_317, %reduce_min3A_333 : i32
    %add3A_335 = arith.constant 0 : i32
    %add3A_336 = vector.broadcast %add3A_335 : i32 to vector<16xi32>
    %add3A_337 = arith.addi %iota3A, %add3A_336 : vector<16xi32>
    %eq3A_338 = vector.broadcast %min3A_334 : i32 to vector<16xi32>
    %eq3A_339 = arith.cmpi eq, %add3A_337, %eq3A_338 : vector<16xi32>
    %select_n3A_340 = arith.select %eq3A_339, %exp3A, %select_n3A_228 : vector<16xi1>, vector<16xf32>
    %jit3A_341 = arith.constant 0xFF800000 : f32
    %broadcast_in_dim3A_342 = vector.broadcast %jit3A_341 : f32 to vector<16xf32>
    %select_n3A_343 = arith.select %eq3A_339, %broadcast_in_dim3A_342, %select_n3A_231 : vector<16xi1>, vector<16xf32>
    %add3A_344 = arith.constant 16 : i32
    %add3A_345 = vector.broadcast %add3A_344 : i32 to vector<16xi32>
    %add3A_346 = arith.addi %iota3A, %add3A_345 : vector<16xi32>
    %eq3A_347 = vector.broadcast %min3A_334 : i32 to vector<16xi32>
    %eq3A_348 = arith.cmpi eq, %add3A_346, %eq3A_347 : vector<16xi32>
    %select_n3A_349 = arith.select %eq3A_348, %exp3A_26, %select_n3A_237 : vector<16xi1>, vector<16xf32>
    %jit3A_350 = arith.constant 0xFF800000 : f32
    %broadcast_in_dim3A_351 = vector.broadcast %jit3A_350 : f32 to vector<16xf32>
    %select_n3A_352 = arith.select %eq3A_348, %broadcast_in_dim3A_351, %select_n3A_240 : vector<16xi1>, vector<16xf32>
    %add3A_353 = arith.constant 32 : i32
    %add3A_354 = vector.broadcast %add3A_353 : i32 to vector<16xi32>
    %add3A_355 = arith.addi %iota3A, %add3A_354 : vector<16xi32>
    %eq3A_356 = vector.broadcast %min3A_334 : i32 to vector<16xi32>
    %eq3A_357 = arith.cmpi eq, %add3A_355, %eq3A_356 : vector<16xi32>
    %select_n3A_358 = arith.select %eq3A_357, %exp3A_29, %select_n3A_246 : vector<16xi1>, vector<16xf32>
    %jit3A_359 = arith.constant 0xFF800000 : f32
    %broadcast_in_dim3A_360 = vector.broadcast %jit3A_359 : f32 to vector<16xf32>
    %select_n3A_361 = arith.select %eq3A_357, %broadcast_in_dim3A_360, %select_n3A_249 : vector<16xi1>, vector<16xf32>
    %add3A_362 = arith.constant 48 : i32
    %add3A_363 = vector.broadcast %add3A_362 : i32 to vector<16xi32>
    %add3A_364 = arith.addi %iota3A, %add3A_363 : vector<16xi32>
    %eq3A_365 = vector.broadcast %min3A_334 : i32 to vector<16xi32>
    %eq3A_366 = arith.cmpi eq, %add3A_364, %eq3A_365 : vector<16xi32>
    %select_n3A_367 = arith.select %eq3A_366, %exp3A_32, %select_n3A_255 : vector<16xi1>, vector<16xf32>
    %jit3A_368 = arith.constant 0xFF800000 : f32
    %broadcast_in_dim3A_369 = vector.broadcast %jit3A_368 : f32 to vector<16xf32>
    %select_n3A_370 = arith.select %eq3A_366, %broadcast_in_dim3A_369, %select_n3A_258 : vector<16xi1>, vector<16xf32>
    %max3A_371 = arith.maximumf %select_n3A_343, %select_n3A_352 : vector<16xf32>
    %max3A_372 = arith.maximumf %select_n3A_361, %select_n3A_370 : vector<16xf32>
    %max3A_373 = arith.maximumf %max3A_371, %max3A_372 : vector<16xf32>
    %reduce_max3A_374 = arith.constant true
    %reduce_max3A_375 = vector.broadcast %reduce_max3A_374 : i1 to vector<16xi1>
    %reduce_max3A_376 = tpu.scan <max>, %max3A_373 masked %reduce_max3A_375 : vector<16xf32>, vector<16xi1> -> vector<16xf32>
    %reduce_max3A_377 = vector.extract %reduce_max3A_376[15] : f32 from vector<16xf32>
    %eq3A_378 = vector.broadcast %reduce_max3A_377 : f32 to vector<16xf32>
    %eq3A_379 = arith.cmpf oeq, %select_n3A_343, %eq3A_378 : vector<16xf32>
    %add3A_380 = arith.constant 0 : i32
    %add3A_381 = vector.broadcast %add3A_380 : i32 to vector<16xi32>
    %add3A_382 = arith.addi %iota3A, %add3A_381 : vector<16xi32>
    %jit3A_383 = arith.constant 64 : i32
    %broadcast_in_dim3A_384 = vector.broadcast %jit3A_383 : i32 to vector<16xi32>
    %select_n3A_385 = arith.select %eq3A_379, %add3A_382, %broadcast_in_dim3A_384 : vector<16xi1>, vector<16xi32>
    %reduce_min3A_386 = arith.constant true
    %reduce_min3A_387 = vector.broadcast %reduce_min3A_386 : i1 to vector<16xi1>
    %reduce_min3A_388 = arith.constant -2147483648 : i32
    %reduce_min3A_389 = vector.broadcast %reduce_min3A_388 : i32 to vector<16xi32>
    %reduce_min3A_390 = arith.xori %select_n3A_385, %reduce_min3A_389 : vector<16xi32>
    %reduce_min3A_391 = tpu.scan <min>, %reduce_min3A_390 masked %reduce_min3A_387 : vector<16xi32>, vector<16xi1> -> vector<16xi32>
    %reduce_min3A_392 = arith.xori %reduce_min3A_391, %reduce_min3A_389 : vector<16xi32>
    %reduce_min3A_393 = vector.extract %reduce_min3A_392[15] : i32 from vector<16xi32>
    %min3A_394 = arith.constant 64 : i32
    %min3A_395 = arith.minsi %min3A_394, %reduce_min3A_393 : i32
    %eq3A_396 = vector.broadcast %reduce_max3A_377 : f32 to vector<16xf32>
    %eq3A_397 = arith.cmpf oeq, %select_n3A_352, %eq3A_396 : vector<16xf32>
    %add3A_398 = arith.constant 16 : i32
    %add3A_399 = vector.broadcast %add3A_398 : i32 to vector<16xi32>
    %add3A_400 = arith.addi %iota3A, %add3A_399 : vector<16xi32>
    %jit3A_401 = arith.constant 64 : i32
    %broadcast_in_dim3A_402 = vector.broadcast %jit3A_401 : i32 to vector<16xi32>
    %select_n3A_403 = arith.select %eq3A_397, %add3A_400, %broadcast_in_dim3A_402 : vector<16xi1>, vector<16xi32>
    %reduce_min3A_404 = arith.constant true
    %reduce_min3A_405 = vector.broadcast %reduce_min3A_404 : i1 to vector<16xi1>
    %reduce_min3A_406 = arith.constant -2147483648 : i32
    %reduce_min3A_407 = vector.broadcast %reduce_min3A_406 : i32 to vector<16xi32>
    %reduce_min3A_408 = arith.xori %select_n3A_403, %reduce_min3A_407 : vector<16xi32>
    %reduce_min3A_409 = tpu.scan <min>, %reduce_min3A_408 masked %reduce_min3A_405 : vector<16xi32>, vector<16xi1> -> vector<16xi32>
    %reduce_min3A_410 = arith.xori %reduce_min3A_409, %reduce_min3A_407 : vector<16xi32>
    %reduce_min3A_411 = vector.extract %reduce_min3A_410[15] : i32 from vector<16xi32>
    %min3A_412 = arith.minsi %min3A_395, %reduce_min3A_411 : i32
    %eq3A_413 = vector.broadcast %reduce_max3A_377 : f32 to vector<16xf32>
    %eq3A_414 = arith.cmpf oeq, %select_n3A_361, %eq3A_413 : vector<16xf32>
    %add3A_415 = arith.constant 32 : i32
    %add3A_416 = vector.broadcast %add3A_415 : i32 to vector<16xi32>
    %add3A_417 = arith.addi %iota3A, %add3A_416 : vector<16xi32>
    %jit3A_418 = arith.constant 64 : i32
    %broadcast_in_dim3A_419 = vector.broadcast %jit3A_418 : i32 to vector<16xi32>
    %select_n3A_420 = arith.select %eq3A_414, %add3A_417, %broadcast_in_dim3A_419 : vector<16xi1>, vector<16xi32>
    %reduce_min3A_421 = arith.constant true
    %reduce_min3A_422 = vector.broadcast %reduce_min3A_421 : i1 to vector<16xi1>
    %reduce_min3A_423 = arith.constant -2147483648 : i32
    %reduce_min3A_424 = vector.broadcast %reduce_min3A_423 : i32 to vector<16xi32>
    %reduce_min3A_425 = arith.xori %select_n3A_420, %reduce_min3A_424 : vector<16xi32>
    %reduce_min3A_426 = tpu.scan <min>, %reduce_min3A_425 masked %reduce_min3A_422 : vector<16xi32>, vector<16xi1> -> vector<16xi32>
    %reduce_min3A_427 = arith.xori %reduce_min3A_426, %reduce_min3A_424 : vector<16xi32>
    %reduce_min3A_428 = vector.extract %reduce_min3A_427[15] : i32 from vector<16xi32>
    %min3A_429 = arith.minsi %min3A_412, %reduce_min3A_428 : i32
    %eq3A_430 = vector.broadcast %reduce_max3A_377 : f32 to vector<16xf32>
    %eq3A_431 = arith.cmpf oeq, %select_n3A_370, %eq3A_430 : vector<16xf32>
    %add3A_432 = arith.constant 48 : i32
    %add3A_433 = vector.broadcast %add3A_432 : i32 to vector<16xi32>
    %add3A_434 = arith.addi %iota3A, %add3A_433 : vector<16xi32>
    %jit3A_435 = arith.constant 64 : i32
    %broadcast_in_dim3A_436 = vector.broadcast %jit3A_435 : i32 to vector<16xi32>
    %select_n3A_437 = arith.select %eq3A_431, %add3A_434, %broadcast_in_dim3A_436 : vector<16xi1>, vector<16xi32>
    %reduce_min3A_438 = arith.constant true
    %reduce_min3A_439 = vector.broadcast %reduce_min3A_438 : i1 to vector<16xi1>
    %reduce_min3A_440 = arith.constant -2147483648 : i32
    %reduce_min3A_441 = vector.broadcast %reduce_min3A_440 : i32 to vector<16xi32>
    %reduce_min3A_442 = arith.xori %select_n3A_437, %reduce_min3A_441 : vector<16xi32>
    %reduce_min3A_443 = tpu.scan <min>, %reduce_min3A_442 masked %reduce_min3A_439 : vector<16xi32>, vector<16xi1> -> vector<16xi32>
    %reduce_min3A_444 = arith.xori %reduce_min3A_443, %reduce_min3A_441 : vector<16xi32>
    %reduce_min3A_445 = vector.extract %reduce_min3A_444[15] : i32 from vector<16xi32>
    %min3A_446 = arith.minsi %min3A_429, %reduce_min3A_445 : i32
    %add3A_447 = arith.constant 0 : i32
    %add3A_448 = vector.broadcast %add3A_447 : i32 to vector<16xi32>
    %add3A_449 = arith.addi %iota3A, %add3A_448 : vector<16xi32>
    %eq3A_450 = vector.broadcast %min3A_446 : i32 to vector<16xi32>
    %eq3A_451 = arith.cmpi eq, %add3A_449, %eq3A_450 : vector<16xi32>
    %select_n3A_452 = arith.select %eq3A_451, %exp3A, %select_n3A_340 : vector<16xi1>, vector<16xf32>
    %jit3A_453 = arith.constant 0xFF800000 : f32
    %broadcast_in_dim3A_454 = vector.broadcast %jit3A_453 : f32 to vector<16xf32>
    %select_n3A_455 = arith.select %eq3A_451, %broadcast_in_dim3A_454, %select_n3A_343 : vector<16xi1>, vector<16xf32>
    %add3A_456 = arith.constant 16 : i32
    %add3A_457 = vector.broadcast %add3A_456 : i32 to vector<16xi32>
    %add3A_458 = arith.addi %iota3A, %add3A_457 : vector<16xi32>
    %eq3A_459 = vector.broadcast %min3A_446 : i32 to vector<16xi32>
    %eq3A_460 = arith.cmpi eq, %add3A_458, %eq3A_459 : vector<16xi32>
    %select_n3A_461 = arith.select %eq3A_460, %exp3A_26, %select_n3A_349 : vector<16xi1>, vector<16xf32>
    %jit3A_462 = arith.constant 0xFF800000 : f32
    %broadcast_in_dim3A_463 = vector.broadcast %jit3A_462 : f32 to vector<16xf32>
    %select_n3A_464 = arith.select %eq3A_460, %broadcast_in_dim3A_463, %select_n3A_352 : vector<16xi1>, vector<16xf32>
    %add3A_465 = arith.constant 32 : i32
    %add3A_466 = vector.broadcast %add3A_465 : i32 to vector<16xi32>
    %add3A_467 = arith.addi %iota3A, %add3A_466 : vector<16xi32>
    %eq3A_468 = vector.broadcast %min3A_446 : i32 to vector<16xi32>
    %eq3A_469 = arith.cmpi eq, %add3A_467, %eq3A_468 : vector<16xi32>
    %select_n3A_470 = arith.select %eq3A_469, %exp3A_29, %select_n3A_358 : vector<16xi1>, vector<16xf32>
    %jit3A_471 = arith.constant 0xFF800000 : f32
    %broadcast_in_dim3A_472 = vector.broadcast %jit3A_471 : f32 to vector<16xf32>
    %select_n3A_473 = arith.select %eq3A_469, %broadcast_in_dim3A_472, %select_n3A_361 : vector<16xi1>, vector<16xf32>
    %add3A_474 = arith.constant 48 : i32
    %add3A_475 = vector.broadcast %add3A_474 : i32 to vector<16xi32>
    %add3A_476 = arith.addi %iota3A, %add3A_475 : vector<16xi32>
    %eq3A_477 = vector.broadcast %min3A_446 : i32 to vector<16xi32>
    %eq3A_478 = arith.cmpi eq, %add3A_476, %eq3A_477 : vector<16xi32>
    %select_n3A_479 = arith.select %eq3A_478, %exp3A_32, %select_n3A_367 : vector<16xi1>, vector<16xf32>
    %jit3A_480 = arith.constant 0xFF800000 : f32
    %broadcast_in_dim3A_481 = vector.broadcast %jit3A_480 : f32 to vector<16xf32>
    %select_n3A_482 = arith.select %eq3A_478, %broadcast_in_dim3A_481, %select_n3A_370 : vector<16xi1>, vector<16xf32>
    %max3A_483 = arith.maximumf %select_n3A_455, %select_n3A_464 : vector<16xf32>
    %max3A_484 = arith.maximumf %select_n3A_473, %select_n3A_482 : vector<16xf32>
    %max3A_485 = arith.maximumf %max3A_483, %max3A_484 : vector<16xf32>
    %reduce_max3A_486 = arith.constant true
    %reduce_max3A_487 = vector.broadcast %reduce_max3A_486 : i1 to vector<16xi1>
    %reduce_max3A_488 = tpu.scan <max>, %max3A_485 masked %reduce_max3A_487 : vector<16xf32>, vector<16xi1> -> vector<16xf32>
    %reduce_max3A_489 = vector.extract %reduce_max3A_488[15] : f32 from vector<16xf32>
    %eq3A_490 = vector.broadcast %reduce_max3A_489 : f32 to vector<16xf32>
    %eq3A_491 = arith.cmpf oeq, %select_n3A_455, %eq3A_490 : vector<16xf32>
    %add3A_492 = arith.constant 0 : i32
    %add3A_493 = vector.broadcast %add3A_492 : i32 to vector<16xi32>
    %add3A_494 = arith.addi %iota3A, %add3A_493 : vector<16xi32>
    %jit3A_495 = arith.constant 64 : i32
    %broadcast_in_dim3A_496 = vector.broadcast %jit3A_495 : i32 to vector<16xi32>
    %select_n3A_497 = arith.select %eq3A_491, %add3A_494, %broadcast_in_dim3A_496 : vector<16xi1>, vector<16xi32>
    %reduce_min3A_498 = arith.constant true
    %reduce_min3A_499 = vector.broadcast %reduce_min3A_498 : i1 to vector<16xi1>
    %reduce_min3A_500 = arith.constant -2147483648 : i32
    %reduce_min3A_501 = vector.broadcast %reduce_min3A_500 : i32 to vector<16xi32>
    %reduce_min3A_502 = arith.xori %select_n3A_497, %reduce_min3A_501 : vector<16xi32>
    %reduce_min3A_503 = tpu.scan <min>, %reduce_min3A_502 masked %reduce_min3A_499 : vector<16xi32>, vector<16xi1> -> vector<16xi32>
    %reduce_min3A_504 = arith.xori %reduce_min3A_503, %reduce_min3A_501 : vector<16xi32>
    %reduce_min3A_505 = vector.extract %reduce_min3A_504[15] : i32 from vector<16xi32>
    %min3A_506 = arith.constant 64 : i32
    %min3A_507 = arith.minsi %min3A_506, %reduce_min3A_505 : i32
    %eq3A_508 = vector.broadcast %reduce_max3A_489 : f32 to vector<16xf32>
    %eq3A_509 = arith.cmpf oeq, %select_n3A_464, %eq3A_508 : vector<16xf32>
    %add3A_510 = arith.constant 16 : i32
    %add3A_511 = vector.broadcast %add3A_510 : i32 to vector<16xi32>
    %add3A_512 = arith.addi %iota3A, %add3A_511 : vector<16xi32>
    %jit3A_513 = arith.constant 64 : i32
    %broadcast_in_dim3A_514 = vector.broadcast %jit3A_513 : i32 to vector<16xi32>
    %select_n3A_515 = arith.select %eq3A_509, %add3A_512, %broadcast_in_dim3A_514 : vector<16xi1>, vector<16xi32>
    %reduce_min3A_516 = arith.constant true
    %reduce_min3A_517 = vector.broadcast %reduce_min3A_516 : i1 to vector<16xi1>
    %reduce_min3A_518 = arith.constant -2147483648 : i32
    %reduce_min3A_519 = vector.broadcast %reduce_min3A_518 : i32 to vector<16xi32>
    %reduce_min3A_520 = arith.xori %select_n3A_515, %reduce_min3A_519 : vector<16xi32>
    %reduce_min3A_521 = tpu.scan <min>, %reduce_min3A_520 masked %reduce_min3A_517 : vector<16xi32>, vector<16xi1> -> vector<16xi32>
    %reduce_min3A_522 = arith.xori %reduce_min3A_521, %reduce_min3A_519 : vector<16xi32>
    %reduce_min3A_523 = vector.extract %reduce_min3A_522[15] : i32 from vector<16xi32>
    %min3A_524 = arith.minsi %min3A_507, %reduce_min3A_523 : i32
    %eq3A_525 = vector.broadcast %reduce_max3A_489 : f32 to vector<16xf32>
    %eq3A_526 = arith.cmpf oeq, %select_n3A_473, %eq3A_525 : vector<16xf32>
    %add3A_527 = arith.constant 32 : i32
    %add3A_528 = vector.broadcast %add3A_527 : i32 to vector<16xi32>
    %add3A_529 = arith.addi %iota3A, %add3A_528 : vector<16xi32>
    %jit3A_530 = arith.constant 64 : i32
    %broadcast_in_dim3A_531 = vector.broadcast %jit3A_530 : i32 to vector<16xi32>
    %select_n3A_532 = arith.select %eq3A_526, %add3A_529, %broadcast_in_dim3A_531 : vector<16xi1>, vector<16xi32>
    %reduce_min3A_533 = arith.constant true
    %reduce_min3A_534 = vector.broadcast %reduce_min3A_533 : i1 to vector<16xi1>
    %reduce_min3A_535 = arith.constant -2147483648 : i32
    %reduce_min3A_536 = vector.broadcast %reduce_min3A_535 : i32 to vector<16xi32>
    %reduce_min3A_537 = arith.xori %select_n3A_532, %reduce_min3A_536 : vector<16xi32>
    %reduce_min3A_538 = tpu.scan <min>, %reduce_min3A_537 masked %reduce_min3A_534 : vector<16xi32>, vector<16xi1> -> vector<16xi32>
    %reduce_min3A_539 = arith.xori %reduce_min3A_538, %reduce_min3A_536 : vector<16xi32>
    %reduce_min3A_540 = vector.extract %reduce_min3A_539[15] : i32 from vector<16xi32>
    %min3A_541 = arith.minsi %min3A_524, %reduce_min3A_540 : i32
    %eq3A_542 = vector.broadcast %reduce_max3A_489 : f32 to vector<16xf32>
    %eq3A_543 = arith.cmpf oeq, %select_n3A_482, %eq3A_542 : vector<16xf32>
    %add3A_544 = arith.constant 48 : i32
    %add3A_545 = vector.broadcast %add3A_544 : i32 to vector<16xi32>
    %add3A_546 = arith.addi %iota3A, %add3A_545 : vector<16xi32>
    %jit3A_547 = arith.constant 64 : i32
    %broadcast_in_dim3A_548 = vector.broadcast %jit3A_547 : i32 to vector<16xi32>
    %select_n3A_549 = arith.select %eq3A_543, %add3A_546, %broadcast_in_dim3A_548 : vector<16xi1>, vector<16xi32>
    %reduce_min3A_550 = arith.constant true
    %reduce_min3A_551 = vector.broadcast %reduce_min3A_550 : i1 to vector<16xi1>
    %reduce_min3A_552 = arith.constant -2147483648 : i32
    %reduce_min3A_553 = vector.broadcast %reduce_min3A_552 : i32 to vector<16xi32>
    %reduce_min3A_554 = arith.xori %select_n3A_549, %reduce_min3A_553 : vector<16xi32>
    %reduce_min3A_555 = tpu.scan <min>, %reduce_min3A_554 masked %reduce_min3A_551 : vector<16xi32>, vector<16xi1> -> vector<16xi32>
    %reduce_min3A_556 = arith.xori %reduce_min3A_555, %reduce_min3A_553 : vector<16xi32>
    %reduce_min3A_557 = vector.extract %reduce_min3A_556[15] : i32 from vector<16xi32>
    %min3A_558 = arith.minsi %min3A_541, %reduce_min3A_557 : i32
    %add3A_559 = arith.constant 0 : i32
    %add3A_560 = vector.broadcast %add3A_559 : i32 to vector<16xi32>
    %add3A_561 = arith.addi %iota3A, %add3A_560 : vector<16xi32>
    %eq3A_562 = vector.broadcast %min3A_558 : i32 to vector<16xi32>
    %eq3A_563 = arith.cmpi eq, %add3A_561, %eq3A_562 : vector<16xi32>
    %select_n3A_564 = arith.select %eq3A_563, %exp3A, %select_n3A_452 : vector<16xi1>, vector<16xf32>
    %jit3A_565 = arith.constant 0xFF800000 : f32
    %broadcast_in_dim3A_566 = vector.broadcast %jit3A_565 : f32 to vector<16xf32>
    %select_n3A_567 = arith.select %eq3A_563, %broadcast_in_dim3A_566, %select_n3A_455 : vector<16xi1>, vector<16xf32>
    %add3A_568 = arith.constant 16 : i32
    %add3A_569 = vector.broadcast %add3A_568 : i32 to vector<16xi32>
    %add3A_570 = arith.addi %iota3A, %add3A_569 : vector<16xi32>
    %eq3A_571 = vector.broadcast %min3A_558 : i32 to vector<16xi32>
    %eq3A_572 = arith.cmpi eq, %add3A_570, %eq3A_571 : vector<16xi32>
    %select_n3A_573 = arith.select %eq3A_572, %exp3A_26, %select_n3A_461 : vector<16xi1>, vector<16xf32>
    %jit3A_574 = arith.constant 0xFF800000 : f32
    %broadcast_in_dim3A_575 = vector.broadcast %jit3A_574 : f32 to vector<16xf32>
    %select_n3A_576 = arith.select %eq3A_572, %broadcast_in_dim3A_575, %select_n3A_464 : vector<16xi1>, vector<16xf32>
    %add3A_577 = arith.constant 32 : i32
    %add3A_578 = vector.broadcast %add3A_577 : i32 to vector<16xi32>
    %add3A_579 = arith.addi %iota3A, %add3A_578 : vector<16xi32>
    %eq3A_580 = vector.broadcast %min3A_558 : i32 to vector<16xi32>
    %eq3A_581 = arith.cmpi eq, %add3A_579, %eq3A_580 : vector<16xi32>
    %select_n3A_582 = arith.select %eq3A_581, %exp3A_29, %select_n3A_470 : vector<16xi1>, vector<16xf32>
    %jit3A_583 = arith.constant 0xFF800000 : f32
    %broadcast_in_dim3A_584 = vector.broadcast %jit3A_583 : f32 to vector<16xf32>
    %select_n3A_585 = arith.select %eq3A_581, %broadcast_in_dim3A_584, %select_n3A_473 : vector<16xi1>, vector<16xf32>
    %add3A_586 = arith.constant 48 : i32
    %add3A_587 = vector.broadcast %add3A_586 : i32 to vector<16xi32>
    %add3A_588 = arith.addi %iota3A, %add3A_587 : vector<16xi32>
    %eq3A_589 = vector.broadcast %min3A_558 : i32 to vector<16xi32>
    %eq3A_590 = arith.cmpi eq, %add3A_588, %eq3A_589 : vector<16xi32>
    %select_n3A_591 = arith.select %eq3A_590, %exp3A_32, %select_n3A_479 : vector<16xi1>, vector<16xf32>
    %jit3A_592 = arith.constant 0xFF800000 : f32
    %broadcast_in_dim3A_593 = vector.broadcast %jit3A_592 : f32 to vector<16xf32>
    %select_n3A_594 = arith.select %eq3A_590, %broadcast_in_dim3A_593, %select_n3A_482 : vector<16xi1>, vector<16xf32>
    %max3A_595 = arith.maximumf %select_n3A_567, %select_n3A_576 : vector<16xf32>
    %max3A_596 = arith.maximumf %select_n3A_585, %select_n3A_594 : vector<16xf32>
    %max3A_597 = arith.maximumf %max3A_595, %max3A_596 : vector<16xf32>
    %reduce_max3A_598 = arith.constant true
    %reduce_max3A_599 = vector.broadcast %reduce_max3A_598 : i1 to vector<16xi1>
    %reduce_max3A_600 = tpu.scan <max>, %max3A_597 masked %reduce_max3A_599 : vector<16xf32>, vector<16xi1> -> vector<16xf32>
    %reduce_max3A_601 = vector.extract %reduce_max3A_600[15] : f32 from vector<16xf32>
    %eq3A_602 = vector.broadcast %reduce_max3A_601 : f32 to vector<16xf32>
    %eq3A_603 = arith.cmpf oeq, %select_n3A_567, %eq3A_602 : vector<16xf32>
    %add3A_604 = arith.constant 0 : i32
    %add3A_605 = vector.broadcast %add3A_604 : i32 to vector<16xi32>
    %add3A_606 = arith.addi %iota3A, %add3A_605 : vector<16xi32>
    %jit3A_607 = arith.constant 64 : i32
    %broadcast_in_dim3A_608 = vector.broadcast %jit3A_607 : i32 to vector<16xi32>
    %select_n3A_609 = arith.select %eq3A_603, %add3A_606, %broadcast_in_dim3A_608 : vector<16xi1>, vector<16xi32>
    %reduce_min3A_610 = arith.constant true
    %reduce_min3A_611 = vector.broadcast %reduce_min3A_610 : i1 to vector<16xi1>
    %reduce_min3A_612 = arith.constant -2147483648 : i32
    %reduce_min3A_613 = vector.broadcast %reduce_min3A_612 : i32 to vector<16xi32>
    %reduce_min3A_614 = arith.xori %select_n3A_609, %reduce_min3A_613 : vector<16xi32>
    %reduce_min3A_615 = tpu.scan <min>, %reduce_min3A_614 masked %reduce_min3A_611 : vector<16xi32>, vector<16xi1> -> vector<16xi32>
    %reduce_min3A_616 = arith.xori %reduce_min3A_615, %reduce_min3A_613 : vector<16xi32>
    %reduce_min3A_617 = vector.extract %reduce_min3A_616[15] : i32 from vector<16xi32>
    %min3A_618 = arith.constant 64 : i32
    %min3A_619 = arith.minsi %min3A_618, %reduce_min3A_617 : i32
    %eq3A_620 = vector.broadcast %reduce_max3A_601 : f32 to vector<16xf32>
    %eq3A_621 = arith.cmpf oeq, %select_n3A_576, %eq3A_620 : vector<16xf32>
    %add3A_622 = arith.constant 16 : i32
    %add3A_623 = vector.broadcast %add3A_622 : i32 to vector<16xi32>
    %add3A_624 = arith.addi %iota3A, %add3A_623 : vector<16xi32>
    %jit3A_625 = arith.constant 64 : i32
    %broadcast_in_dim3A_626 = vector.broadcast %jit3A_625 : i32 to vector<16xi32>
    %select_n3A_627 = arith.select %eq3A_621, %add3A_624, %broadcast_in_dim3A_626 : vector<16xi1>, vector<16xi32>
    %reduce_min3A_628 = arith.constant true
    %reduce_min3A_629 = vector.broadcast %reduce_min3A_628 : i1 to vector<16xi1>
    %reduce_min3A_630 = arith.constant -2147483648 : i32
    %reduce_min3A_631 = vector.broadcast %reduce_min3A_630 : i32 to vector<16xi32>
    %reduce_min3A_632 = arith.xori %select_n3A_627, %reduce_min3A_631 : vector<16xi32>
    %reduce_min3A_633 = tpu.scan <min>, %reduce_min3A_632 masked %reduce_min3A_629 : vector<16xi32>, vector<16xi1> -> vector<16xi32>
    %reduce_min3A_634 = arith.xori %reduce_min3A_633, %reduce_min3A_631 : vector<16xi32>
    %reduce_min3A_635 = vector.extract %reduce_min3A_634[15] : i32 from vector<16xi32>
    %min3A_636 = arith.minsi %min3A_619, %reduce_min3A_635 : i32
    %eq3A_637 = vector.broadcast %reduce_max3A_601 : f32 to vector<16xf32>
    %eq3A_638 = arith.cmpf oeq, %select_n3A_585, %eq3A_637 : vector<16xf32>
    %add3A_639 = arith.constant 32 : i32
    %add3A_640 = vector.broadcast %add3A_639 : i32 to vector<16xi32>
    %add3A_641 = arith.addi %iota3A, %add3A_640 : vector<16xi32>
    %jit3A_642 = arith.constant 64 : i32
    %broadcast_in_dim3A_643 = vector.broadcast %jit3A_642 : i32 to vector<16xi32>
    %select_n3A_644 = arith.select %eq3A_638, %add3A_641, %broadcast_in_dim3A_643 : vector<16xi1>, vector<16xi32>
    %reduce_min3A_645 = arith.constant true
    %reduce_min3A_646 = vector.broadcast %reduce_min3A_645 : i1 to vector<16xi1>
    %reduce_min3A_647 = arith.constant -2147483648 : i32
    %reduce_min3A_648 = vector.broadcast %reduce_min3A_647 : i32 to vector<16xi32>
    %reduce_min3A_649 = arith.xori %select_n3A_644, %reduce_min3A_648 : vector<16xi32>
    %reduce_min3A_650 = tpu.scan <min>, %reduce_min3A_649 masked %reduce_min3A_646 : vector<16xi32>, vector<16xi1> -> vector<16xi32>
    %reduce_min3A_651 = arith.xori %reduce_min3A_650, %reduce_min3A_648 : vector<16xi32>
    %reduce_min3A_652 = vector.extract %reduce_min3A_651[15] : i32 from vector<16xi32>
    %min3A_653 = arith.minsi %min3A_636, %reduce_min3A_652 : i32
    %eq3A_654 = vector.broadcast %reduce_max3A_601 : f32 to vector<16xf32>
    %eq3A_655 = arith.cmpf oeq, %select_n3A_594, %eq3A_654 : vector<16xf32>
    %add3A_656 = arith.constant 48 : i32
    %add3A_657 = vector.broadcast %add3A_656 : i32 to vector<16xi32>
    %add3A_658 = arith.addi %iota3A, %add3A_657 : vector<16xi32>
    %jit3A_659 = arith.constant 64 : i32
    %broadcast_in_dim3A_660 = vector.broadcast %jit3A_659 : i32 to vector<16xi32>
    %select_n3A_661 = arith.select %eq3A_655, %add3A_658, %broadcast_in_dim3A_660 : vector<16xi1>, vector<16xi32>
    %reduce_min3A_662 = arith.constant true
    %reduce_min3A_663 = vector.broadcast %reduce_min3A_662 : i1 to vector<16xi1>
    %reduce_min3A_664 = arith.constant -2147483648 : i32
    %reduce_min3A_665 = vector.broadcast %reduce_min3A_664 : i32 to vector<16xi32>
    %reduce_min3A_666 = arith.xori %select_n3A_661, %reduce_min3A_665 : vector<16xi32>
    %reduce_min3A_667 = tpu.scan <min>, %reduce_min3A_666 masked %reduce_min3A_663 : vector<16xi32>, vector<16xi1> -> vector<16xi32>
    %reduce_min3A_668 = arith.xori %reduce_min3A_667, %reduce_min3A_665 : vector<16xi32>
    %reduce_min3A_669 = vector.extract %reduce_min3A_668[15] : i32 from vector<16xi32>
    %min3A_670 = arith.minsi %min3A_653, %reduce_min3A_669 : i32
    %add3A_671 = arith.constant 0 : i32
    %add3A_672 = vector.broadcast %add3A_671 : i32 to vector<16xi32>
    %add3A_673 = arith.addi %iota3A, %add3A_672 : vector<16xi32>
    %eq3A_674 = vector.broadcast %min3A_670 : i32 to vector<16xi32>
    %eq3A_675 = arith.cmpi eq, %add3A_673, %eq3A_674 : vector<16xi32>
    %select_n3A_676 = arith.select %eq3A_675, %exp3A, %select_n3A_564 : vector<16xi1>, vector<16xf32>
    %jit3A_677 = arith.constant 0xFF800000 : f32
    %broadcast_in_dim3A_678 = vector.broadcast %jit3A_677 : f32 to vector<16xf32>
    %select_n3A_679 = arith.select %eq3A_675, %broadcast_in_dim3A_678, %select_n3A_567 : vector<16xi1>, vector<16xf32>
    %add3A_680 = arith.constant 16 : i32
    %add3A_681 = vector.broadcast %add3A_680 : i32 to vector<16xi32>
    %add3A_682 = arith.addi %iota3A, %add3A_681 : vector<16xi32>
    %eq3A_683 = vector.broadcast %min3A_670 : i32 to vector<16xi32>
    %eq3A_684 = arith.cmpi eq, %add3A_682, %eq3A_683 : vector<16xi32>
    %select_n3A_685 = arith.select %eq3A_684, %exp3A_26, %select_n3A_573 : vector<16xi1>, vector<16xf32>
    %jit3A_686 = arith.constant 0xFF800000 : f32
    %broadcast_in_dim3A_687 = vector.broadcast %jit3A_686 : f32 to vector<16xf32>
    %select_n3A_688 = arith.select %eq3A_684, %broadcast_in_dim3A_687, %select_n3A_576 : vector<16xi1>, vector<16xf32>
    %add3A_689 = arith.constant 32 : i32
    %add3A_690 = vector.broadcast %add3A_689 : i32 to vector<16xi32>
    %add3A_691 = arith.addi %iota3A, %add3A_690 : vector<16xi32>
    %eq3A_692 = vector.broadcast %min3A_670 : i32 to vector<16xi32>
    %eq3A_693 = arith.cmpi eq, %add3A_691, %eq3A_692 : vector<16xi32>
    %select_n3A_694 = arith.select %eq3A_693, %exp3A_29, %select_n3A_582 : vector<16xi1>, vector<16xf32>
    %jit3A_695 = arith.constant 0xFF800000 : f32
    %broadcast_in_dim3A_696 = vector.broadcast %jit3A_695 : f32 to vector<16xf32>
    %select_n3A_697 = arith.select %eq3A_693, %broadcast_in_dim3A_696, %select_n3A_585 : vector<16xi1>, vector<16xf32>
    %add3A_698 = arith.constant 48 : i32
    %add3A_699 = vector.broadcast %add3A_698 : i32 to vector<16xi32>
    %add3A_700 = arith.addi %iota3A, %add3A_699 : vector<16xi32>
    %eq3A_701 = vector.broadcast %min3A_670 : i32 to vector<16xi32>
    %eq3A_702 = arith.cmpi eq, %add3A_700, %eq3A_701 : vector<16xi32>
    %select_n3A_703 = arith.select %eq3A_702, %exp3A_32, %select_n3A_591 : vector<16xi1>, vector<16xf32>
    %jit3A_704 = arith.constant 0xFF800000 : f32
    %broadcast_in_dim3A_705 = vector.broadcast %jit3A_704 : f32 to vector<16xf32>
    %select_n3A_706 = arith.select %eq3A_702, %broadcast_in_dim3A_705, %select_n3A_594 : vector<16xi1>, vector<16xf32>
    %max3A_707 = arith.maximumf %select_n3A_679, %select_n3A_688 : vector<16xf32>
    %max3A_708 = arith.maximumf %select_n3A_697, %select_n3A_706 : vector<16xf32>
    %max3A_709 = arith.maximumf %max3A_707, %max3A_708 : vector<16xf32>
    %reduce_max3A_710 = arith.constant true
    %reduce_max3A_711 = vector.broadcast %reduce_max3A_710 : i1 to vector<16xi1>
    %reduce_max3A_712 = tpu.scan <max>, %max3A_709 masked %reduce_max3A_711 : vector<16xf32>, vector<16xi1> -> vector<16xf32>
    %reduce_max3A_713 = vector.extract %reduce_max3A_712[15] : f32 from vector<16xf32>
    %eq3A_714 = vector.broadcast %reduce_max3A_713 : f32 to vector<16xf32>
    %eq3A_715 = arith.cmpf oeq, %select_n3A_679, %eq3A_714 : vector<16xf32>
    %add3A_716 = arith.constant 0 : i32
    %add3A_717 = vector.broadcast %add3A_716 : i32 to vector<16xi32>
    %add3A_718 = arith.addi %iota3A, %add3A_717 : vector<16xi32>
    %jit3A_719 = arith.constant 64 : i32
    %broadcast_in_dim3A_720 = vector.broadcast %jit3A_719 : i32 to vector<16xi32>
    %select_n3A_721 = arith.select %eq3A_715, %add3A_718, %broadcast_in_dim3A_720 : vector<16xi1>, vector<16xi32>
    %reduce_min3A_722 = arith.constant true
    %reduce_min3A_723 = vector.broadcast %reduce_min3A_722 : i1 to vector<16xi1>
    %reduce_min3A_724 = arith.constant -2147483648 : i32
    %reduce_min3A_725 = vector.broadcast %reduce_min3A_724 : i32 to vector<16xi32>
    %reduce_min3A_726 = arith.xori %select_n3A_721, %reduce_min3A_725 : vector<16xi32>
    %reduce_min3A_727 = tpu.scan <min>, %reduce_min3A_726 masked %reduce_min3A_723 : vector<16xi32>, vector<16xi1> -> vector<16xi32>
    %reduce_min3A_728 = arith.xori %reduce_min3A_727, %reduce_min3A_725 : vector<16xi32>
    %reduce_min3A_729 = vector.extract %reduce_min3A_728[15] : i32 from vector<16xi32>
    %min3A_730 = arith.constant 64 : i32
    %min3A_731 = arith.minsi %min3A_730, %reduce_min3A_729 : i32
    %eq3A_732 = vector.broadcast %reduce_max3A_713 : f32 to vector<16xf32>
    %eq3A_733 = arith.cmpf oeq, %select_n3A_688, %eq3A_732 : vector<16xf32>
    %add3A_734 = arith.constant 16 : i32
    %add3A_735 = vector.broadcast %add3A_734 : i32 to vector<16xi32>
    %add3A_736 = arith.addi %iota3A, %add3A_735 : vector<16xi32>
    %jit3A_737 = arith.constant 64 : i32
    %broadcast_in_dim3A_738 = vector.broadcast %jit3A_737 : i32 to vector<16xi32>
    %select_n3A_739 = arith.select %eq3A_733, %add3A_736, %broadcast_in_dim3A_738 : vector<16xi1>, vector<16xi32>
    %reduce_min3A_740 = arith.constant true
    %reduce_min3A_741 = vector.broadcast %reduce_min3A_740 : i1 to vector<16xi1>
    %reduce_min3A_742 = arith.constant -2147483648 : i32
    %reduce_min3A_743 = vector.broadcast %reduce_min3A_742 : i32 to vector<16xi32>
    %reduce_min3A_744 = arith.xori %select_n3A_739, %reduce_min3A_743 : vector<16xi32>
    %reduce_min3A_745 = tpu.scan <min>, %reduce_min3A_744 masked %reduce_min3A_741 : vector<16xi32>, vector<16xi1> -> vector<16xi32>
    %reduce_min3A_746 = arith.xori %reduce_min3A_745, %reduce_min3A_743 : vector<16xi32>
    %reduce_min3A_747 = vector.extract %reduce_min3A_746[15] : i32 from vector<16xi32>
    %min3A_748 = arith.minsi %min3A_731, %reduce_min3A_747 : i32
    %eq3A_749 = vector.broadcast %reduce_max3A_713 : f32 to vector<16xf32>
    %eq3A_750 = arith.cmpf oeq, %select_n3A_697, %eq3A_749 : vector<16xf32>
    %add3A_751 = arith.constant 32 : i32
    %add3A_752 = vector.broadcast %add3A_751 : i32 to vector<16xi32>
    %add3A_753 = arith.addi %iota3A, %add3A_752 : vector<16xi32>
    %jit3A_754 = arith.constant 64 : i32
    %broadcast_in_dim3A_755 = vector.broadcast %jit3A_754 : i32 to vector<16xi32>
    %select_n3A_756 = arith.select %eq3A_750, %add3A_753, %broadcast_in_dim3A_755 : vector<16xi1>, vector<16xi32>
    %reduce_min3A_757 = arith.constant true
    %reduce_min3A_758 = vector.broadcast %reduce_min3A_757 : i1 to vector<16xi1>
    %reduce_min3A_759 = arith.constant -2147483648 : i32
    %reduce_min3A_760 = vector.broadcast %reduce_min3A_759 : i32 to vector<16xi32>
    %reduce_min3A_761 = arith.xori %select_n3A_756, %reduce_min3A_760 : vector<16xi32>
    %reduce_min3A_762 = tpu.scan <min>, %reduce_min3A_761 masked %reduce_min3A_758 : vector<16xi32>, vector<16xi1> -> vector<16xi32>
    %reduce_min3A_763 = arith.xori %reduce_min3A_762, %reduce_min3A_760 : vector<16xi32>
    %reduce_min3A_764 = vector.extract %reduce_min3A_763[15] : i32 from vector<16xi32>
    %min3A_765 = arith.minsi %min3A_748, %reduce_min3A_764 : i32
    %eq3A_766 = vector.broadcast %reduce_max3A_713 : f32 to vector<16xf32>
    %eq3A_767 = arith.cmpf oeq, %select_n3A_706, %eq3A_766 : vector<16xf32>
    %add3A_768 = arith.constant 48 : i32
    %add3A_769 = vector.broadcast %add3A_768 : i32 to vector<16xi32>
    %add3A_770 = arith.addi %iota3A, %add3A_769 : vector<16xi32>
    %jit3A_771 = arith.constant 64 : i32
    %broadcast_in_dim3A_772 = vector.broadcast %jit3A_771 : i32 to vector<16xi32>
    %select_n3A_773 = arith.select %eq3A_767, %add3A_770, %broadcast_in_dim3A_772 : vector<16xi1>, vector<16xi32>
    %reduce_min3A_774 = arith.constant true
    %reduce_min3A_775 = vector.broadcast %reduce_min3A_774 : i1 to vector<16xi1>
    %reduce_min3A_776 = arith.constant -2147483648 : i32
    %reduce_min3A_777 = vector.broadcast %reduce_min3A_776 : i32 to vector<16xi32>
    %reduce_min3A_778 = arith.xori %select_n3A_773, %reduce_min3A_777 : vector<16xi32>
    %reduce_min3A_779 = tpu.scan <min>, %reduce_min3A_778 masked %reduce_min3A_775 : vector<16xi32>, vector<16xi1> -> vector<16xi32>
    %reduce_min3A_780 = arith.xori %reduce_min3A_779, %reduce_min3A_777 : vector<16xi32>
    %reduce_min3A_781 = vector.extract %reduce_min3A_780[15] : i32 from vector<16xi32>
    %min3A_782 = arith.minsi %min3A_765, %reduce_min3A_781 : i32
    %add3A_783 = arith.constant 0 : i32
    %add3A_784 = vector.broadcast %add3A_783 : i32 to vector<16xi32>
    %add3A_785 = arith.addi %iota3A, %add3A_784 : vector<16xi32>
    %eq3A_786 = vector.broadcast %min3A_782 : i32 to vector<16xi32>
    %eq3A_787 = arith.cmpi eq, %add3A_785, %eq3A_786 : vector<16xi32>
    %select_n3A_788 = arith.select %eq3A_787, %exp3A, %select_n3A_676 : vector<16xi1>, vector<16xf32>
    %jit3A_789 = arith.constant 0xFF800000 : f32
    %broadcast_in_dim3A_790 = vector.broadcast %jit3A_789 : f32 to vector<16xf32>
    %select_n3A_791 = arith.select %eq3A_787, %broadcast_in_dim3A_790, %select_n3A_679 : vector<16xi1>, vector<16xf32>
    %add3A_792 = arith.constant 16 : i32
    %add3A_793 = vector.broadcast %add3A_792 : i32 to vector<16xi32>
    %add3A_794 = arith.addi %iota3A, %add3A_793 : vector<16xi32>
    %eq3A_795 = vector.broadcast %min3A_782 : i32 to vector<16xi32>
    %eq3A_796 = arith.cmpi eq, %add3A_794, %eq3A_795 : vector<16xi32>
    %select_n3A_797 = arith.select %eq3A_796, %exp3A_26, %select_n3A_685 : vector<16xi1>, vector<16xf32>
    %jit3A_798 = arith.constant 0xFF800000 : f32
    %broadcast_in_dim3A_799 = vector.broadcast %jit3A_798 : f32 to vector<16xf32>
    %select_n3A_800 = arith.select %eq3A_796, %broadcast_in_dim3A_799, %select_n3A_688 : vector<16xi1>, vector<16xf32>
    %add3A_801 = arith.constant 32 : i32
    %add3A_802 = vector.broadcast %add3A_801 : i32 to vector<16xi32>
    %add3A_803 = arith.addi %iota3A, %add3A_802 : vector<16xi32>
    %eq3A_804 = vector.broadcast %min3A_782 : i32 to vector<16xi32>
    %eq3A_805 = arith.cmpi eq, %add3A_803, %eq3A_804 : vector<16xi32>
    %select_n3A_806 = arith.select %eq3A_805, %exp3A_29, %select_n3A_694 : vector<16xi1>, vector<16xf32>
    %jit3A_807 = arith.constant 0xFF800000 : f32
    %broadcast_in_dim3A_808 = vector.broadcast %jit3A_807 : f32 to vector<16xf32>
    %select_n3A_809 = arith.select %eq3A_805, %broadcast_in_dim3A_808, %select_n3A_697 : vector<16xi1>, vector<16xf32>
    %add3A_810 = arith.constant 48 : i32
    %add3A_811 = vector.broadcast %add3A_810 : i32 to vector<16xi32>
    %add3A_812 = arith.addi %iota3A, %add3A_811 : vector<16xi32>
    %eq3A_813 = vector.broadcast %min3A_782 : i32 to vector<16xi32>
    %eq3A_814 = arith.cmpi eq, %add3A_812, %eq3A_813 : vector<16xi32>
    %select_n3A_815 = arith.select %eq3A_814, %exp3A_32, %select_n3A_703 : vector<16xi1>, vector<16xf32>
    %jit3A_816 = arith.constant 0xFF800000 : f32
    %broadcast_in_dim3A_817 = vector.broadcast %jit3A_816 : f32 to vector<16xf32>
    %select_n3A_818 = arith.select %eq3A_814, %broadcast_in_dim3A_817, %select_n3A_706 : vector<16xi1>, vector<16xf32>
    %max3A_819 = arith.maximumf %select_n3A_791, %select_n3A_800 : vector<16xf32>
    %max3A_820 = arith.maximumf %select_n3A_809, %select_n3A_818 : vector<16xf32>
    %max3A_821 = arith.maximumf %max3A_819, %max3A_820 : vector<16xf32>
    %reduce_max3A_822 = arith.constant true
    %reduce_max3A_823 = vector.broadcast %reduce_max3A_822 : i1 to vector<16xi1>
    %reduce_max3A_824 = tpu.scan <max>, %max3A_821 masked %reduce_max3A_823 : vector<16xf32>, vector<16xi1> -> vector<16xf32>
    %reduce_max3A_825 = vector.extract %reduce_max3A_824[15] : f32 from vector<16xf32>
    %eq3A_826 = vector.broadcast %reduce_max3A_825 : f32 to vector<16xf32>
    %eq3A_827 = arith.cmpf oeq, %select_n3A_791, %eq3A_826 : vector<16xf32>
    %add3A_828 = arith.constant 0 : i32
    %add3A_829 = vector.broadcast %add3A_828 : i32 to vector<16xi32>
    %add3A_830 = arith.addi %iota3A, %add3A_829 : vector<16xi32>
    %jit3A_831 = arith.constant 64 : i32
    %broadcast_in_dim3A_832 = vector.broadcast %jit3A_831 : i32 to vector<16xi32>
    %select_n3A_833 = arith.select %eq3A_827, %add3A_830, %broadcast_in_dim3A_832 : vector<16xi1>, vector<16xi32>
    %reduce_min3A_834 = arith.constant true
    %reduce_min3A_835 = vector.broadcast %reduce_min3A_834 : i1 to vector<16xi1>
    %reduce_min3A_836 = arith.constant -2147483648 : i32
    %reduce_min3A_837 = vector.broadcast %reduce_min3A_836 : i32 to vector<16xi32>
    %reduce_min3A_838 = arith.xori %select_n3A_833, %reduce_min3A_837 : vector<16xi32>
    %reduce_min3A_839 = tpu.scan <min>, %reduce_min3A_838 masked %reduce_min3A_835 : vector<16xi32>, vector<16xi1> -> vector<16xi32>
    %reduce_min3A_840 = arith.xori %reduce_min3A_839, %reduce_min3A_837 : vector<16xi32>
    %reduce_min3A_841 = vector.extract %reduce_min3A_840[15] : i32 from vector<16xi32>
    %min3A_842 = arith.constant 64 : i32
    %min3A_843 = arith.minsi %min3A_842, %reduce_min3A_841 : i32
    %eq3A_844 = vector.broadcast %reduce_max3A_825 : f32 to vector<16xf32>
    %eq3A_845 = arith.cmpf oeq, %select_n3A_800, %eq3A_844 : vector<16xf32>
    %add3A_846 = arith.constant 16 : i32
    %add3A_847 = vector.broadcast %add3A_846 : i32 to vector<16xi32>
    %add3A_848 = arith.addi %iota3A, %add3A_847 : vector<16xi32>
    %jit3A_849 = arith.constant 64 : i32
    %broadcast_in_dim3A_850 = vector.broadcast %jit3A_849 : i32 to vector<16xi32>
    %select_n3A_851 = arith.select %eq3A_845, %add3A_848, %broadcast_in_dim3A_850 : vector<16xi1>, vector<16xi32>
    %reduce_min3A_852 = arith.constant true
    %reduce_min3A_853 = vector.broadcast %reduce_min3A_852 : i1 to vector<16xi1>
    %reduce_min3A_854 = arith.constant -2147483648 : i32
    %reduce_min3A_855 = vector.broadcast %reduce_min3A_854 : i32 to vector<16xi32>
    %reduce_min3A_856 = arith.xori %select_n3A_851, %reduce_min3A_855 : vector<16xi32>
    %reduce_min3A_857 = tpu.scan <min>, %reduce_min3A_856 masked %reduce_min3A_853 : vector<16xi32>, vector<16xi1> -> vector<16xi32>
    %reduce_min3A_858 = arith.xori %reduce_min3A_857, %reduce_min3A_855 : vector<16xi32>
    %reduce_min3A_859 = vector.extract %reduce_min3A_858[15] : i32 from vector<16xi32>
    %min3A_860 = arith.minsi %min3A_843, %reduce_min3A_859 : i32
    %eq3A_861 = vector.broadcast %reduce_max3A_825 : f32 to vector<16xf32>
    %eq3A_862 = arith.cmpf oeq, %select_n3A_809, %eq3A_861 : vector<16xf32>
    %add3A_863 = arith.constant 32 : i32
    %add3A_864 = vector.broadcast %add3A_863 : i32 to vector<16xi32>
    %add3A_865 = arith.addi %iota3A, %add3A_864 : vector<16xi32>
    %jit3A_866 = arith.constant 64 : i32
    %broadcast_in_dim3A_867 = vector.broadcast %jit3A_866 : i32 to vector<16xi32>
    %select_n3A_868 = arith.select %eq3A_862, %add3A_865, %broadcast_in_dim3A_867 : vector<16xi1>, vector<16xi32>
    %reduce_min3A_869 = arith.constant true
    %reduce_min3A_870 = vector.broadcast %reduce_min3A_869 : i1 to vector<16xi1>
    %reduce_min3A_871 = arith.constant -2147483648 : i32
    %reduce_min3A_872 = vector.broadcast %reduce_min3A_871 : i32 to vector<16xi32>
    %reduce_min3A_873 = arith.xori %select_n3A_868, %reduce_min3A_872 : vector<16xi32>
    %reduce_min3A_874 = tpu.scan <min>, %reduce_min3A_873 masked %reduce_min3A_870 : vector<16xi32>, vector<16xi1> -> vector<16xi32>
    %reduce_min3A_875 = arith.xori %reduce_min3A_874, %reduce_min3A_872 : vector<16xi32>
    %reduce_min3A_876 = vector.extract %reduce_min3A_875[15] : i32 from vector<16xi32>
    %min3A_877 = arith.minsi %min3A_860, %reduce_min3A_876 : i32
    %eq3A_878 = vector.broadcast %reduce_max3A_825 : f32 to vector<16xf32>
    %eq3A_879 = arith.cmpf oeq, %select_n3A_818, %eq3A_878 : vector<16xf32>
    %add3A_880 = arith.constant 48 : i32
    %add3A_881 = vector.broadcast %add3A_880 : i32 to vector<16xi32>
    %add3A_882 = arith.addi %iota3A, %add3A_881 : vector<16xi32>
    %jit3A_883 = arith.constant 64 : i32
    %broadcast_in_dim3A_884 = vector.broadcast %jit3A_883 : i32 to vector<16xi32>
    %select_n3A_885 = arith.select %eq3A_879, %add3A_882, %broadcast_in_dim3A_884 : vector<16xi1>, vector<16xi32>
    %reduce_min3A_886 = arith.constant true
    %reduce_min3A_887 = vector.broadcast %reduce_min3A_886 : i1 to vector<16xi1>
    %reduce_min3A_888 = arith.constant -2147483648 : i32
    %reduce_min3A_889 = vector.broadcast %reduce_min3A_888 : i32 to vector<16xi32>
    %reduce_min3A_890 = arith.xori %select_n3A_885, %reduce_min3A_889 : vector<16xi32>
    %reduce_min3A_891 = tpu.scan <min>, %reduce_min3A_890 masked %reduce_min3A_887 : vector<16xi32>, vector<16xi1> -> vector<16xi32>
    %reduce_min3A_892 = arith.xori %reduce_min3A_891, %reduce_min3A_889 : vector<16xi32>
    %reduce_min3A_893 = vector.extract %reduce_min3A_892[15] : i32 from vector<16xi32>
    %min3A_894 = arith.minsi %min3A_877, %reduce_min3A_893 : i32
    %add3A_895 = arith.constant 0 : i32
    %add3A_896 = vector.broadcast %add3A_895 : i32 to vector<16xi32>
    %add3A_897 = arith.addi %iota3A, %add3A_896 : vector<16xi32>
    %eq3A_898 = vector.broadcast %min3A_894 : i32 to vector<16xi32>
    %eq3A_899 = arith.cmpi eq, %add3A_897, %eq3A_898 : vector<16xi32>
    %select_n3A_900 = arith.select %eq3A_899, %exp3A, %select_n3A_788 : vector<16xi1>, vector<16xf32>
    %jit3A_901 = arith.constant 0xFF800000 : f32
    %broadcast_in_dim3A_902 = vector.broadcast %jit3A_901 : f32 to vector<16xf32>
    %select_n3A_903 = arith.select %eq3A_899, %broadcast_in_dim3A_902, %select_n3A_791 : vector<16xi1>, vector<16xf32>
    %add3A_904 = arith.constant 16 : i32
    %add3A_905 = vector.broadcast %add3A_904 : i32 to vector<16xi32>
    %add3A_906 = arith.addi %iota3A, %add3A_905 : vector<16xi32>
    %eq3A_907 = vector.broadcast %min3A_894 : i32 to vector<16xi32>
    %eq3A_908 = arith.cmpi eq, %add3A_906, %eq3A_907 : vector<16xi32>
    %select_n3A_909 = arith.select %eq3A_908, %exp3A_26, %select_n3A_797 : vector<16xi1>, vector<16xf32>
    %jit3A_910 = arith.constant 0xFF800000 : f32
    %broadcast_in_dim3A_911 = vector.broadcast %jit3A_910 : f32 to vector<16xf32>
    %select_n3A_912 = arith.select %eq3A_908, %broadcast_in_dim3A_911, %select_n3A_800 : vector<16xi1>, vector<16xf32>
    %add3A_913 = arith.constant 32 : i32
    %add3A_914 = vector.broadcast %add3A_913 : i32 to vector<16xi32>
    %add3A_915 = arith.addi %iota3A, %add3A_914 : vector<16xi32>
    %eq3A_916 = vector.broadcast %min3A_894 : i32 to vector<16xi32>
    %eq3A_917 = arith.cmpi eq, %add3A_915, %eq3A_916 : vector<16xi32>
    %select_n3A_918 = arith.select %eq3A_917, %exp3A_29, %select_n3A_806 : vector<16xi1>, vector<16xf32>
    %jit3A_919 = arith.constant 0xFF800000 : f32
    %broadcast_in_dim3A_920 = vector.broadcast %jit3A_919 : f32 to vector<16xf32>
    %select_n3A_921 = arith.select %eq3A_917, %broadcast_in_dim3A_920, %select_n3A_809 : vector<16xi1>, vector<16xf32>
    %add3A_922 = arith.constant 48 : i32
    %add3A_923 = vector.broadcast %add3A_922 : i32 to vector<16xi32>
    %add3A_924 = arith.addi %iota3A, %add3A_923 : vector<16xi32>
    %eq3A_925 = vector.broadcast %min3A_894 : i32 to vector<16xi32>
    %eq3A_926 = arith.cmpi eq, %add3A_924, %eq3A_925 : vector<16xi32>
    %select_n3A_927 = arith.select %eq3A_926, %exp3A_32, %select_n3A_815 : vector<16xi1>, vector<16xf32>
    %jit3A_928 = arith.constant 0xFF800000 : f32
    %broadcast_in_dim3A_929 = vector.broadcast %jit3A_928 : f32 to vector<16xf32>
    %select_n3A_930 = arith.select %eq3A_926, %broadcast_in_dim3A_929, %select_n3A_818 : vector<16xi1>, vector<16xf32>
    %reduce_sum3A = arith.constant true
    %reduce_sum3A_931 = vector.broadcast %reduce_sum3A : i1 to vector<16xi1>
    %reduce_sum3A_932 = tpu.scan <sum>, %select_n3A_900 masked %reduce_sum3A_931 : vector<16xf32>, vector<16xi1> -> vector<16xf32>
    %reduce_sum3A_933 = vector.extract %reduce_sum3A_932[15] : f32 from vector<16xf32>
    %add3A_934 = arith.constant 0.000000e+00 : f32
    %add3A_935 = arith.addf %add3A_934, %reduce_sum3A_933 : f32
    %reduce_sum3A_936 = arith.constant true
    %reduce_sum3A_937 = vector.broadcast %reduce_sum3A_936 : i1 to vector<16xi1>
    %reduce_sum3A_938 = tpu.scan <sum>, %select_n3A_909 masked %reduce_sum3A_937 : vector<16xf32>, vector<16xi1> -> vector<16xf32>
    %reduce_sum3A_939 = vector.extract %reduce_sum3A_938[15] : f32 from vector<16xf32>
    %add3A_940 = arith.addf %add3A_935, %reduce_sum3A_939 : f32
    %reduce_sum3A_941 = arith.constant true
    %reduce_sum3A_942 = vector.broadcast %reduce_sum3A_941 : i1 to vector<16xi1>
    %reduce_sum3A_943 = tpu.scan <sum>, %select_n3A_918 masked %reduce_sum3A_942 : vector<16xf32>, vector<16xi1> -> vector<16xf32>
    %reduce_sum3A_944 = vector.extract %reduce_sum3A_943[15] : f32 from vector<16xf32>
    %add3A_945 = arith.addf %add3A_940, %reduce_sum3A_944 : f32
    %reduce_sum3A_946 = arith.constant true
    %reduce_sum3A_947 = vector.broadcast %reduce_sum3A_946 : i1 to vector<16xi1>
    %reduce_sum3A_948 = tpu.scan <sum>, %select_n3A_927 masked %reduce_sum3A_947 : vector<16xf32>, vector<16xi1> -> vector<16xf32>
    %reduce_sum3A_949 = vector.extract %reduce_sum3A_948[15] : f32 from vector<16xf32>
    %add3A_950 = arith.addf %add3A_945, %reduce_sum3A_949 : f32
    %div3A = vector.broadcast %add3A_950 : f32 to vector<16xf32>
    %div3A_951 = arith.divf %select_n3A_900, %div3A : vector<16xf32>
    %swap3A = arith.constant 0 : i32
    %swap3A_952 = arith.index_cast %swap3A : i32 to index
    %swap3A_953 = arith.constant 0 : index
    %swap3A_954 = tpu.vector_load %arg5[%swap3A_952, %swap3A_953] {strides = array<i32>} : memref<2x64xf32, #tpu.memory_space<vmem>>, vector<16xf32>,
    tpu.vector_store %arg5[%swap3A_952, %swap3A_953], %div3A_951 {strides = array<i32>} : memref<2x64xf32, #tpu.memory_space<vmem>>, vector<16xf32>,
    %div3A_955 = vector.broadcast %add3A_950 : f32 to vector<16xf32>
    %div3A_956 = arith.divf %select_n3A_909, %div3A_955 : vector<16xf32>
    %swap3A_957 = arith.constant 0 : i32
    %swap3A_958 = arith.index_cast %swap3A_957 : i32 to index
    %swap3A_959 = arith.constant 16 : index
    %swap3A_960 = tpu.vector_load %arg5[%swap3A_958, %swap3A_959] {strides = array<i32>} : memref<2x64xf32, #tpu.memory_space<vmem>>, vector<16xf32>,
    tpu.vector_store %arg5[%swap3A_958, %swap3A_959], %div3A_956 {strides = array<i32>} : memref<2x64xf32, #tpu.memory_space<vmem>>, vector<16xf32>,
    %div3A_961 = vector.broadcast %add3A_950 : f32 to vector<16xf32>
    %div3A_962 = arith.divf %select_n3A_918, %div3A_961 : vector<16xf32>
    %swap3A_963 = arith.constant 0 : i32
    %swap3A_964 = arith.index_cast %swap3A_963 : i32 to index
    %swap3A_965 = arith.constant 32 : index
    %swap3A_966 = tpu.vector_load %arg5[%swap3A_964, %swap3A_965] {strides = array<i32>} : memref<2x64xf32, #tpu.memory_space<vmem>>, vector<16xf32>,
    tpu.vector_store %arg5[%swap3A_964, %swap3A_965], %div3A_962 {strides = array<i32>} : memref<2x64xf32, #tpu.memory_space<vmem>>, vector<16xf32>,
    %div3A_967 = vector.broadcast %add3A_950 : f32 to vector<16xf32>
    %div3A_968 = arith.divf %select_n3A_927, %div3A_967 : vector<16xf32>
    %swap3A_969 = arith.constant 0 : i32
    %swap3A_970 = arith.index_cast %swap3A_969 : i32 to index
    %swap3A_971 = arith.constant 48 : index
    %swap3A_972 = tpu.vector_load %arg5[%swap3A_970, %swap3A_971] {strides = array<i32>} : memref<2x64xf32, #tpu.memory_space<vmem>>, vector<16xf32>,
    tpu.vector_store %arg5[%swap3A_970, %swap3A_971], %div3A_968 {strides = array<i32>} : memref<2x64xf32, #tpu.memory_space<vmem>>, vector<16xf32>,
    %get3A_973 = arith.constant 1 : i32
    %get3A_974 = arith.index_cast %get3A_973 : i32 to index
    %get3A_975 = arith.constant 0 : index
    %get3A_976 = tpu.vector_load %arg4[%get3A_974, %get3A_975] {strides = array<i32>} : memref<2x64xf32, #tpu.memory_space<vmem>>, vector<16xf32>,
    %get3A_977 = arith.constant 1 : i32
    %get3A_978 = arith.index_cast %get3A_977 : i32 to index
    %get3A_979 = arith.constant 16 : index
    %get3A_980 = tpu.vector_load %arg4[%get3A_978, %get3A_979] {strides = array<i32>} : memref<2x64xf32, #tpu.memory_space<vmem>>, vector<16xf32>,
    %get3A_981 = arith.constant 1 : i32
    %get3A_982 = arith.index_cast %get3A_981 : i32 to index
    %get3A_983 = arith.constant 32 : index
    %get3A_984 = tpu.vector_load %arg4[%get3A_982, %get3A_983] {strides = array<i32>} : memref<2x64xf32, #tpu.memory_space<vmem>>, vector<16xf32>,
    %get3A_985 = arith.constant 1 : i32
    %get3A_986 = arith.index_cast %get3A_985 : i32 to index
    %get3A_987 = arith.constant 48 : index
    %get3A_988 = tpu.vector_load %arg4[%get3A_986, %get3A_987] {strides = array<i32>} : memref<2x64xf32, #tpu.memory_space<vmem>>, vector<16xf32>,
    %max3A_989 = arith.maximumf %get3A_976, %get3A_980 : vector<16xf32>
    %max3A_990 = arith.maximumf %get3A_984, %get3A_988 : vector<16xf32>
    %max3A_991 = arith.maximumf %max3A_989, %max3A_990 : vector<16xf32>
    %reduce_max3A_992 = arith.constant true
    %reduce_max3A_993 = vector.broadcast %reduce_max3A_992 : i1 to vector<16xi1>
    %reduce_max3A_994 = tpu.scan <max>, %max3A_991 masked %reduce_max3A_993 : vector<16xf32>, vector<16xi1> -> vector<16xf32>
    %reduce_max3A_995 = vector.extract %reduce_max3A_994[15] : f32 from vector<16xf32>
    %sub3A_996 = vector.broadcast %reduce_max3A_995 : f32 to vector<16xf32>
    %sub3A_997 = arith.subf %get3A_976, %sub3A_996 : vector<16xf32>
    %exp3A_998 = math.exp %sub3A_997 : vector<16xf32>
    %sub3A_999 = vector.broadcast %reduce_max3A_995 : f32 to vector<16xf32>
    %sub3A_1000 = arith.subf %get3A_980, %sub3A_999 : vector<16xf32>
    %exp3A_1001 = math.exp %sub3A_1000 : vector<16xf32>
    %sub3A_1002 = vector.broadcast %reduce_max3A_995 : f32 to vector<16xf32>
    %sub3A_1003 = arith.subf %get3A_984, %sub3A_1002 : vector<16xf32>
    %exp3A_1004 = math.exp %sub3A_1003 : vector<16xf32>
    %sub3A_1005 = vector.broadcast %reduce_max3A_995 : f32 to vector<16xf32>
    %sub3A_1006 = arith.subf %get3A_988, %sub3A_1005 : vector<16xf32>
    %exp3A_1007 = math.exp %sub3A_1006 : vector<16xf32>
    %broadcast_in_dim3A_1008 = arith.constant 0.000000e+00 : f32
    %broadcast_in_dim3A_1009 = vector.broadcast %broadcast_in_dim3A_1008 : f32 to vector<16xf32>
    %broadcast_in_dim3A_1010 = arith.constant 0.000000e+00 : f32
    %broadcast_in_dim3A_1011 = vector.broadcast %broadcast_in_dim3A_1010 : f32 to vector<16xf32>
    %broadcast_in_dim3A_1012 = arith.constant 0.000000e+00 : f32
    %broadcast_in_dim3A_1013 = vector.broadcast %broadcast_in_dim3A_1012 : f32 to vector<16xf32>
    %broadcast_in_dim3A_1014 = arith.constant 0.000000e+00 : f32
    %broadcast_in_dim3A_1015 = vector.broadcast %broadcast_in_dim3A_1014 : f32 to vector<16xf32>
    %max3A_1016 = arith.maximumf %get3A_976, %get3A_980 : vector<16xf32>
    %max3A_1017 = arith.maximumf %get3A_984, %get3A_988 : vector<16xf32>
    %max3A_1018 = arith.maximumf %max3A_1016, %max3A_1017 : vector<16xf32>
    %reduce_max3A_1019 = arith.constant true
    %reduce_max3A_1020 = vector.broadcast %reduce_max3A_1019 : i1 to vector<16xi1>
    %reduce_max3A_1021 = tpu.scan <max>, %max3A_1018 masked %reduce_max3A_1020 : vector<16xf32>, vector<16xi1> -> vector<16xf32>
    %reduce_max3A_1022 = vector.extract %reduce_max3A_1021[15] : f32 from vector<16xf32>
    %eq3A_1023 = vector.broadcast %reduce_max3A_1022 : f32 to vector<16xf32>
    %eq3A_1024 = arith.cmpf oeq, %get3A_976, %eq3A_1023 : vector<16xf32>
    %add3A_1025 = arith.constant 0 : i32
    %add3A_1026 = vector.broadcast %add3A_1025 : i32 to vector<16xi32>
    %add3A_1027 = arith.addi %iota3A, %add3A_1026 : vector<16xi32>
    %jit3A_1028 = arith.constant 64 : i32
    %broadcast_in_dim3A_1029 = vector.broadcast %jit3A_1028 : i32 to vector<16xi32>
    %select_n3A_1030 = arith.select %eq3A_1024, %add3A_1027, %broadcast_in_dim3A_1029 : vector<16xi1>, vector<16xi32>
    %reduce_min3A_1031 = arith.constant true
    %reduce_min3A_1032 = vector.broadcast %reduce_min3A_1031 : i1 to vector<16xi1>
    %reduce_min3A_1033 = arith.constant -2147483648 : i32
    %reduce_min3A_1034 = vector.broadcast %reduce_min3A_1033 : i32 to vector<16xi32>
    %reduce_min3A_1035 = arith.xori %select_n3A_1030, %reduce_min3A_1034 : vector<16xi32>
    %reduce_min3A_1036 = tpu.scan <min>, %reduce_min3A_1035 masked %reduce_min3A_1032 : vector<16xi32>, vector<16xi1> -> vector<16xi32>
    %reduce_min3A_1037 = arith.xori %reduce_min3A_1036, %reduce_min3A_1034 : vector<16xi32>
    %reduce_min3A_1038 = vector.extract %reduce_min3A_1037[15] : i32 from vector<16xi32>
    %min3A_1039 = arith.constant 64 : i32
    %min3A_1040 = arith.minsi %min3A_1039, %reduce_min3A_1038 : i32
    %eq3A_1041 = vector.broadcast %reduce_max3A_1022 : f32 to vector<16xf32>
    %eq3A_1042 = arith.cmpf oeq, %get3A_980, %eq3A_1041 : vector<16xf32>
    %add3A_1043 = arith.constant 16 : i32
    %add3A_1044 = vector.broadcast %add3A_1043 : i32 to vector<16xi32>
    %add3A_1045 = arith.addi %iota3A, %add3A_1044 : vector<16xi32>
    %jit3A_1046 = arith.constant 64 : i32
    %broadcast_in_dim3A_1047 = vector.broadcast %jit3A_1046 : i32 to vector<16xi32>
    %select_n3A_1048 = arith.select %eq3A_1042, %add3A_1045, %broadcast_in_dim3A_1047 : vector<16xi1>, vector<16xi32>
    %reduce_min3A_1049 = arith.constant true
    %reduce_min3A_1050 = vector.broadcast %reduce_min3A_1049 : i1 to vector<16xi1>
    %reduce_min3A_1051 = arith.constant -2147483648 : i32
    %reduce_min3A_1052 = vector.broadcast %reduce_min3A_1051 : i32 to vector<16xi32>
    %reduce_min3A_1053 = arith.xori %select_n3A_1048, %reduce_min3A_1052 : vector<16xi32>
    %reduce_min3A_1054 = tpu.scan <min>, %reduce_min3A_1053 masked %reduce_min3A_1050 : vector<16xi32>, vector<16xi1> -> vector<16xi32>
    %reduce_min3A_1055 = arith.xori %reduce_min3A_1054, %reduce_min3A_1052 : vector<16xi32>
    %reduce_min3A_1056 = vector.extract %reduce_min3A_1055[15] : i32 from vector<16xi32>
    %min3A_1057 = arith.minsi %min3A_1040, %reduce_min3A_1056 : i32
    %eq3A_1058 = vector.broadcast %reduce_max3A_1022 : f32 to vector<16xf32>
    %eq3A_1059 = arith.cmpf oeq, %get3A_984, %eq3A_1058 : vector<16xf32>
    %add3A_1060 = arith.constant 32 : i32
    %add3A_1061 = vector.broadcast %add3A_1060 : i32 to vector<16xi32>
    %add3A_1062 = arith.addi %iota3A, %add3A_1061 : vector<16xi32>
    %jit3A_1063 = arith.constant 64 : i32
    %broadcast_in_dim3A_1064 = vector.broadcast %jit3A_1063 : i32 to vector<16xi32>
    %select_n3A_1065 = arith.select %eq3A_1059, %add3A_1062, %broadcast_in_dim3A_1064 : vector<16xi1>, vector<16xi32>
    %reduce_min3A_1066 = arith.constant true
    %reduce_min3A_1067 = vector.broadcast %reduce_min3A_1066 : i1 to vector<16xi1>
    %reduce_min3A_1068 = arith.constant -2147483648 : i32
    %reduce_min3A_1069 = vector.broadcast %reduce_min3A_1068 : i32 to vector<16xi32>
    %reduce_min3A_1070 = arith.xori %select_n3A_1065, %reduce_min3A_1069 : vector<16xi32>
    %reduce_min3A_1071 = tpu.scan <min>, %reduce_min3A_1070 masked %reduce_min3A_1067 : vector<16xi32>, vector<16xi1> -> vector<16xi32>
    %reduce_min3A_1072 = arith.xori %reduce_min3A_1071, %reduce_min3A_1069 : vector<16xi32>
    %reduce_min3A_1073 = vector.extract %reduce_min3A_1072[15] : i32 from vector<16xi32>
    %min3A_1074 = arith.minsi %min3A_1057, %reduce_min3A_1073 : i32
    %eq3A_1075 = vector.broadcast %reduce_max3A_1022 : f32 to vector<16xf32>
    %eq3A_1076 = arith.cmpf oeq, %get3A_988, %eq3A_1075 : vector<16xf32>
    %add3A_1077 = arith.constant 48 : i32
    %add3A_1078 = vector.broadcast %add3A_1077 : i32 to vector<16xi32>
    %add3A_1079 = arith.addi %iota3A, %add3A_1078 : vector<16xi32>
    %jit3A_1080 = arith.constant 64 : i32
    %broadcast_in_dim3A_1081 = vector.broadcast %jit3A_1080 : i32 to vector<16xi32>
    %select_n3A_1082 = arith.select %eq3A_1076, %add3A_1079, %broadcast_in_dim3A_1081 : vector<16xi1>, vector<16xi32>
    %reduce_min3A_1083 = arith.constant true
    %reduce_min3A_1084 = vector.broadcast %reduce_min3A_1083 : i1 to vector<16xi1>
    %reduce_min3A_1085 = arith.constant -2147483648 : i32
    %reduce_min3A_1086 = vector.broadcast %reduce_min3A_1085 : i32 to vector<16xi32>
    %reduce_min3A_1087 = arith.xori %select_n3A_1082, %reduce_min3A_1086 : vector<16xi32>
    %reduce_min3A_1088 = tpu.scan <min>, %reduce_min3A_1087 masked %reduce_min3A_1084 : vector<16xi32>, vector<16xi1> -> vector<16xi32>
    %reduce_min3A_1089 = arith.xori %reduce_min3A_1088, %reduce_min3A_1086 : vector<16xi32>
    %reduce_min3A_1090 = vector.extract %reduce_min3A_1089[15] : i32 from vector<16xi32>
    %min3A_1091 = arith.minsi %min3A_1074, %reduce_min3A_1090 : i32
    %add3A_1092 = arith.constant 0 : i32
    %add3A_1093 = vector.broadcast %add3A_1092 : i32 to vector<16xi32>
    %add3A_1094 = arith.addi %iota3A, %add3A_1093 : vector<16xi32>
    %eq3A_1095 = vector.broadcast %min3A_1091 : i32 to vector<16xi32>
    %eq3A_1096 = arith.cmpi eq, %add3A_1094, %eq3A_1095 : vector<16xi32>
    %select_n3A_1097 = arith.select %eq3A_1096, %exp3A_998, %broadcast_in_dim3A_1009 : vector<16xi1>, vector<16xf32>
    %jit3A_1098 = arith.constant 0xFF800000 : f32
    %broadcast_in_dim3A_1099 = vector.broadcast %jit3A_1098 : f32 to vector<16xf32>
    %select_n3A_1100 = arith.select %eq3A_1096, %broadcast_in_dim3A_1099, %get3A_976 : vector<16xi1>, vector<16xf32>
    %add3A_1101 = arith.constant 16 : i32
    %add3A_1102 = vector.broadcast %add3A_1101 : i32 to vector<16xi32>
    %add3A_1103 = arith.addi %iota3A, %add3A_1102 : vector<16xi32>
    %eq3A_1104 = vector.broadcast %min3A_1091 : i32 to vector<16xi32>
    %eq3A_1105 = arith.cmpi eq, %add3A_1103, %eq3A_1104 : vector<16xi32>
    %select_n3A_1106 = arith.select %eq3A_1105, %exp3A_1001, %broadcast_in_dim3A_1011 : vector<16xi1>, vector<16xf32>
    %jit3A_1107 = arith.constant 0xFF800000 : f32
    %broadcast_in_dim3A_1108 = vector.broadcast %jit3A_1107 : f32 to vector<16xf32>
    %select_n3A_1109 = arith.select %eq3A_1105, %broadcast_in_dim3A_1108, %get3A_980 : vector<16xi1>, vector<16xf32>
    %add3A_1110 = arith.constant 32 : i32
    %add3A_1111 = vector.broadcast %add3A_1110 : i32 to vector<16xi32>
    %add3A_1112 = arith.addi %iota3A, %add3A_1111 : vector<16xi32>
    %eq3A_1113 = vector.broadcast %min3A_1091 : i32 to vector<16xi32>
    %eq3A_1114 = arith.cmpi eq, %add3A_1112, %eq3A_1113 : vector<16xi32>
    %select_n3A_1115 = arith.select %eq3A_1114, %exp3A_1004, %broadcast_in_dim3A_1013 : vector<16xi1>, vector<16xf32>
    %jit3A_1116 = arith.constant 0xFF800000 : f32
    %broadcast_in_dim3A_1117 = vector.broadcast %jit3A_1116 : f32 to vector<16xf32>
    %select_n3A_1118 = arith.select %eq3A_1114, %broadcast_in_dim3A_1117, %get3A_984 : vector<16xi1>, vector<16xf32>
    %add3A_1119 = arith.constant 48 : i32
    %add3A_1120 = vector.broadcast %add3A_1119 : i32 to vector<16xi32>
    %add3A_1121 = arith.addi %iota3A, %add3A_1120 : vector<16xi32>
    %eq3A_1122 = vector.broadcast %min3A_1091 : i32 to vector<16xi32>
    %eq3A_1123 = arith.cmpi eq, %add3A_1121, %eq3A_1122 : vector<16xi32>
    %select_n3A_1124 = arith.select %eq3A_1123, %exp3A_1007, %broadcast_in_dim3A_1015 : vector<16xi1>, vector<16xf32>
    %jit3A_1125 = arith.constant 0xFF800000 : f32
    %broadcast_in_dim3A_1126 = vector.broadcast %jit3A_1125 : f32 to vector<16xf32>
    %select_n3A_1127 = arith.select %eq3A_1123, %broadcast_in_dim3A_1126, %get3A_988 : vector<16xi1>, vector<16xf32>
    %max3A_1128 = arith.maximumf %select_n3A_1100, %select_n3A_1109 : vector<16xf32>
    %max3A_1129 = arith.maximumf %select_n3A_1118, %select_n3A_1127 : vector<16xf32>
    %max3A_1130 = arith.maximumf %max3A_1128, %max3A_1129 : vector<16xf32>
    %reduce_max3A_1131 = arith.constant true
    %reduce_max3A_1132 = vector.broadcast %reduce_max3A_1131 : i1 to vector<16xi1>
    %reduce_max3A_1133 = tpu.scan <max>, %max3A_1130 masked %reduce_max3A_1132 : vector<16xf32>, vector<16xi1> -> vector<16xf32>
    %reduce_max3A_1134 = vector.extract %reduce_max3A_1133[15] : f32 from vector<16xf32>
    %eq3A_1135 = vector.broadcast %reduce_max3A_1134 : f32 to vector<16xf32>
    %eq3A_1136 = arith.cmpf oeq, %select_n3A_1100, %eq3A_1135 : vector<16xf32>
    %add3A_1137 = arith.constant 0 : i32
    %add3A_1138 = vector.broadcast %add3A_1137 : i32 to vector<16xi32>
    %add3A_1139 = arith.addi %iota3A, %add3A_1138 : vector<16xi32>
    %jit3A_1140 = arith.constant 64 : i32
    %broadcast_in_dim3A_1141 = vector.broadcast %jit3A_1140 : i32 to vector<16xi32>
    %select_n3A_1142 = arith.select %eq3A_1136, %add3A_1139, %broadcast_in_dim3A_1141 : vector<16xi1>, vector<16xi32>
    %reduce_min3A_1143 = arith.constant true
    %reduce_min3A_1144 = vector.broadcast %reduce_min3A_1143 : i1 to vector<16xi1>
    %reduce_min3A_1145 = arith.constant -2147483648 : i32
    %reduce_min3A_1146 = vector.broadcast %reduce_min3A_1145 : i32 to vector<16xi32>
    %reduce_min3A_1147 = arith.xori %select_n3A_1142, %reduce_min3A_1146 : vector<16xi32>
    %reduce_min3A_1148 = tpu.scan <min>, %reduce_min3A_1147 masked %reduce_min3A_1144 : vector<16xi32>, vector<16xi1> -> vector<16xi32>
    %reduce_min3A_1149 = arith.xori %reduce_min3A_1148, %reduce_min3A_1146 : vector<16xi32>
    %reduce_min3A_1150 = vector.extract %reduce_min3A_1149[15] : i32 from vector<16xi32>
    %min3A_1151 = arith.constant 64 : i32
    %min3A_1152 = arith.minsi %min3A_1151, %reduce_min3A_1150 : i32
    %eq3A_1153 = vector.broadcast %reduce_max3A_1134 : f32 to vector<16xf32>
    %eq3A_1154 = arith.cmpf oeq, %select_n3A_1109, %eq3A_1153 : vector<16xf32>
    %add3A_1155 = arith.constant 16 : i32
    %add3A_1156 = vector.broadcast %add3A_1155 : i32 to vector<16xi32>
    %add3A_1157 = arith.addi %iota3A, %add3A_1156 : vector<16xi32>
    %jit3A_1158 = arith.constant 64 : i32
    %broadcast_in_dim3A_1159 = vector.broadcast %jit3A_1158 : i32 to vector<16xi32>
    %select_n3A_1160 = arith.select %eq3A_1154, %add3A_1157, %broadcast_in_dim3A_1159 : vector<16xi1>, vector<16xi32>
    %reduce_min3A_1161 = arith.constant true
    %reduce_min3A_1162 = vector.broadcast %reduce_min3A_1161 : i1 to vector<16xi1>
    %reduce_min3A_1163 = arith.constant -2147483648 : i32
    %reduce_min3A_1164 = vector.broadcast %reduce_min3A_1163 : i32 to vector<16xi32>
    %reduce_min3A_1165 = arith.xori %select_n3A_1160, %reduce_min3A_1164 : vector<16xi32>
    %reduce_min3A_1166 = tpu.scan <min>, %reduce_min3A_1165 masked %reduce_min3A_1162 : vector<16xi32>, vector<16xi1> -> vector<16xi32>
    %reduce_min3A_1167 = arith.xori %reduce_min3A_1166, %reduce_min3A_1164 : vector<16xi32>
    %reduce_min3A_1168 = vector.extract %reduce_min3A_1167[15] : i32 from vector<16xi32>
    %min3A_1169 = arith.minsi %min3A_1152, %reduce_min3A_1168 : i32
    %eq3A_1170 = vector.broadcast %reduce_max3A_1134 : f32 to vector<16xf32>
    %eq3A_1171 = arith.cmpf oeq, %select_n3A_1118, %eq3A_1170 : vector<16xf32>
    %add3A_1172 = arith.constant 32 : i32
    %add3A_1173 = vector.broadcast %add3A_1172 : i32 to vector<16xi32>
    %add3A_1174 = arith.addi %iota3A, %add3A_1173 : vector<16xi32>
    %jit3A_1175 = arith.constant 64 : i32
    %broadcast_in_dim3A_1176 = vector.broadcast %jit3A_1175 : i32 to vector<16xi32>
    %select_n3A_1177 = arith.select %eq3A_1171, %add3A_1174, %broadcast_in_dim3A_1176 : vector<16xi1>, vector<16xi32>
    %reduce_min3A_1178 = arith.constant true
    %reduce_min3A_1179 = vector.broadcast %reduce_min3A_1178 : i1 to vector<16xi1>
    %reduce_min3A_1180 = arith.constant -2147483648 : i32
    %reduce_min3A_1181 = vector.broadcast %reduce_min3A_1180 : i32 to vector<16xi32>
    %reduce_min3A_1182 = arith.xori %select_n3A_1177, %reduce_min3A_1181 : vector<16xi32>
    %reduce_min3A_1183 = tpu.scan <min>, %reduce_min3A_1182 masked %reduce_min3A_1179 : vector<16xi32>, vector<16xi1> -> vector<16xi32>
    %reduce_min3A_1184 = arith.xori %reduce_min3A_1183, %reduce_min3A_1181 : vector<16xi32>
    %reduce_min3A_1185 = vector.extract %reduce_min3A_1184[15] : i32 from vector<16xi32>
    %min3A_1186 = arith.minsi %min3A_1169, %reduce_min3A_1185 : i32
    %eq3A_1187 = vector.broadcast %reduce_max3A_1134 : f32 to vector<16xf32>
    %eq3A_1188 = arith.cmpf oeq, %select_n3A_1127, %eq3A_1187 : vector<16xf32>
    %add3A_1189 = arith.constant 48 : i32
    %add3A_1190 = vector.broadcast %add3A_1189 : i32 to vector<16xi32>
    %add3A_1191 = arith.addi %iota3A, %add3A_1190 : vector<16xi32>
    %jit3A_1192 = arith.constant 64 : i32
    %broadcast_in_dim3A_1193 = vector.broadcast %jit3A_1192 : i32 to vector<16xi32>
    %select_n3A_1194 = arith.select %eq3A_1188, %add3A_1191, %broadcast_in_dim3A_1193 : vector<16xi1>, vector<16xi32>
    %reduce_min3A_1195 = arith.constant true
    %reduce_min3A_1196 = vector.broadcast %reduce_min3A_1195 : i1 to vector<16xi1>
    %reduce_min3A_1197 = arith.constant -2147483648 : i32
    %reduce_min3A_1198 = vector.broadcast %reduce_min3A_1197 : i32 to vector<16xi32>
    %reduce_min3A_1199 = arith.xori %select_n3A_1194, %reduce_min3A_1198 : vector<16xi32>
    %reduce_min3A_1200 = tpu.scan <min>, %reduce_min3A_1199 masked %reduce_min3A_1196 : vector<16xi32>, vector<16xi1> -> vector<16xi32>
    %reduce_min3A_1201 = arith.xori %reduce_min3A_1200, %reduce_min3A_1198 : vector<16xi32>
    %reduce_min3A_1202 = vector.extract %reduce_min3A_1201[15] : i32 from vector<16xi32>
    %min3A_1203 = arith.minsi %min3A_1186, %reduce_min3A_1202 : i32
    %add3A_1204 = arith.constant 0 : i32
    %add3A_1205 = vector.broadcast %add3A_1204 : i32 to vector<16xi32>
    %add3A_1206 = arith.addi %iota3A, %add3A_1205 : vector<16xi32>
    %eq3A_1207 = vector.broadcast %min3A_1203 : i32 to vector<16xi32>
    %eq3A_1208 = arith.cmpi eq, %add3A_1206, %eq3A_1207 : vector<16xi32>
    %select_n3A_1209 = arith.select %eq3A_1208, %exp3A_998, %select_n3A_1097 : vector<16xi1>, vector<16xf32>
    %jit3A_1210 = arith.constant 0xFF800000 : f32
    %broadcast_in_dim3A_1211 = vector.broadcast %jit3A_1210 : f32 to vector<16xf32>
    %select_n3A_1212 = arith.select %eq3A_1208, %broadcast_in_dim3A_1211, %select_n3A_1100 : vector<16xi1>, vector<16xf32>
    %add3A_1213 = arith.constant 16 : i32
    %add3A_1214 = vector.broadcast %add3A_1213 : i32 to vector<16xi32>
    %add3A_1215 = arith.addi %iota3A, %add3A_1214 : vector<16xi32>
    %eq3A_1216 = vector.broadcast %min3A_1203 : i32 to vector<16xi32>
    %eq3A_1217 = arith.cmpi eq, %add3A_1215, %eq3A_1216 : vector<16xi32>
    %select_n3A_1218 = arith.select %eq3A_1217, %exp3A_1001, %select_n3A_1106 : vector<16xi1>, vector<16xf32>
    %jit3A_1219 = arith.constant 0xFF800000 : f32
    %broadcast_in_dim3A_1220 = vector.broadcast %jit3A_1219 : f32 to vector<16xf32>
    %select_n3A_1221 = arith.select %eq3A_1217, %broadcast_in_dim3A_1220, %select_n3A_1109 : vector<16xi1>, vector<16xf32>
    %add3A_1222 = arith.constant 32 : i32
    %add3A_1223 = vector.broadcast %add3A_1222 : i32 to vector<16xi32>
    %add3A_1224 = arith.addi %iota3A, %add3A_1223 : vector<16xi32>
    %eq3A_1225 = vector.broadcast %min3A_1203 : i32 to vector<16xi32>
    %eq3A_1226 = arith.cmpi eq, %add3A_1224, %eq3A_1225 : vector<16xi32>
    %select_n3A_1227 = arith.select %eq3A_1226, %exp3A_1004, %select_n3A_1115 : vector<16xi1>, vector<16xf32>
    %jit3A_1228 = arith.constant 0xFF800000 : f32
    %broadcast_in_dim3A_1229 = vector.broadcast %jit3A_1228 : f32 to vector<16xf32>
    %select_n3A_1230 = arith.select %eq3A_1226, %broadcast_in_dim3A_1229, %select_n3A_1118 : vector<16xi1>, vector<16xf32>
    %add3A_1231 = arith.constant 48 : i32
    %add3A_1232 = vector.broadcast %add3A_1231 : i32 to vector<16xi32>
    %add3A_1233 = arith.addi %iota3A, %add3A_1232 : vector<16xi32>
    %eq3A_1234 = vector.broadcast %min3A_1203 : i32 to vector<16xi32>
    %eq3A_1235 = arith.cmpi eq, %add3A_1233, %eq3A_1234 : vector<16xi32>
    %select_n3A_1236 = arith.select %eq3A_1235, %exp3A_1007, %select_n3A_1124 : vector<16xi1>, vector<16xf32>
    %jit3A_1237 = arith.constant 0xFF800000 : f32
    %broadcast_in_dim3A_1238 = vector.broadcast %jit3A_1237 : f32 to vector<16xf32>
    %select_n3A_1239 = arith.select %eq3A_1235, %broadcast_in_dim3A_1238, %select_n3A_1127 : vector<16xi1>, vector<16xf32>
    %max3A_1240 = arith.maximumf %select_n3A_1212, %select_n3A_1221 : vector<16xf32>
    %max3A_1241 = arith.maximumf %select_n3A_1230, %select_n3A_1239 : vector<16xf32>
    %max3A_1242 = arith.maximumf %max3A_1240, %max3A_1241 : vector<16xf32>
    %reduce_max3A_1243 = arith.constant true
    %reduce_max3A_1244 = vector.broadcast %reduce_max3A_1243 : i1 to vector<16xi1>
    %reduce_max3A_1245 = tpu.scan <max>, %max3A_1242 masked %reduce_max3A_1244 : vector<16xf32>, vector<16xi1> -> vector<16xf32>
    %reduce_max3A_1246 = vector.extract %reduce_max3A_1245[15] : f32 from vector<16xf32>
    %eq3A_1247 = vector.broadcast %reduce_max3A_1246 : f32 to vector<16xf32>
    %eq3A_1248 = arith.cmpf oeq, %select_n3A_1212, %eq3A_1247 : vector<16xf32>
    %add3A_1249 = arith.constant 0 : i32
    %add3A_1250 = vector.broadcast %add3A_1249 : i32 to vector<16xi32>
    %add3A_1251 = arith.addi %iota3A, %add3A_1250 : vector<16xi32>
    %jit3A_1252 = arith.constant 64 : i32
    %broadcast_in_dim3A_1253 = vector.broadcast %jit3A_1252 : i32 to vector<16xi32>
    %select_n3A_1254 = arith.select %eq3A_1248, %add3A_1251, %broadcast_in_dim3A_1253 : vector<16xi1>, vector<16xi32>
    %reduce_min3A_1255 = arith.constant true
    %reduce_min3A_1256 = vector.broadcast %reduce_min3A_1255 : i1 to vector<16xi1>
    %reduce_min3A_1257 = arith.constant -2147483648 : i32
    %reduce_min3A_1258 = vector.broadcast %reduce_min3A_1257 : i32 to vector<16xi32>
    %reduce_min3A_1259 = arith.xori %select_n3A_1254, %reduce_min3A_1258 : vector<16xi32>
    %reduce_min3A_1260 = tpu.scan <min>, %reduce_min3A_1259 masked %reduce_min3A_1256 : vector<16xi32>, vector<16xi1> -> vector<16xi32>
    %reduce_min3A_1261 = arith.xori %reduce_min3A_1260, %reduce_min3A_1258 : vector<16xi32>
    %reduce_min3A_1262 = vector.extract %reduce_min3A_1261[15] : i32 from vector<16xi32>
    %min3A_1263 = arith.constant 64 : i32
    %min3A_1264 = arith.minsi %min3A_1263, %reduce_min3A_1262 : i32
    %eq3A_1265 = vector.broadcast %reduce_max3A_1246 : f32 to vector<16xf32>
    %eq3A_1266 = arith.cmpf oeq, %select_n3A_1221, %eq3A_1265 : vector<16xf32>
    %add3A_1267 = arith.constant 16 : i32
    %add3A_1268 = vector.broadcast %add3A_1267 : i32 to vector<16xi32>
    %add3A_1269 = arith.addi %iota3A, %add3A_1268 : vector<16xi32>
    %jit3A_1270 = arith.constant 64 : i32
    %broadcast_in_dim3A_1271 = vector.broadcast %jit3A_1270 : i32 to vector<16xi32>
    %select_n3A_1272 = arith.select %eq3A_1266, %add3A_1269, %broadcast_in_dim3A_1271 : vector<16xi1>, vector<16xi32>
    %reduce_min3A_1273 = arith.constant true
    %reduce_min3A_1274 = vector.broadcast %reduce_min3A_1273 : i1 to vector<16xi1>
    %reduce_min3A_1275 = arith.constant -2147483648 : i32
    %reduce_min3A_1276 = vector.broadcast %reduce_min3A_1275 : i32 to vector<16xi32>
    %reduce_min3A_1277 = arith.xori %select_n3A_1272, %reduce_min3A_1276 : vector<16xi32>
    %reduce_min3A_1278 = tpu.scan <min>, %reduce_min3A_1277 masked %reduce_min3A_1274 : vector<16xi32>, vector<16xi1> -> vector<16xi32>
    %reduce_min3A_1279 = arith.xori %reduce_min3A_1278, %reduce_min3A_1276 : vector<16xi32>
    %reduce_min3A_1280 = vector.extract %reduce_min3A_1279[15] : i32 from vector<16xi32>
    %min3A_1281 = arith.minsi %min3A_1264, %reduce_min3A_1280 : i32
    %eq3A_1282 = vector.broadcast %reduce_max3A_1246 : f32 to vector<16xf32>
    %eq3A_1283 = arith.cmpf oeq, %select_n3A_1230, %eq3A_1282 : vector<16xf32>
    %add3A_1284 = arith.constant 32 : i32
    %add3A_1285 = vector.broadcast %add3A_1284 : i32 to vector<16xi32>
    %add3A_1286 = arith.addi %iota3A, %add3A_1285 : vector<16xi32>
    %jit3A_1287 = arith.constant 64 : i32
    %broadcast_in_dim3A_1288 = vector.broadcast %jit3A_1287 : i32 to vector<16xi32>
    %select_n3A_1289 = arith.select %eq3A_1283, %add3A_1286, %broadcast_in_dim3A_1288 : vector<16xi1>, vector<16xi32>
    %reduce_min3A_1290 = arith.constant true
    %reduce_min3A_1291 = vector.broadcast %reduce_min3A_1290 : i1 to vector<16xi1>
    %reduce_min3A_1292 = arith.constant -2147483648 : i32
    %reduce_min3A_1293 = vector.broadcast %reduce_min3A_1292 : i32 to vector<16xi32>
    %reduce_min3A_1294 = arith.xori %select_n3A_1289, %reduce_min3A_1293 : vector<16xi32>
    %reduce_min3A_1295 = tpu.scan <min>, %reduce_min3A_1294 masked %reduce_min3A_1291 : vector<16xi32>, vector<16xi1> -> vector<16xi32>
    %reduce_min3A_1296 = arith.xori %reduce_min3A_1295, %reduce_min3A_1293 : vector<16xi32>
    %reduce_min3A_1297 = vector.extract %reduce_min3A_1296[15] : i32 from vector<16xi32>
    %min3A_1298 = arith.minsi %min3A_1281, %reduce_min3A_1297 : i32
    %eq3A_1299 = vector.broadcast %reduce_max3A_1246 : f32 to vector<16xf32>
    %eq3A_1300 = arith.cmpf oeq, %select_n3A_1239, %eq3A_1299 : vector<16xf32>
    %add3A_1301 = arith.constant 48 : i32
    %add3A_1302 = vector.broadcast %add3A_1301 : i32 to vector<16xi32>
    %add3A_1303 = arith.addi %iota3A, %add3A_1302 : vector<16xi32>
    %jit3A_1304 = arith.constant 64 : i32
    %broadcast_in_dim3A_1305 = vector.broadcast %jit3A_1304 : i32 to vector<16xi32>
    %select_n3A_1306 = arith.select %eq3A_1300, %add3A_1303, %broadcast_in_dim3A_1305 : vector<16xi1>, vector<16xi32>
    %reduce_min3A_1307 = arith.constant true
    %reduce_min3A_1308 = vector.broadcast %reduce_min3A_1307 : i1 to vector<16xi1>
    %reduce_min3A_1309 = arith.constant -2147483648 : i32
    %reduce_min3A_1310 = vector.broadcast %reduce_min3A_1309 : i32 to vector<16xi32>
    %reduce_min3A_1311 = arith.xori %select_n3A_1306, %reduce_min3A_1310 : vector<16xi32>
    %reduce_min3A_1312 = tpu.scan <min>, %reduce_min3A_1311 masked %reduce_min3A_1308 : vector<16xi32>, vector<16xi1> -> vector<16xi32>
    %reduce_min3A_1313 = arith.xori %reduce_min3A_1312, %reduce_min3A_1310 : vector<16xi32>
    %reduce_min3A_1314 = vector.extract %reduce_min3A_1313[15] : i32 from vector<16xi32>
    %min3A_1315 = arith.minsi %min3A_1298, %reduce_min3A_1314 : i32
    %add3A_1316 = arith.constant 0 : i32
    %add3A_1317 = vector.broadcast %add3A_1316 : i32 to vector<16xi32>
    %add3A_1318 = arith.addi %iota3A, %add3A_1317 : vector<16xi32>
    %eq3A_1319 = vector.broadcast %min3A_1315 : i32 to vector<16xi32>
    %eq3A_1320 = arith.cmpi eq, %add3A_1318, %eq3A_1319 : vector<16xi32>
    %select_n3A_1321 = arith.select %eq3A_1320, %exp3A_998, %select_n3A_1209 : vector<16xi1>, vector<16xf32>
    %jit3A_1322 = arith.constant 0xFF800000 : f32
    %broadcast_in_dim3A_1323 = vector.broadcast %jit3A_1322 : f32 to vector<16xf32>
    %select_n3A_1324 = arith.select %eq3A_1320, %broadcast_in_dim3A_1323, %select_n3A_1212 : vector<16xi1>, vector<16xf32>
    %add3A_1325 = arith.constant 16 : i32
    %add3A_1326 = vector.broadcast %add3A_1325 : i32 to vector<16xi32>
    %add3A_1327 = arith.addi %iota3A, %add3A_1326 : vector<16xi32>
    %eq3A_1328 = vector.broadcast %min3A_1315 : i32 to vector<16xi32>
    %eq3A_1329 = arith.cmpi eq, %add3A_1327, %eq3A_1328 : vector<16xi32>
    %select_n3A_1330 = arith.select %eq3A_1329, %exp3A_1001, %select_n3A_1218 : vector<16xi1>, vector<16xf32>
    %jit3A_1331 = arith.constant 0xFF800000 : f32
    %broadcast_in_dim3A_1332 = vector.broadcast %jit3A_1331 : f32 to vector<16xf32>
    %select_n3A_1333 = arith.select %eq3A_1329, %broadcast_in_dim3A_1332, %select_n3A_1221 : vector<16xi1>, vector<16xf32>
    %add3A_1334 = arith.constant 32 : i32
    %add3A_1335 = vector.broadcast %add3A_1334 : i32 to vector<16xi32>
    %add3A_1336 = arith.addi %iota3A, %add3A_1335 : vector<16xi32>
    %eq3A_1337 = vector.broadcast %min3A_1315 : i32 to vector<16xi32>
    %eq3A_1338 = arith.cmpi eq, %add3A_1336, %eq3A_1337 : vector<16xi32>
    %select_n3A_1339 = arith.select %eq3A_1338, %exp3A_1004, %select_n3A_1227 : vector<16xi1>, vector<16xf32>
    %jit3A_1340 = arith.constant 0xFF800000 : f32
    %broadcast_in_dim3A_1341 = vector.broadcast %jit3A_1340 : f32 to vector<16xf32>
    %select_n3A_1342 = arith.select %eq3A_1338, %broadcast_in_dim3A_1341, %select_n3A_1230 : vector<16xi1>, vector<16xf32>
    %add3A_1343 = arith.constant 48 : i32
    %add3A_1344 = vector.broadcast %add3A_1343 : i32 to vector<16xi32>
    %add3A_1345 = arith.addi %iota3A, %add3A_1344 : vector<16xi32>
    %eq3A_1346 = vector.broadcast %min3A_1315 : i32 to vector<16xi32>
    %eq3A_1347 = arith.cmpi eq, %add3A_1345, %eq3A_1346 : vector<16xi32>
    %select_n3A_1348 = arith.select %eq3A_1347, %exp3A_1007, %select_n3A_1236 : vector<16xi1>, vector<16xf32>
    %jit3A_1349 = arith.constant 0xFF800000 : f32
    %broadcast_in_dim3A_1350 = vector.broadcast %jit3A_1349 : f32 to vector<16xf32>
    %select_n3A_1351 = arith.select %eq3A_1347, %broadcast_in_dim3A_1350, %select_n3A_1239 : vector<16xi1>, vector<16xf32>
    %max3A_1352 = arith.maximumf %select_n3A_1324, %select_n3A_1333 : vector<16xf32>
    %max3A_1353 = arith.maximumf %select_n3A_1342, %select_n3A_1351 : vector<16xf32>
    %max3A_1354 = arith.maximumf %max3A_1352, %max3A_1353 : vector<16xf32>
    %reduce_max3A_1355 = arith.constant true
    %reduce_max3A_1356 = vector.broadcast %reduce_max3A_1355 : i1 to vector<16xi1>
    %reduce_max3A_1357 = tpu.scan <max>, %max3A_1354 masked %reduce_max3A_1356 : vector<16xf32>, vector<16xi1> -> vector<16xf32>
    %reduce_max3A_1358 = vector.extract %reduce_max3A_1357[15] : f32 from vector<16xf32>
    %eq3A_1359 = vector.broadcast %reduce_max3A_1358 : f32 to vector<16xf32>
    %eq3A_1360 = arith.cmpf oeq, %select_n3A_1324, %eq3A_1359 : vector<16xf32>
    %add3A_1361 = arith.constant 0 : i32
    %add3A_1362 = vector.broadcast %add3A_1361 : i32 to vector<16xi32>
    %add3A_1363 = arith.addi %iota3A, %add3A_1362 : vector<16xi32>
    %jit3A_1364 = arith.constant 64 : i32
    %broadcast_in_dim3A_1365 = vector.broadcast %jit3A_1364 : i32 to vector<16xi32>
    %select_n3A_1366 = arith.select %eq3A_1360, %add3A_1363, %broadcast_in_dim3A_1365 : vector<16xi1>, vector<16xi32>
    %reduce_min3A_1367 = arith.constant true
    %reduce_min3A_1368 = vector.broadcast %reduce_min3A_1367 : i1 to vector<16xi1>
    %reduce_min3A_1369 = arith.constant -2147483648 : i32
    %reduce_min3A_1370 = vector.broadcast %reduce_min3A_1369 : i32 to vector<16xi32>
    %reduce_min3A_1371 = arith.xori %select_n3A_1366, %reduce_min3A_1370 : vector<16xi32>
    %reduce_min3A_1372 = tpu.scan <min>, %reduce_min3A_1371 masked %reduce_min3A_1368 : vector<16xi32>, vector<16xi1> -> vector<16xi32>
    %reduce_min3A_1373 = arith.xori %reduce_min3A_1372, %reduce_min3A_1370 : vector<16xi32>
    %reduce_min3A_1374 = vector.extract %reduce_min3A_1373[15] : i32 from vector<16xi32>
    %min3A_1375 = arith.constant 64 : i32
    %min3A_1376 = arith.minsi %min3A_1375, %reduce_min3A_1374 : i32
    %eq3A_1377 = vector.broadcast %reduce_max3A_1358 : f32 to vector<16xf32>
    %eq3A_1378 = arith.cmpf oeq, %select_n3A_1333, %eq3A_1377 : vector<16xf32>
    %add3A_1379 = arith.constant 16 : i32
    %add3A_1380 = vector.broadcast %add3A_1379 : i32 to vector<16xi32>
    %add3A_1381 = arith.addi %iota3A, %add3A_1380 : vector<16xi32>
    %jit3A_1382 = arith.constant 64 : i32
    %broadcast_in_dim3A_1383 = vector.broadcast %jit3A_1382 : i32 to vector<16xi32>
    %select_n3A_1384 = arith.select %eq3A_1378, %add3A_1381, %broadcast_in_dim3A_1383 : vector<16xi1>, vector<16xi32>
    %reduce_min3A_1385 = arith.constant true
    %reduce_min3A_1386 = vector.broadcast %reduce_min3A_1385 : i1 to vector<16xi1>
    %reduce_min3A_1387 = arith.constant -2147483648 : i32
    %reduce_min3A_1388 = vector.broadcast %reduce_min3A_1387 : i32 to vector<16xi32>
    %reduce_min3A_1389 = arith.xori %select_n3A_1384, %reduce_min3A_1388 : vector<16xi32>
    %reduce_min3A_1390 = tpu.scan <min>, %reduce_min3A_1389 masked %reduce_min3A_1386 : vector<16xi32>, vector<16xi1> -> vector<16xi32>
    %reduce_min3A_1391 = arith.xori %reduce_min3A_1390, %reduce_min3A_1388 : vector<16xi32>
    %reduce_min3A_1392 = vector.extract %reduce_min3A_1391[15] : i32 from vector<16xi32>
    %min3A_1393 = arith.minsi %min3A_1376, %reduce_min3A_1392 : i32
    %eq3A_1394 = vector.broadcast %reduce_max3A_1358 : f32 to vector<16xf32>
    %eq3A_1395 = arith.cmpf oeq, %select_n3A_1342, %eq3A_1394 : vector<16xf32>
    %add3A_1396 = arith.constant 32 : i32
    %add3A_1397 = vector.broadcast %add3A_1396 : i32 to vector<16xi32>
    %add3A_1398 = arith.addi %iota3A, %add3A_1397 : vector<16xi32>
    %jit3A_1399 = arith.constant 64 : i32
    %broadcast_in_dim3A_1400 = vector.broadcast %jit3A_1399 : i32 to vector<16xi32>
    %select_n3A_1401 = arith.select %eq3A_1395, %add3A_1398, %broadcast_in_dim3A_1400 : vector<16xi1>, vector<16xi32>
    %reduce_min3A_1402 = arith.constant true
    %reduce_min3A_1403 = vector.broadcast %reduce_min3A_1402 : i1 to vector<16xi1>
    %reduce_min3A_1404 = arith.constant -2147483648 : i32
    %reduce_min3A_1405 = vector.broadcast %reduce_min3A_1404 : i32 to vector<16xi32>
    %reduce_min3A_1406 = arith.xori %select_n3A_1401, %reduce_min3A_1405 : vector<16xi32>
    %reduce_min3A_1407 = tpu.scan <min>, %reduce_min3A_1406 masked %reduce_min3A_1403 : vector<16xi32>, vector<16xi1> -> vector<16xi32>
    %reduce_min3A_1408 = arith.xori %reduce_min3A_1407, %reduce_min3A_1405 : vector<16xi32>
    %reduce_min3A_1409 = vector.extract %reduce_min3A_1408[15] : i32 from vector<16xi32>
    %min3A_1410 = arith.minsi %min3A_1393, %reduce_min3A_1409 : i32
    %eq3A_1411 = vector.broadcast %reduce_max3A_1358 : f32 to vector<16xf32>
    %eq3A_1412 = arith.cmpf oeq, %select_n3A_1351, %eq3A_1411 : vector<16xf32>
    %add3A_1413 = arith.constant 48 : i32
    %add3A_1414 = vector.broadcast %add3A_1413 : i32 to vector<16xi32>
    %add3A_1415 = arith.addi %iota3A, %add3A_1414 : vector<16xi32>
    %jit3A_1416 = arith.constant 64 : i32
    %broadcast_in_dim3A_1417 = vector.broadcast %jit3A_1416 : i32 to vector<16xi32>
    %select_n3A_1418 = arith.select %eq3A_1412, %add3A_1415, %broadcast_in_dim3A_1417 : vector<16xi1>, vector<16xi32>
    %reduce_min3A_1419 = arith.constant true
    %reduce_min3A_1420 = vector.broadcast %reduce_min3A_1419 : i1 to vector<16xi1>
    %reduce_min3A_1421 = arith.constant -2147483648 : i32
    %reduce_min3A_1422 = vector.broadcast %reduce_min3A_1421 : i32 to vector<16xi32>
    %reduce_min3A_1423 = arith.xori %select_n3A_1418, %reduce_min3A_1422 : vector<16xi32>
    %reduce_min3A_1424 = tpu.scan <min>, %reduce_min3A_1423 masked %reduce_min3A_1420 : vector<16xi32>, vector<16xi1> -> vector<16xi32>
    %reduce_min3A_1425 = arith.xori %reduce_min3A_1424, %reduce_min3A_1422 : vector<16xi32>
    %reduce_min3A_1426 = vector.extract %reduce_min3A_1425[15] : i32 from vector<16xi32>
    %min3A_1427 = arith.minsi %min3A_1410, %reduce_min3A_1426 : i32
    %add3A_1428 = arith.constant 0 : i32
    %add3A_1429 = vector.broadcast %add3A_1428 : i32 to vector<16xi32>
    %add3A_1430 = arith.addi %iota3A, %add3A_1429 : vector<16xi32>
    %eq3A_1431 = vector.broadcast %min3A_1427 : i32 to vector<16xi32>
    %eq3A_1432 = arith.cmpi eq, %add3A_1430, %eq3A_1431 : vector<16xi32>
    %select_n3A_1433 = arith.select %eq3A_1432, %exp3A_998, %select_n3A_1321 : vector<16xi1>, vector<16xf32>
    %jit3A_1434 = arith.constant 0xFF800000 : f32
    %broadcast_in_dim3A_1435 = vector.broadcast %jit3A_1434 : f32 to vector<16xf32>
    %select_n3A_1436 = arith.select %eq3A_1432, %broadcast_in_dim3A_1435, %select_n3A_1324 : vector<16xi1>, vector<16xf32>
    %add3A_1437 = arith.constant 16 : i32
    %add3A_1438 = vector.broadcast %add3A_1437 : i32 to vector<16xi32>
    %add3A_1439 = arith.addi %iota3A, %add3A_1438 : vector<16xi32>
    %eq3A_1440 = vector.broadcast %min3A_1427 : i32 to vector<16xi32>
    %eq3A_1441 = arith.cmpi eq, %add3A_1439, %eq3A_1440 : vector<16xi32>
    %select_n3A_1442 = arith.select %eq3A_1441, %exp3A_1001, %select_n3A_1330 : vector<16xi1>, vector<16xf32>
    %jit3A_1443 = arith.constant 0xFF800000 : f32
    %broadcast_in_dim3A_1444 = vector.broadcast %jit3A_1443 : f32 to vector<16xf32>
    %select_n3A_1445 = arith.select %eq3A_1441, %broadcast_in_dim3A_1444, %select_n3A_1333 : vector<16xi1>, vector<16xf32>
    %add3A_1446 = arith.constant 32 : i32
    %add3A_1447 = vector.broadcast %add3A_1446 : i32 to vector<16xi32>
    %add3A_1448 = arith.addi %iota3A, %add3A_1447 : vector<16xi32>
    %eq3A_1449 = vector.broadcast %min3A_1427 : i32 to vector<16xi32>
    %eq3A_1450 = arith.cmpi eq, %add3A_1448, %eq3A_1449 : vector<16xi32>
    %select_n3A_1451 = arith.select %eq3A_1450, %exp3A_1004, %select_n3A_1339 : vector<16xi1>, vector<16xf32>
    %jit3A_1452 = arith.constant 0xFF800000 : f32
    %broadcast_in_dim3A_1453 = vector.broadcast %jit3A_1452 : f32 to vector<16xf32>
    %select_n3A_1454 = arith.select %eq3A_1450, %broadcast_in_dim3A_1453, %select_n3A_1342 : vector<16xi1>, vector<16xf32>
    %add3A_1455 = arith.constant 48 : i32
    %add3A_1456 = vector.broadcast %add3A_1455 : i32 to vector<16xi32>
    %add3A_1457 = arith.addi %iota3A, %add3A_1456 : vector<16xi32>
    %eq3A_1458 = vector.broadcast %min3A_1427 : i32 to vector<16xi32>
    %eq3A_1459 = arith.cmpi eq, %add3A_1457, %eq3A_1458 : vector<16xi32>
    %select_n3A_1460 = arith.select %eq3A_1459, %exp3A_1007, %select_n3A_1348 : vector<16xi1>, vector<16xf32>
    %jit3A_1461 = arith.constant 0xFF800000 : f32
    %broadcast_in_dim3A_1462 = vector.broadcast %jit3A_1461 : f32 to vector<16xf32>
    %select_n3A_1463 = arith.select %eq3A_1459, %broadcast_in_dim3A_1462, %select_n3A_1351 : vector<16xi1>, vector<16xf32>
    %max3A_1464 = arith.maximumf %select_n3A_1436, %select_n3A_1445 : vector<16xf32>
    %max3A_1465 = arith.maximumf %select_n3A_1454, %select_n3A_1463 : vector<16xf32>
    %max3A_1466 = arith.maximumf %max3A_1464, %max3A_1465 : vector<16xf32>
    %reduce_max3A_1467 = arith.constant true
    %reduce_max3A_1468 = vector.broadcast %reduce_max3A_1467 : i1 to vector<16xi1>
    %reduce_max3A_1469 = tpu.scan <max>, %max3A_1466 masked %reduce_max3A_1468 : vector<16xf32>, vector<16xi1> -> vector<16xf32>
    %reduce_max3A_1470 = vector.extract %reduce_max3A_1469[15] : f32 from vector<16xf32>
    %eq3A_1471 = vector.broadcast %reduce_max3A_1470 : f32 to vector<16xf32>
    %eq3A_1472 = arith.cmpf oeq, %select_n3A_1436, %eq3A_1471 : vector<16xf32>
    %add3A_1473 = arith.constant 0 : i32
    %add3A_1474 = vector.broadcast %add3A_1473 : i32 to vector<16xi32>
    %add3A_1475 = arith.addi %iota3A, %add3A_1474 : vector<16xi32>
    %jit3A_1476 = arith.constant 64 : i32
    %broadcast_in_dim3A_1477 = vector.broadcast %jit3A_1476 : i32 to vector<16xi32>
    %select_n3A_1478 = arith.select %eq3A_1472, %add3A_1475, %broadcast_in_dim3A_1477 : vector<16xi1>, vector<16xi32>
    %reduce_min3A_1479 = arith.constant true
    %reduce_min3A_1480 = vector.broadcast %reduce_min3A_1479 : i1 to vector<16xi1>
    %reduce_min3A_1481 = arith.constant -2147483648 : i32
    %reduce_min3A_1482 = vector.broadcast %reduce_min3A_1481 : i32 to vector<16xi32>
    %reduce_min3A_1483 = arith.xori %select_n3A_1478, %reduce_min3A_1482 : vector<16xi32>
    %reduce_min3A_1484 = tpu.scan <min>, %reduce_min3A_1483 masked %reduce_min3A_1480 : vector<16xi32>, vector<16xi1> -> vector<16xi32>
    %reduce_min3A_1485 = arith.xori %reduce_min3A_1484, %reduce_min3A_1482 : vector<16xi32>
    %reduce_min3A_1486 = vector.extract %reduce_min3A_1485[15] : i32 from vector<16xi32>
    %min3A_1487 = arith.constant 64 : i32
    %min3A_1488 = arith.minsi %min3A_1487, %reduce_min3A_1486 : i32
    %eq3A_1489 = vector.broadcast %reduce_max3A_1470 : f32 to vector<16xf32>
    %eq3A_1490 = arith.cmpf oeq, %select_n3A_1445, %eq3A_1489 : vector<16xf32>
    %add3A_1491 = arith.constant 16 : i32
    %add3A_1492 = vector.broadcast %add3A_1491 : i32 to vector<16xi32>
    %add3A_1493 = arith.addi %iota3A, %add3A_1492 : vector<16xi32>
    %jit3A_1494 = arith.constant 64 : i32
    %broadcast_in_dim3A_1495 = vector.broadcast %jit3A_1494 : i32 to vector<16xi32>
    %select_n3A_1496 = arith.select %eq3A_1490, %add3A_1493, %broadcast_in_dim3A_1495 : vector<16xi1>, vector<16xi32>
    %reduce_min3A_1497 = arith.constant true
    %reduce_min3A_1498 = vector.broadcast %reduce_min3A_1497 : i1 to vector<16xi1>
    %reduce_min3A_1499 = arith.constant -2147483648 : i32
    %reduce_min3A_1500 = vector.broadcast %reduce_min3A_1499 : i32 to vector<16xi32>
    %reduce_min3A_1501 = arith.xori %select_n3A_1496, %reduce_min3A_1500 : vector<16xi32>
    %reduce_min3A_1502 = tpu.scan <min>, %reduce_min3A_1501 masked %reduce_min3A_1498 : vector<16xi32>, vector<16xi1> -> vector<16xi32>
    %reduce_min3A_1503 = arith.xori %reduce_min3A_1502, %reduce_min3A_1500 : vector<16xi32>
    %reduce_min3A_1504 = vector.extract %reduce_min3A_1503[15] : i32 from vector<16xi32>
    %min3A_1505 = arith.minsi %min3A_1488, %reduce_min3A_1504 : i32
    %eq3A_1506 = vector.broadcast %reduce_max3A_1470 : f32 to vector<16xf32>
    %eq3A_1507 = arith.cmpf oeq, %select_n3A_1454, %eq3A_1506 : vector<16xf32>
    %add3A_1508 = arith.constant 32 : i32
    %add3A_1509 = vector.broadcast %add3A_1508 : i32 to vector<16xi32>
    %add3A_1510 = arith.addi %iota3A, %add3A_1509 : vector<16xi32>
    %jit3A_1511 = arith.constant 64 : i32
    %broadcast_in_dim3A_1512 = vector.broadcast %jit3A_1511 : i32 to vector<16xi32>
    %select_n3A_1513 = arith.select %eq3A_1507, %add3A_1510, %broadcast_in_dim3A_1512 : vector<16xi1>, vector<16xi32>
    %reduce_min3A_1514 = arith.constant true
    %reduce_min3A_1515 = vector.broadcast %reduce_min3A_1514 : i1 to vector<16xi1>
    %reduce_min3A_1516 = arith.constant -2147483648 : i32
    %reduce_min3A_1517 = vector.broadcast %reduce_min3A_1516 : i32 to vector<16xi32>
    %reduce_min3A_1518 = arith.xori %select_n3A_1513, %reduce_min3A_1517 : vector<16xi32>
    %reduce_min3A_1519 = tpu.scan <min>, %reduce_min3A_1518 masked %reduce_min3A_1515 : vector<16xi32>, vector<16xi1> -> vector<16xi32>
    %reduce_min3A_1520 = arith.xori %reduce_min3A_1519, %reduce_min3A_1517 : vector<16xi32>
    %reduce_min3A_1521 = vector.extract %reduce_min3A_1520[15] : i32 from vector<16xi32>
    %min3A_1522 = arith.minsi %min3A_1505, %reduce_min3A_1521 : i32
    %eq3A_1523 = vector.broadcast %reduce_max3A_1470 : f32 to vector<16xf32>
    %eq3A_1524 = arith.cmpf oeq, %select_n3A_1463, %eq3A_1523 : vector<16xf32>
    %add3A_1525 = arith.constant 48 : i32
    %add3A_1526 = vector.broadcast %add3A_1525 : i32 to vector<16xi32>
    %add3A_1527 = arith.addi %iota3A, %add3A_1526 : vector<16xi32>
    %jit3A_1528 = arith.constant 64 : i32
    %broadcast_in_dim3A_1529 = vector.broadcast %jit3A_1528 : i32 to vector<16xi32>
    %select_n3A_1530 = arith.select %eq3A_1524, %add3A_1527, %broadcast_in_dim3A_1529 : vector<16xi1>, vector<16xi32>
    %reduce_min3A_1531 = arith.constant true
    %reduce_min3A_1532 = vector.broadcast %reduce_min3A_1531 : i1 to vector<16xi1>
    %reduce_min3A_1533 = arith.constant -2147483648 : i32
    %reduce_min3A_1534 = vector.broadcast %reduce_min3A_1533 : i32 to vector<16xi32>
    %reduce_min3A_1535 = arith.xori %select_n3A_1530, %reduce_min3A_1534 : vector<16xi32>
    %reduce_min3A_1536 = tpu.scan <min>, %reduce_min3A_1535 masked %reduce_min3A_1532 : vector<16xi32>, vector<16xi1> -> vector<16xi32>
    %reduce_min3A_1537 = arith.xori %reduce_min3A_1536, %reduce_min3A_1534 : vector<16xi32>
    %reduce_min3A_1538 = vector.extract %reduce_min3A_1537[15] : i32 from vector<16xi32>
    %min3A_1539 = arith.minsi %min3A_1522, %reduce_min3A_1538 : i32
    %add3A_1540 = arith.constant 0 : i32
    %add3A_1541 = vector.broadcast %add3A_1540 : i32 to vector<16xi32>
    %add3A_1542 = arith.addi %iota3A, %add3A_1541 : vector<16xi32>
    %eq3A_1543 = vector.broadcast %min3A_1539 : i32 to vector<16xi32>
    %eq3A_1544 = arith.cmpi eq, %add3A_1542, %eq3A_1543 : vector<16xi32>
    %select_n3A_1545 = arith.select %eq3A_1544, %exp3A_998, %select_n3A_1433 : vector<16xi1>, vector<16xf32>
    %jit3A_1546 = arith.constant 0xFF800000 : f32
    %broadcast_in_dim3A_1547 = vector.broadcast %jit3A_1546 : f32 to vector<16xf32>
    %select_n3A_1548 = arith.select %eq3A_1544, %broadcast_in_dim3A_1547, %select_n3A_1436 : vector<16xi1>, vector<16xf32>
    %add3A_1549 = arith.constant 16 : i32
    %add3A_1550 = vector.broadcast %add3A_1549 : i32 to vector<16xi32>
    %add3A_1551 = arith.addi %iota3A, %add3A_1550 : vector<16xi32>
    %eq3A_1552 = vector.broadcast %min3A_1539 : i32 to vector<16xi32>
    %eq3A_1553 = arith.cmpi eq, %add3A_1551, %eq3A_1552 : vector<16xi32>
    %select_n3A_1554 = arith.select %eq3A_1553, %exp3A_1001, %select_n3A_1442 : vector<16xi1>, vector<16xf32>
    %jit3A_1555 = arith.constant 0xFF800000 : f32
    %broadcast_in_dim3A_1556 = vector.broadcast %jit3A_1555 : f32 to vector<16xf32>
    %select_n3A_1557 = arith.select %eq3A_1553, %broadcast_in_dim3A_1556, %select_n3A_1445 : vector<16xi1>, vector<16xf32>
    %add3A_1558 = arith.constant 32 : i32
    %add3A_1559 = vector.broadcast %add3A_1558 : i32 to vector<16xi32>
    %add3A_1560 = arith.addi %iota3A, %add3A_1559 : vector<16xi32>
    %eq3A_1561 = vector.broadcast %min3A_1539 : i32 to vector<16xi32>
    %eq3A_1562 = arith.cmpi eq, %add3A_1560, %eq3A_1561 : vector<16xi32>
    %select_n3A_1563 = arith.select %eq3A_1562, %exp3A_1004, %select_n3A_1451 : vector<16xi1>, vector<16xf32>
    %jit3A_1564 = arith.constant 0xFF800000 : f32
    %broadcast_in_dim3A_1565 = vector.broadcast %jit3A_1564 : f32 to vector<16xf32>
    %select_n3A_1566 = arith.select %eq3A_1562, %broadcast_in_dim3A_1565, %select_n3A_1454 : vector<16xi1>, vector<16xf32>
    %add3A_1567 = arith.constant 48 : i32
    %add3A_1568 = vector.broadcast %add3A_1567 : i32 to vector<16xi32>
    %add3A_1569 = arith.addi %iota3A, %add3A_1568 : vector<16xi32>
    %eq3A_1570 = vector.broadcast %min3A_1539 : i32 to vector<16xi32>
    %eq3A_1571 = arith.cmpi eq, %add3A_1569, %eq3A_1570 : vector<16xi32>
    %select_n3A_1572 = arith.select %eq3A_1571, %exp3A_1007, %select_n3A_1460 : vector<16xi1>, vector<16xf32>
    %jit3A_1573 = arith.constant 0xFF800000 : f32
    %broadcast_in_dim3A_1574 = vector.broadcast %jit3A_1573 : f32 to vector<16xf32>
    %select_n3A_1575 = arith.select %eq3A_1571, %broadcast_in_dim3A_1574, %select_n3A_1463 : vector<16xi1>, vector<16xf32>
    %max3A_1576 = arith.maximumf %select_n3A_1548, %select_n3A_1557 : vector<16xf32>
    %max3A_1577 = arith.maximumf %select_n3A_1566, %select_n3A_1575 : vector<16xf32>
    %max3A_1578 = arith.maximumf %max3A_1576, %max3A_1577 : vector<16xf32>
    %reduce_max3A_1579 = arith.constant true
    %reduce_max3A_1580 = vector.broadcast %reduce_max3A_1579 : i1 to vector<16xi1>
    %reduce_max3A_1581 = tpu.scan <max>, %max3A_1578 masked %reduce_max3A_1580 : vector<16xf32>, vector<16xi1> -> vector<16xf32>
    %reduce_max3A_1582 = vector.extract %reduce_max3A_1581[15] : f32 from vector<16xf32>
    %eq3A_1583 = vector.broadcast %reduce_max3A_1582 : f32 to vector<16xf32>
    %eq3A_1584 = arith.cmpf oeq, %select_n3A_1548, %eq3A_1583 : vector<16xf32>
    %add3A_1585 = arith.constant 0 : i32
    %add3A_1586 = vector.broadcast %add3A_1585 : i32 to vector<16xi32>
    %add3A_1587 = arith.addi %iota3A, %add3A_1586 : vector<16xi32>
    %jit3A_1588 = arith.constant 64 : i32
    %broadcast_in_dim3A_1589 = vector.broadcast %jit3A_1588 : i32 to vector<16xi32>
    %select_n3A_1590 = arith.select %eq3A_1584, %add3A_1587, %broadcast_in_dim3A_1589 : vector<16xi1>, vector<16xi32>
    %reduce_min3A_1591 = arith.constant true
    %reduce_min3A_1592 = vector.broadcast %reduce_min3A_1591 : i1 to vector<16xi1>
    %reduce_min3A_1593 = arith.constant -2147483648 : i32
    %reduce_min3A_1594 = vector.broadcast %reduce_min3A_1593 : i32 to vector<16xi32>
    %reduce_min3A_1595 = arith.xori %select_n3A_1590, %reduce_min3A_1594 : vector<16xi32>
    %reduce_min3A_1596 = tpu.scan <min>, %reduce_min3A_1595 masked %reduce_min3A_1592 : vector<16xi32>, vector<16xi1> -> vector<16xi32>
    %reduce_min3A_1597 = arith.xori %reduce_min3A_1596, %reduce_min3A_1594 : vector<16xi32>
    %reduce_min3A_1598 = vector.extract %reduce_min3A_1597[15] : i32 from vector<16xi32>
    %min3A_1599 = arith.constant 64 : i32
    %min3A_1600 = arith.minsi %min3A_1599, %reduce_min3A_1598 : i32
    %eq3A_1601 = vector.broadcast %reduce_max3A_1582 : f32 to vector<16xf32>
    %eq3A_1602 = arith.cmpf oeq, %select_n3A_1557, %eq3A_1601 : vector<16xf32>
    %add3A_1603 = arith.constant 16 : i32
    %add3A_1604 = vector.broadcast %add3A_1603 : i32 to vector<16xi32>
    %add3A_1605 = arith.addi %iota3A, %add3A_1604 : vector<16xi32>
    %jit3A_1606 = arith.constant 64 : i32
    %broadcast_in_dim3A_1607 = vector.broadcast %jit3A_1606 : i32 to vector<16xi32>
    %select_n3A_1608 = arith.select %eq3A_1602, %add3A_1605, %broadcast_in_dim3A_1607 : vector<16xi1>, vector<16xi32>
    %reduce_min3A_1609 = arith.constant true
    %reduce_min3A_1610 = vector.broadcast %reduce_min3A_1609 : i1 to vector<16xi1>
    %reduce_min3A_1611 = arith.constant -2147483648 : i32
    %reduce_min3A_1612 = vector.broadcast %reduce_min3A_1611 : i32 to vector<16xi32>
    %reduce_min3A_1613 = arith.xori %select_n3A_1608, %reduce_min3A_1612 : vector<16xi32>
    %reduce_min3A_1614 = tpu.scan <min>, %reduce_min3A_1613 masked %reduce_min3A_1610 : vector<16xi32>, vector<16xi1> -> vector<16xi32>
    %reduce_min3A_1615 = arith.xori %reduce_min3A_1614, %reduce_min3A_1612 : vector<16xi32>
    %reduce_min3A_1616 = vector.extract %reduce_min3A_1615[15] : i32 from vector<16xi32>
    %min3A_1617 = arith.minsi %min3A_1600, %reduce_min3A_1616 : i32
    %eq3A_1618 = vector.broadcast %reduce_max3A_1582 : f32 to vector<16xf32>
    %eq3A_1619 = arith.cmpf oeq, %select_n3A_1566, %eq3A_1618 : vector<16xf32>
    %add3A_1620 = arith.constant 32 : i32
    %add3A_1621 = vector.broadcast %add3A_1620 : i32 to vector<16xi32>
    %add3A_1622 = arith.addi %iota3A, %add3A_1621 : vector<16xi32>
    %jit3A_1623 = arith.constant 64 : i32
    %broadcast_in_dim3A_1624 = vector.broadcast %jit3A_1623 : i32 to vector<16xi32>
    %select_n3A_1625 = arith.select %eq3A_1619, %add3A_1622, %broadcast_in_dim3A_1624 : vector<16xi1>, vector<16xi32>
    %reduce_min3A_1626 = arith.constant true
    %reduce_min3A_1627 = vector.broadcast %reduce_min3A_1626 : i1 to vector<16xi1>
    %reduce_min3A_1628 = arith.constant -2147483648 : i32
    %reduce_min3A_1629 = vector.broadcast %reduce_min3A_1628 : i32 to vector<16xi32>
    %reduce_min3A_1630 = arith.xori %select_n3A_1625, %reduce_min3A_1629 : vector<16xi32>
    %reduce_min3A_1631 = tpu.scan <min>, %reduce_min3A_1630 masked %reduce_min3A_1627 : vector<16xi32>, vector<16xi1> -> vector<16xi32>
    %reduce_min3A_1632 = arith.xori %reduce_min3A_1631, %reduce_min3A_1629 : vector<16xi32>
    %reduce_min3A_1633 = vector.extract %reduce_min3A_1632[15] : i32 from vector<16xi32>
    %min3A_1634 = arith.minsi %min3A_1617, %reduce_min3A_1633 : i32
    %eq3A_1635 = vector.broadcast %reduce_max3A_1582 : f32 to vector<16xf32>
    %eq3A_1636 = arith.cmpf oeq, %select_n3A_1575, %eq3A_1635 : vector<16xf32>
    %add3A_1637 = arith.constant 48 : i32
    %add3A_1638 = vector.broadcast %add3A_1637 : i32 to vector<16xi32>
    %add3A_1639 = arith.addi %iota3A, %add3A_1638 : vector<16xi32>
    %jit3A_1640 = arith.constant 64 : i32
    %broadcast_in_dim3A_1641 = vector.broadcast %jit3A_1640 : i32 to vector<16xi32>
    %select_n3A_1642 = arith.select %eq3A_1636, %add3A_1639, %broadcast_in_dim3A_1641 : vector<16xi1>, vector<16xi32>
    %reduce_min3A_1643 = arith.constant true
    %reduce_min3A_1644 = vector.broadcast %reduce_min3A_1643 : i1 to vector<16xi1>
    %reduce_min3A_1645 = arith.constant -2147483648 : i32
    %reduce_min3A_1646 = vector.broadcast %reduce_min3A_1645 : i32 to vector<16xi32>
    %reduce_min3A_1647 = arith.xori %select_n3A_1642, %reduce_min3A_1646 : vector<16xi32>
    %reduce_min3A_1648 = tpu.scan <min>, %reduce_min3A_1647 masked %reduce_min3A_1644 : vector<16xi32>, vector<16xi1> -> vector<16xi32>
    %reduce_min3A_1649 = arith.xori %reduce_min3A_1648, %reduce_min3A_1646 : vector<16xi32>
    %reduce_min3A_1650 = vector.extract %reduce_min3A_1649[15] : i32 from vector<16xi32>
    %min3A_1651 = arith.minsi %min3A_1634, %reduce_min3A_1650 : i32
    %add3A_1652 = arith.constant 0 : i32
    %add3A_1653 = vector.broadcast %add3A_1652 : i32 to vector<16xi32>
    %add3A_1654 = arith.addi %iota3A, %add3A_1653 : vector<16xi32>
    %eq3A_1655 = vector.broadcast %min3A_1651 : i32 to vector<16xi32>
    %eq3A_1656 = arith.cmpi eq, %add3A_1654, %eq3A_1655 : vector<16xi32>
    %select_n3A_1657 = arith.select %eq3A_1656, %exp3A_998, %select_n3A_1545 : vector<16xi1>, vector<16xf32>
    %jit3A_1658 = arith.constant 0xFF800000 : f32
    %broadcast_in_dim3A_1659 = vector.broadcast %jit3A_1658 : f32 to vector<16xf32>
    %select_n3A_1660 = arith.select %eq3A_1656, %broadcast_in_dim3A_1659, %select_n3A_1548 : vector<16xi1>, vector<16xf32>
    %add3A_1661 = arith.constant 16 : i32
    %add3A_1662 = vector.broadcast %add3A_1661 : i32 to vector<16xi32>
    %add3A_1663 = arith.addi %iota3A, %add3A_1662 : vector<16xi32>
    %eq3A_1664 = vector.broadcast %min3A_1651 : i32 to vector<16xi32>
    %eq3A_1665 = arith.cmpi eq, %add3A_1663, %eq3A_1664 : vector<16xi32>
    %select_n3A_1666 = arith.select %eq3A_1665, %exp3A_1001, %select_n3A_1554 : vector<16xi1>, vector<16xf32>
    %jit3A_1667 = arith.constant 0xFF800000 : f32
    %broadcast_in_dim3A_1668 = vector.broadcast %jit3A_1667 : f32 to vector<16xf32>
    %select_n3A_1669 = arith.select %eq3A_1665, %broadcast_in_dim3A_1668, %select_n3A_1557 : vector<16xi1>, vector<16xf32>
    %add3A_1670 = arith.constant 32 : i32
    %add3A_1671 = vector.broadcast %add3A_1670 : i32 to vector<16xi32>
    %add3A_1672 = arith.addi %iota3A, %add3A_1671 : vector<16xi32>
    %eq3A_1673 = vector.broadcast %min3A_1651 : i32 to vector<16xi32>
    %eq3A_1674 = arith.cmpi eq, %add3A_1672, %eq3A_1673 : vector<16xi32>
    %select_n3A_1675 = arith.select %eq3A_1674, %exp3A_1004, %select_n3A_1563 : vector<16xi1>, vector<16xf32>
    %jit3A_1676 = arith.constant 0xFF800000 : f32
    %broadcast_in_dim3A_1677 = vector.broadcast %jit3A_1676 : f32 to vector<16xf32>
    %select_n3A_1678 = arith.select %eq3A_1674, %broadcast_in_dim3A_1677, %select_n3A_1566 : vector<16xi1>, vector<16xf32>
    %add3A_1679 = arith.constant 48 : i32
    %add3A_1680 = vector.broadcast %add3A_1679 : i32 to vector<16xi32>
    %add3A_1681 = arith.addi %iota3A, %add3A_1680 : vector<16xi32>
    %eq3A_1682 = vector.broadcast %min3A_1651 : i32 to vector<16xi32>
    %eq3A_1683 = arith.cmpi eq, %add3A_1681, %eq3A_1682 : vector<16xi32>
    %select_n3A_1684 = arith.select %eq3A_1683, %exp3A_1007, %select_n3A_1572 : vector<16xi1>, vector<16xf32>
    %jit3A_1685 = arith.constant 0xFF800000 : f32
    %broadcast_in_dim3A_1686 = vector.broadcast %jit3A_1685 : f32 to vector<16xf32>
    %select_n3A_1687 = arith.select %eq3A_1683, %broadcast_in_dim3A_1686, %select_n3A_1575 : vector<16xi1>, vector<16xf32>
    %max3A_1688 = arith.maximumf %select_n3A_1660, %select_n3A_1669 : vector<16xf32>
    %max3A_1689 = arith.maximumf %select_n3A_1678, %select_n3A_1687 : vector<16xf32>
    %max3A_1690 = arith.maximumf %max3A_1688, %max3A_1689 : vector<16xf32>
    %reduce_max3A_1691 = arith.constant true
    %reduce_max3A_1692 = vector.broadcast %reduce_max3A_1691 : i1 to vector<16xi1>
    %reduce_max3A_1693 = tpu.scan <max>, %max3A_1690 masked %reduce_max3A_1692 : vector<16xf32>, vector<16xi1> -> vector<16xf32>
    %reduce_max3A_1694 = vector.extract %reduce_max3A_1693[15] : f32 from vector<16xf32>
    %eq3A_1695 = vector.broadcast %reduce_max3A_1694 : f32 to vector<16xf32>
    %eq3A_1696 = arith.cmpf oeq, %select_n3A_1660, %eq3A_1695 : vector<16xf32>
    %add3A_1697 = arith.constant 0 : i32
    %add3A_1698 = vector.broadcast %add3A_1697 : i32 to vector<16xi32>
    %add3A_1699 = arith.addi %iota3A, %add3A_1698 : vector<16xi32>
    %jit3A_1700 = arith.constant 64 : i32
    %broadcast_in_dim3A_1701 = vector.broadcast %jit3A_1700 : i32 to vector<16xi32>
    %select_n3A_1702 = arith.select %eq3A_1696, %add3A_1699, %broadcast_in_dim3A_1701 : vector<16xi1>, vector<16xi32>
    %reduce_min3A_1703 = arith.constant true
    %reduce_min3A_1704 = vector.broadcast %reduce_min3A_1703 : i1 to vector<16xi1>
    %reduce_min3A_1705 = arith.constant -2147483648 : i32
    %reduce_min3A_1706 = vector.broadcast %reduce_min3A_1705 : i32 to vector<16xi32>
    %reduce_min3A_1707 = arith.xori %select_n3A_1702, %reduce_min3A_1706 : vector<16xi32>
    %reduce_min3A_1708 = tpu.scan <min>, %reduce_min3A_1707 masked %reduce_min3A_1704 : vector<16xi32>, vector<16xi1> -> vector<16xi32>
    %reduce_min3A_1709 = arith.xori %reduce_min3A_1708, %reduce_min3A_1706 : vector<16xi32>
    %reduce_min3A_1710 = vector.extract %reduce_min3A_1709[15] : i32 from vector<16xi32>
    %min3A_1711 = arith.constant 64 : i32
    %min3A_1712 = arith.minsi %min3A_1711, %reduce_min3A_1710 : i32
    %eq3A_1713 = vector.broadcast %reduce_max3A_1694 : f32 to vector<16xf32>
    %eq3A_1714 = arith.cmpf oeq, %select_n3A_1669, %eq3A_1713 : vector<16xf32>
    %add3A_1715 = arith.constant 16 : i32
    %add3A_1716 = vector.broadcast %add3A_1715 : i32 to vector<16xi32>
    %add3A_1717 = arith.addi %iota3A, %add3A_1716 : vector<16xi32>
    %jit3A_1718 = arith.constant 64 : i32
    %broadcast_in_dim3A_1719 = vector.broadcast %jit3A_1718 : i32 to vector<16xi32>
    %select_n3A_1720 = arith.select %eq3A_1714, %add3A_1717, %broadcast_in_dim3A_1719 : vector<16xi1>, vector<16xi32>
    %reduce_min3A_1721 = arith.constant true
    %reduce_min3A_1722 = vector.broadcast %reduce_min3A_1721 : i1 to vector<16xi1>
    %reduce_min3A_1723 = arith.constant -2147483648 : i32
    %reduce_min3A_1724 = vector.broadcast %reduce_min3A_1723 : i32 to vector<16xi32>
    %reduce_min3A_1725 = arith.xori %select_n3A_1720, %reduce_min3A_1724 : vector<16xi32>
    %reduce_min3A_1726 = tpu.scan <min>, %reduce_min3A_1725 masked %reduce_min3A_1722 : vector<16xi32>, vector<16xi1> -> vector<16xi32>
    %reduce_min3A_1727 = arith.xori %reduce_min3A_1726, %reduce_min3A_1724 : vector<16xi32>
    %reduce_min3A_1728 = vector.extract %reduce_min3A_1727[15] : i32 from vector<16xi32>
    %min3A_1729 = arith.minsi %min3A_1712, %reduce_min3A_1728 : i32
    %eq3A_1730 = vector.broadcast %reduce_max3A_1694 : f32 to vector<16xf32>
    %eq3A_1731 = arith.cmpf oeq, %select_n3A_1678, %eq3A_1730 : vector<16xf32>
    %add3A_1732 = arith.constant 32 : i32
    %add3A_1733 = vector.broadcast %add3A_1732 : i32 to vector<16xi32>
    %add3A_1734 = arith.addi %iota3A, %add3A_1733 : vector<16xi32>
    %jit3A_1735 = arith.constant 64 : i32
    %broadcast_in_dim3A_1736 = vector.broadcast %jit3A_1735 : i32 to vector<16xi32>
    %select_n3A_1737 = arith.select %eq3A_1731, %add3A_1734, %broadcast_in_dim3A_1736 : vector<16xi1>, vector<16xi32>
    %reduce_min3A_1738 = arith.constant true
    %reduce_min3A_1739 = vector.broadcast %reduce_min3A_1738 : i1 to vector<16xi1>
    %reduce_min3A_1740 = arith.constant -2147483648 : i32
    %reduce_min3A_1741 = vector.broadcast %reduce_min3A_1740 : i32 to vector<16xi32>
    %reduce_min3A_1742 = arith.xori %select_n3A_1737, %reduce_min3A_1741 : vector<16xi32>
    %reduce_min3A_1743 = tpu.scan <min>, %reduce_min3A_1742 masked %reduce_min3A_1739 : vector<16xi32>, vector<16xi1> -> vector<16xi32>
    %reduce_min3A_1744 = arith.xori %reduce_min3A_1743, %reduce_min3A_1741 : vector<16xi32>
    %reduce_min3A_1745 = vector.extract %reduce_min3A_1744[15] : i32 from vector<16xi32>
    %min3A_1746 = arith.minsi %min3A_1729, %reduce_min3A_1745 : i32
    %eq3A_1747 = vector.broadcast %reduce_max3A_1694 : f32 to vector<16xf32>
    %eq3A_1748 = arith.cmpf oeq, %select_n3A_1687, %eq3A_1747 : vector<16xf32>
    %add3A_1749 = arith.constant 48 : i32
    %add3A_1750 = vector.broadcast %add3A_1749 : i32 to vector<16xi32>
    %add3A_1751 = arith.addi %iota3A, %add3A_1750 : vector<16xi32>
    %jit3A_1752 = arith.constant 64 : i32
    %broadcast_in_dim3A_1753 = vector.broadcast %jit3A_1752 : i32 to vector<16xi32>
    %select_n3A_1754 = arith.select %eq3A_1748, %add3A_1751, %broadcast_in_dim3A_1753 : vector<16xi1>, vector<16xi32>
    %reduce_min3A_1755 = arith.constant true
    %reduce_min3A_1756 = vector.broadcast %reduce_min3A_1755 : i1 to vector<16xi1>
    %reduce_min3A_1757 = arith.constant -2147483648 : i32
    %reduce_min3A_1758 = vector.broadcast %reduce_min3A_1757 : i32 to vector<16xi32>
    %reduce_min3A_1759 = arith.xori %select_n3A_1754, %reduce_min3A_1758 : vector<16xi32>
    %reduce_min3A_1760 = tpu.scan <min>, %reduce_min3A_1759 masked %reduce_min3A_1756 : vector<16xi32>, vector<16xi1> -> vector<16xi32>
    %reduce_min3A_1761 = arith.xori %reduce_min3A_1760, %reduce_min3A_1758 : vector<16xi32>
    %reduce_min3A_1762 = vector.extract %reduce_min3A_1761[15] : i32 from vector<16xi32>
    %min3A_1763 = arith.minsi %min3A_1746, %reduce_min3A_1762 : i32
    %add3A_1764 = arith.constant 0 : i32
    %add3A_1765 = vector.broadcast %add3A_1764 : i32 to vector<16xi32>
    %add3A_1766 = arith.addi %iota3A, %add3A_1765 : vector<16xi32>
    %eq3A_1767 = vector.broadcast %min3A_1763 : i32 to vector<16xi32>
    %eq3A_1768 = arith.cmpi eq, %add3A_1766, %eq3A_1767 : vector<16xi32>
    %select_n3A_1769 = arith.select %eq3A_1768, %exp3A_998, %select_n3A_1657 : vector<16xi1>, vector<16xf32>
    %jit3A_1770 = arith.constant 0xFF800000 : f32
    %broadcast_in_dim3A_1771 = vector.broadcast %jit3A_1770 : f32 to vector<16xf32>
    %select_n3A_1772 = arith.select %eq3A_1768, %broadcast_in_dim3A_1771, %select_n3A_1660 : vector<16xi1>, vector<16xf32>
    %add3A_1773 = arith.constant 16 : i32
    %add3A_1774 = vector.broadcast %add3A_1773 : i32 to vector<16xi32>
    %add3A_1775 = arith.addi %iota3A, %add3A_1774 : vector<16xi32>
    %eq3A_1776 = vector.broadcast %min3A_1763 : i32 to vector<16xi32>
    %eq3A_1777 = arith.cmpi eq, %add3A_1775, %eq3A_1776 : vector<16xi32>
    %select_n3A_1778 = arith.select %eq3A_1777, %exp3A_1001, %select_n3A_1666 : vector<16xi1>, vector<16xf32>
    %jit3A_1779 = arith.constant 0xFF800000 : f32
    %broadcast_in_dim3A_1780 = vector.broadcast %jit3A_1779 : f32 to vector<16xf32>
    %select_n3A_1781 = arith.select %eq3A_1777, %broadcast_in_dim3A_1780, %select_n3A_1669 : vector<16xi1>, vector<16xf32>
    %add3A_1782 = arith.constant 32 : i32
    %add3A_1783 = vector.broadcast %add3A_1782 : i32 to vector<16xi32>
    %add3A_1784 = arith.addi %iota3A, %add3A_1783 : vector<16xi32>
    %eq3A_1785 = vector.broadcast %min3A_1763 : i32 to vector<16xi32>
    %eq3A_1786 = arith.cmpi eq, %add3A_1784, %eq3A_1785 : vector<16xi32>
    %select_n3A_1787 = arith.select %eq3A_1786, %exp3A_1004, %select_n3A_1675 : vector<16xi1>, vector<16xf32>
    %jit3A_1788 = arith.constant 0xFF800000 : f32
    %broadcast_in_dim3A_1789 = vector.broadcast %jit3A_1788 : f32 to vector<16xf32>
    %select_n3A_1790 = arith.select %eq3A_1786, %broadcast_in_dim3A_1789, %select_n3A_1678 : vector<16xi1>, vector<16xf32>
    %add3A_1791 = arith.constant 48 : i32
    %add3A_1792 = vector.broadcast %add3A_1791 : i32 to vector<16xi32>
    %add3A_1793 = arith.addi %iota3A, %add3A_1792 : vector<16xi32>
    %eq3A_1794 = vector.broadcast %min3A_1763 : i32 to vector<16xi32>
    %eq3A_1795 = arith.cmpi eq, %add3A_1793, %eq3A_1794 : vector<16xi32>
    %select_n3A_1796 = arith.select %eq3A_1795, %exp3A_1007, %select_n3A_1684 : vector<16xi1>, vector<16xf32>
    %jit3A_1797 = arith.constant 0xFF800000 : f32
    %broadcast_in_dim3A_1798 = vector.broadcast %jit3A_1797 : f32 to vector<16xf32>
    %select_n3A_1799 = arith.select %eq3A_1795, %broadcast_in_dim3A_1798, %select_n3A_1687 : vector<16xi1>, vector<16xf32>
    %max3A_1800 = arith.maximumf %select_n3A_1772, %select_n3A_1781 : vector<16xf32>
    %max3A_1801 = arith.maximumf %select_n3A_1790, %select_n3A_1799 : vector<16xf32>
    %max3A_1802 = arith.maximumf %max3A_1800, %max3A_1801 : vector<16xf32>
    %reduce_max3A_1803 = arith.constant true
    %reduce_max3A_1804 = vector.broadcast %reduce_max3A_1803 : i1 to vector<16xi1>
    %reduce_max3A_1805 = tpu.scan <max>, %max3A_1802 masked %reduce_max3A_1804 : vector<16xf32>, vector<16xi1> -> vector<16xf32>
    %reduce_max3A_1806 = vector.extract %reduce_max3A_1805[15] : f32 from vector<16xf32>
    %eq3A_1807 = vector.broadcast %reduce_max3A_1806 : f32 to vector<16xf32>
    %eq3A_1808 = arith.cmpf oeq, %select_n3A_1772, %eq3A_1807 : vector<16xf32>
    %add3A_1809 = arith.constant 0 : i32
    %add3A_1810 = vector.broadcast %add3A_1809 : i32 to vector<16xi32>
    %add3A_1811 = arith.addi %iota3A, %add3A_1810 : vector<16xi32>
    %jit3A_1812 = arith.constant 64 : i32
    %broadcast_in_dim3A_1813 = vector.broadcast %jit3A_1812 : i32 to vector<16xi32>
    %select_n3A_1814 = arith.select %eq3A_1808, %add3A_1811, %broadcast_in_dim3A_1813 : vector<16xi1>, vector<16xi32>
    %reduce_min3A_1815 = arith.constant true
    %reduce_min3A_1816 = vector.broadcast %reduce_min3A_1815 : i1 to vector<16xi1>
    %reduce_min3A_1817 = arith.constant -2147483648 : i32
    %reduce_min3A_1818 = vector.broadcast %reduce_min3A_1817 : i32 to vector<16xi32>
    %reduce_min3A_1819 = arith.xori %select_n3A_1814, %reduce_min3A_1818 : vector<16xi32>
    %reduce_min3A_1820 = tpu.scan <min>, %reduce_min3A_1819 masked %reduce_min3A_1816 : vector<16xi32>, vector<16xi1> -> vector<16xi32>
    %reduce_min3A_1821 = arith.xori %reduce_min3A_1820, %reduce_min3A_1818 : vector<16xi32>
    %reduce_min3A_1822 = vector.extract %reduce_min3A_1821[15] : i32 from vector<16xi32>
    %min3A_1823 = arith.constant 64 : i32
    %min3A_1824 = arith.minsi %min3A_1823, %reduce_min3A_1822 : i32
    %eq3A_1825 = vector.broadcast %reduce_max3A_1806 : f32 to vector<16xf32>
    %eq3A_1826 = arith.cmpf oeq, %select_n3A_1781, %eq3A_1825 : vector<16xf32>
    %add3A_1827 = arith.constant 16 : i32
    %add3A_1828 = vector.broadcast %add3A_1827 : i32 to vector<16xi32>
    %add3A_1829 = arith.addi %iota3A, %add3A_1828 : vector<16xi32>
    %jit3A_1830 = arith.constant 64 : i32
    %broadcast_in_dim3A_1831 = vector.broadcast %jit3A_1830 : i32 to vector<16xi32>
    %select_n3A_1832 = arith.select %eq3A_1826, %add3A_1829, %broadcast_in_dim3A_1831 : vector<16xi1>, vector<16xi32>
    %reduce_min3A_1833 = arith.constant true
    %reduce_min3A_1834 = vector.broadcast %reduce_min3A_1833 : i1 to vector<16xi1>
    %reduce_min3A_1835 = arith.constant -2147483648 : i32
    %reduce_min3A_1836 = vector.broadcast %reduce_min3A_1835 : i32 to vector<16xi32>
    %reduce_min3A_1837 = arith.xori %select_n3A_1832, %reduce_min3A_1836 : vector<16xi32>
    %reduce_min3A_1838 = tpu.scan <min>, %reduce_min3A_1837 masked %reduce_min3A_1834 : vector<16xi32>, vector<16xi1> -> vector<16xi32>
    %reduce_min3A_1839 = arith.xori %reduce_min3A_1838, %reduce_min3A_1836 : vector<16xi32>
    %reduce_min3A_1840 = vector.extract %reduce_min3A_1839[15] : i32 from vector<16xi32>
    %min3A_1841 = arith.minsi %min3A_1824, %reduce_min3A_1840 : i32
    %eq3A_1842 = vector.broadcast %reduce_max3A_1806 : f32 to vector<16xf32>
    %eq3A_1843 = arith.cmpf oeq, %select_n3A_1790, %eq3A_1842 : vector<16xf32>
    %add3A_1844 = arith.constant 32 : i32
    %add3A_1845 = vector.broadcast %add3A_1844 : i32 to vector<16xi32>
    %add3A_1846 = arith.addi %iota3A, %add3A_1845 : vector<16xi32>
    %jit3A_1847 = arith.constant 64 : i32
    %broadcast_in_dim3A_1848 = vector.broadcast %jit3A_1847 : i32 to vector<16xi32>
    %select_n3A_1849 = arith.select %eq3A_1843, %add3A_1846, %broadcast_in_dim3A_1848 : vector<16xi1>, vector<16xi32>
    %reduce_min3A_1850 = arith.constant true
    %reduce_min3A_1851 = vector.broadcast %reduce_min3A_1850 : i1 to vector<16xi1>
    %reduce_min3A_1852 = arith.constant -2147483648 : i32
    %reduce_min3A_1853 = vector.broadcast %reduce_min3A_1852 : i32 to vector<16xi32>
    %reduce_min3A_1854 = arith.xori %select_n3A_1849, %reduce_min3A_1853 : vector<16xi32>
    %reduce_min3A_1855 = tpu.scan <min>, %reduce_min3A_1854 masked %reduce_min3A_1851 : vector<16xi32>, vector<16xi1> -> vector<16xi32>
    %reduce_min3A_1856 = arith.xori %reduce_min3A_1855, %reduce_min3A_1853 : vector<16xi32>
    %reduce_min3A_1857 = vector.extract %reduce_min3A_1856[15] : i32 from vector<16xi32>
    %min3A_1858 = arith.minsi %min3A_1841, %reduce_min3A_1857 : i32
    %eq3A_1859 = vector.broadcast %reduce_max3A_1806 : f32 to vector<16xf32>
    %eq3A_1860 = arith.cmpf oeq, %select_n3A_1799, %eq3A_1859 : vector<16xf32>
    %add3A_1861 = arith.constant 48 : i32
    %add3A_1862 = vector.broadcast %add3A_1861 : i32 to vector<16xi32>
    %add3A_1863 = arith.addi %iota3A, %add3A_1862 : vector<16xi32>
    %jit3A_1864 = arith.constant 64 : i32
    %broadcast_in_dim3A_1865 = vector.broadcast %jit3A_1864 : i32 to vector<16xi32>
    %select_n3A_1866 = arith.select %eq3A_1860, %add3A_1863, %broadcast_in_dim3A_1865 : vector<16xi1>, vector<16xi32>
    %reduce_min3A_1867 = arith.constant true
    %reduce_min3A_1868 = vector.broadcast %reduce_min3A_1867 : i1 to vector<16xi1>
    %reduce_min3A_1869 = arith.constant -2147483648 : i32
    %reduce_min3A_1870 = vector.broadcast %reduce_min3A_1869 : i32 to vector<16xi32>
    %reduce_min3A_1871 = arith.xori %select_n3A_1866, %reduce_min3A_1870 : vector<16xi32>
    %reduce_min3A_1872 = tpu.scan <min>, %reduce_min3A_1871 masked %reduce_min3A_1868 : vector<16xi32>, vector<16xi1> -> vector<16xi32>
    %reduce_min3A_1873 = arith.xori %reduce_min3A_1872, %reduce_min3A_1870 : vector<16xi32>
    %reduce_min3A_1874 = vector.extract %reduce_min3A_1873[15] : i32 from vector<16xi32>
    %min3A_1875 = arith.minsi %min3A_1858, %reduce_min3A_1874 : i32
    %add3A_1876 = arith.constant 0 : i32
    %add3A_1877 = vector.broadcast %add3A_1876 : i32 to vector<16xi32>
    %add3A_1878 = arith.addi %iota3A, %add3A_1877 : vector<16xi32>
    %eq3A_1879 = vector.broadcast %min3A_1875 : i32 to vector<16xi32>
    %eq3A_1880 = arith.cmpi eq, %add3A_1878, %eq3A_1879 : vector<16xi32>
    %select_n3A_1881 = arith.select %eq3A_1880, %exp3A_998, %select_n3A_1769 : vector<16xi1>, vector<16xf32>
    %jit3A_1882 = arith.constant 0xFF800000 : f32
    %broadcast_in_dim3A_1883 = vector.broadcast %jit3A_1882 : f32 to vector<16xf32>
    %select_n3A_1884 = arith.select %eq3A_1880, %broadcast_in_dim3A_1883, %select_n3A_1772 : vector<16xi1>, vector<16xf32>
    %add3A_1885 = arith.constant 16 : i32
    %add3A_1886 = vector.broadcast %add3A_1885 : i32 to vector<16xi32>
    %add3A_1887 = arith.addi %iota3A, %add3A_1886 : vector<16xi32>
    %eq3A_1888 = vector.broadcast %min3A_1875 : i32 to vector<16xi32>
    %eq3A_1889 = arith.cmpi eq, %add3A_1887, %eq3A_1888 : vector<16xi32>
    %select_n3A_1890 = arith.select %eq3A_1889, %exp3A_1001, %select_n3A_1778 : vector<16xi1>, vector<16xf32>
    %jit3A_1891 = arith.constant 0xFF800000 : f32
    %broadcast_in_dim3A_1892 = vector.broadcast %jit3A_1891 : f32 to vector<16xf32>
    %select_n3A_1893 = arith.select %eq3A_1889, %broadcast_in_dim3A_1892, %select_n3A_1781 : vector<16xi1>, vector<16xf32>
    %add3A_1894 = arith.constant 32 : i32
    %add3A_1895 = vector.broadcast %add3A_1894 : i32 to vector<16xi32>
    %add3A_1896 = arith.addi %iota3A, %add3A_1895 : vector<16xi32>
    %eq3A_1897 = vector.broadcast %min3A_1875 : i32 to vector<16xi32>
    %eq3A_1898 = arith.cmpi eq, %add3A_1896, %eq3A_1897 : vector<16xi32>
    %select_n3A_1899 = arith.select %eq3A_1898, %exp3A_1004, %select_n3A_1787 : vector<16xi1>, vector<16xf32>
    %jit3A_1900 = arith.constant 0xFF800000 : f32
    %broadcast_in_dim3A_1901 = vector.broadcast %jit3A_1900 : f32 to vector<16xf32>
    %select_n3A_1902 = arith.select %eq3A_1898, %broadcast_in_dim3A_1901, %select_n3A_1790 : vector<16xi1>, vector<16xf32>
    %add3A_1903 = arith.constant 48 : i32
    %add3A_1904 = vector.broadcast %add3A_1903 : i32 to vector<16xi32>
    %add3A_1905 = arith.addi %iota3A, %add3A_1904 : vector<16xi32>
    %eq3A_1906 = vector.broadcast %min3A_1875 : i32 to vector<16xi32>
    %eq3A_1907 = arith.cmpi eq, %add3A_1905, %eq3A_1906 : vector<16xi32>
    %select_n3A_1908 = arith.select %eq3A_1907, %exp3A_1007, %select_n3A_1796 : vector<16xi1>, vector<16xf32>
    %jit3A_1909 = arith.constant 0xFF800000 : f32
    %broadcast_in_dim3A_1910 = vector.broadcast %jit3A_1909 : f32 to vector<16xf32>
    %select_n3A_1911 = arith.select %eq3A_1907, %broadcast_in_dim3A_1910, %select_n3A_1799 : vector<16xi1>, vector<16xf32>
    %reduce_sum3A_1912 = arith.constant true
    %reduce_sum3A_1913 = vector.broadcast %reduce_sum3A_1912 : i1 to vector<16xi1>
    %reduce_sum3A_1914 = tpu.scan <sum>, %select_n3A_1881 masked %reduce_sum3A_1913 : vector<16xf32>, vector<16xi1> -> vector<16xf32>
    %reduce_sum3A_1915 = vector.extract %reduce_sum3A_1914[15] : f32 from vector<16xf32>
    %add3A_1916 = arith.constant 0.000000e+00 : f32
    %add3A_1917 = arith.addf %add3A_1916, %reduce_sum3A_1915 : f32
    %reduce_sum3A_1918 = arith.constant true
    %reduce_sum3A_1919 = vector.broadcast %reduce_sum3A_1918 : i1 to vector<16xi1>
    %reduce_sum3A_1920 = tpu.scan <sum>, %select_n3A_1890 masked %reduce_sum3A_1919 : vector<16xf32>, vector<16xi1> -> vector<16xf32>
    %reduce_sum3A_1921 = vector.extract %reduce_sum3A_1920[15] : f32 from vector<16xf32>
    %add3A_1922 = arith.addf %add3A_1917, %reduce_sum3A_1921 : f32
    %reduce_sum3A_1923 = arith.constant true
    %reduce_sum3A_1924 = vector.broadcast %reduce_sum3A_1923 : i1 to vector<16xi1>
    %reduce_sum3A_1925 = tpu.scan <sum>, %select_n3A_1899 masked %reduce_sum3A_1924 : vector<16xf32>, vector<16xi1> -> vector<16xf32>
    %reduce_sum3A_1926 = vector.extract %reduce_sum3A_1925[15] : f32 from vector<16xf32>
    %add3A_1927 = arith.addf %add3A_1922, %reduce_sum3A_1926 : f32
    %reduce_sum3A_1928 = arith.constant true
    %reduce_sum3A_1929 = vector.broadcast %reduce_sum3A_1928 : i1 to vector<16xi1>
    %reduce_sum3A_1930 = tpu.scan <sum>, %select_n3A_1908 masked %reduce_sum3A_1929 : vector<16xf32>, vector<16xi1> -> vector<16xf32>
    %reduce_sum3A_1931 = vector.extract %reduce_sum3A_1930[15] : f32 from vector<16xf32>
    %add3A_1932 = arith.addf %add3A_1927, %reduce_sum3A_1931 : f32
    %div3A_1933 = vector.broadcast %add3A_1932 : f32 to vector<16xf32>
    %div3A_1934 = arith.divf %select_n3A_1881, %div3A_1933 : vector<16xf32>
    %swap3A_1935 = arith.constant 1 : i32
    %swap3A_1936 = arith.index_cast %swap3A_1935 : i32 to index
    %swap3A_1937 = arith.constant 0 : index
    %swap3A_1938 = tpu.vector_load %arg5[%swap3A_1936, %swap3A_1937] {strides = array<i32>} : memref<2x64xf32, #tpu.memory_space<vmem>>, vector<16xf32>,
    tpu.vector_store %arg5[%swap3A_1936, %swap3A_1937], %div3A_1934 {strides = array<i32>} : memref<2x64xf32, #tpu.memory_space<vmem>>, vector<16xf32>,
    %div3A_1939 = vector.broadcast %add3A_1932 : f32 to vector<16xf32>
    %div3A_1940 = arith.divf %select_n3A_1890, %div3A_1939 : vector<16xf32>
    %swap3A_1941 = arith.constant 1 : i32
    %swap3A_1942 = arith.index_cast %swap3A_1941 : i32 to index
    %swap3A_1943 = arith.constant 16 : index
    %swap3A_1944 = tpu.vector_load %arg5[%swap3A_1942, %swap3A_1943] {strides = array<i32>} : memref<2x64xf32, #tpu.memory_space<vmem>>, vector<16xf32>,
    tpu.vector_store %arg5[%swap3A_1942, %swap3A_1943], %div3A_1940 {strides = array<i32>} : memref<2x64xf32, #tpu.memory_space<vmem>>, vector<16xf32>,
    %div3A_1945 = vector.broadcast %add3A_1932 : f32 to vector<16xf32>
    %div3A_1946 = arith.divf %select_n3A_1899, %div3A_1945 : vector<16xf32>
    %swap3A_1947 = arith.constant 1 : i32
    %swap3A_1948 = arith.index_cast %swap3A_1947 : i32 to index
    %swap3A_1949 = arith.constant 32 : index
    %swap3A_1950 = tpu.vector_load %arg5[%swap3A_1948, %swap3A_1949] {strides = array<i32>} : memref<2x64xf32, #tpu.memory_space<vmem>>, vector<16xf32>,
    tpu.vector_store %arg5[%swap3A_1948, %swap3A_1949], %div3A_1946 {strides = array<i32>} : memref<2x64xf32, #tpu.memory_space<vmem>>, vector<16xf32>,
    %div3A_1951 = vector.broadcast %add3A_1932 : f32 to vector<16xf32>
    %div3A_1952 = arith.divf %select_n3A_1908, %div3A_1951 : vector<16xf32>
    %swap3A_1953 = arith.constant 1 : i32
    %swap3A_1954 = arith.index_cast %swap3A_1953 : i32 to index
    %swap3A_1955 = arith.constant 48 : index
    %swap3A_1956 = tpu.vector_load %arg5[%swap3A_1954, %swap3A_1955] {strides = array<i32>} : memref<2x64xf32, #tpu.memory_space<vmem>>, vector<16xf32>,
    tpu.vector_store %arg5[%swap3A_1954, %swap3A_1955], %div3A_1952 {strides = array<i32>} : memref<2x64xf32, #tpu.memory_space<vmem>>, vector<16xf32>,
    "tpu.region"() ({
      %run_scoped3A = tpu.sem_alloc : memref<!tpu.dma_semaphore, #tpu.memory_space<semaphore_mem>>
      %dma_start3A = arith.constant 0 : i32
      %dma_start3A_1957 = tpu.memref_slice %arg3[%mul3A_2, %dma_start3A] : memref<64x64xf32, #tpu.memory_space<hbm>> -> memref<2x64xf32, #tpu.memory_space<hbm>>
      %dma_start3A_1958 = arith.constant 0 : i32
      %dma_start3A_1959 = tpu.memref_slice %arg3[%mul3A_2, %dma_start3A_1958] : memref<64x64xf32, #tpu.memory_space<hbm>> -> memref<2x64xf32, #tpu.memory_space<hbm>>
      tpu.enqueue_dma source(%arg5 : memref<2x64xf32, #tpu.memory_space<vmem>>) target(%dma_start3A_1959 : memref<2x64xf32, #tpu.memory_space<hbm>>) target_semaphore(%run_scoped3A : memref<!tpu.dma_semaphore, #tpu.memory_space<semaphore_mem>>)
      %dma_wait3A = arith.constant 0 : i32
      %dma_wait3A_1960 = tpu.memref_slice %arg3[%mul3A_2, %dma_wait3A] : memref<64x64xf32, #tpu.memory_space<hbm>> -> memref<2x64xf32, #tpu.memory_space<hbm>>
      %dma_wait3A_1961 = arith.constant 0 : i32
      %dma_wait3A_1962 = tpu.memref_slice %arg3[%mul3A_2, %dma_wait3A_1961] : memref<64x64xf32, #tpu.memory_space<hbm>> -> memref<2x64xf32, #tpu.memory_space<hbm>>
      tpu.wait_dma2 semaphore(%run_scoped3A : memref<!tpu.dma_semaphore, #tpu.memory_space<semaphore_mem>>) src(%arg5 : memref<2x64xf32, #tpu.memory_space<vmem>>) dst(%dma_wait3A_1962 : memref<2x64xf32, #tpu.memory_space<hbm>>)
      tpu.yield
    }) : () -> ()
    return
  }
}

module attributes {stable_mosaic.version = 14 : i64} {
  func.func @_logits_kernel(%arg0: memref<64x2048xf32, #tpu.memory_space<vmem>>, %arg1: memref<64x2048xf32, #tpu.memory_space<vmem>>, %arg2: memref<64x64xf32, #tpu.memory_space<vmem>>) attributes {dimension_semantics = [], scalar_prefetch = 0 : i64, scratch_operands = 0 : i64, tpu.core_type = #tpu.core_type<tc>} {
    %get3A = arith.constant 0 : index
    %get3A_0 = arith.constant 0 : index
    %get3A_1 = vector.load %arg0[%get3A, %get3A_0] : memref<64x2048xf32, #tpu.memory_space<vmem>>, vector<64x2048xf32>
    %get3A_2 = arith.constant 0 : index
    %get3A_3 = arith.constant 0 : index
    %get3A_4 = vector.load %arg1[%get3A_2, %get3A_3] : memref<64x2048xf32, #tpu.memory_space<vmem>>, vector<64x2048xf32>
    %dot_general3A = arith.constant dense<0.000000e+00> : vector<64x64xf32>
    %dot_general3A_5 = tpu.matmul %get3A_1, %get3A_4, %dot_general3A {dimension_numbers = #tpu.dot_dimension_numbers<[1], [1], [0], [0], [0, 0, 1, 0], [], []>, transpose_lhs_hint = false} : vector<64x2048xf32>, vector<64x2048xf32>, vector<64x64xf32> -> vector<64x64xf32>
    %swap3A = arith.constant 0 : index
    %swap3A_6 = arith.constant 0 : index
    %swap3A_7 = vector.load %arg2[%swap3A, %swap3A_6] : memref<64x64xf32, #tpu.memory_space<vmem>>, vector<64x64xf32>
    tpu.vector_store %arg2[%swap3A, %swap3A_6], %dot_general3A_5 {strides = array<i32>} : memref<64x64xf32, #tpu.memory_space<vmem>>, vector<64x64xf32>,
    return
  }
}

module attributes {stable_mosaic.version = 14 : i64} {
  func.func @_shared_kernel(%arg0: i32, %arg1: memref<64x2048xf32, #tpu.memory_space<vmem>>, %arg2: memref<256x2048xf32, #tpu.memory_space<vmem>>, %arg3: memref<256x2048xf32, #tpu.memory_space<vmem>>, %arg4: memref<2048x256xf32, #tpu.memory_space<vmem>>, %arg5: memref<1x2048xf32, #tpu.memory_space<vmem>>, %arg6: memref<64x2048xf32, #tpu.memory_space<vmem>>) attributes {dimension_semantics = [#tpu.dimension_semantics<arbitrary>], iteration_bounds = array<i64: 2>, scalar_prefetch = 0 : i64, scratch_operands = 0 : i64, tpu.core_type = #tpu.core_type<tc>, window_params = [{pipeline_mode = #tpu.pipeline_mode<synchronous>, transform_indices = @transform_0, window_bounds = array<i64: 64, 2048>}, {transform_indices = @transform_1, window_bounds = array<i64: 256, 2048>}, {transform_indices = @transform_2, window_bounds = array<i64: 256, 2048>}, {transform_indices = @transform_3, window_bounds = array<i64: 2048, 256>}, {pipeline_mode = #tpu.pipeline_mode<synchronous>, transform_indices = @transform_4, window_bounds = array<i64: 1, 2048>}, {pipeline_mode = #tpu.pipeline_mode<synchronous>, transform_indices = @transform_5, window_bounds = array<i64: 64, 2048>}]} {
    %get3A = arith.constant 0 : index
    %get3A_0 = arith.constant 0 : index
    %get3A_1 = vector.load %arg1[%get3A, %get3A_0] : memref<64x2048xf32, #tpu.memory_space<vmem>>, vector<64x2048xf32>
    %get3A_2 = arith.constant 0 : index
    %get3A_3 = arith.constant 0 : index
    %get3A_4 = vector.load %arg2[%get3A_2, %get3A_3] : memref<256x2048xf32, #tpu.memory_space<vmem>>, vector<256x2048xf32>
    %convert_element_type3A = arith.truncf %get3A_1 : vector<64x2048xf32> to vector<64x2048xbf16>
    %convert_element_type3A_5 = arith.truncf %get3A_4 : vector<256x2048xf32> to vector<256x2048xbf16>
    %dot_general3A = arith.constant dense<0.000000e+00> : vector<64x256xf32>
    %dot_general3A_6 = tpu.matmul %convert_element_type3A, %convert_element_type3A_5, %dot_general3A {dimension_numbers = #tpu.dot_dimension_numbers<[1], [1], [0], [0], [0, 0, 1, 0], [], []>, transpose_lhs_hint = false} : vector<64x2048xbf16>, vector<256x2048xbf16>, vector<64x256xf32> -> vector<64x256xf32>
    %get3A_7 = arith.constant 0 : index
    %get3A_8 = arith.constant 0 : index
    %get3A_9 = vector.load %arg3[%get3A_7, %get3A_8] : memref<256x2048xf32, #tpu.memory_space<vmem>>, vector<256x2048xf32>
    %convert_element_type3A_10 = arith.truncf %get3A_1 : vector<64x2048xf32> to vector<64x2048xbf16>
    %convert_element_type3A_11 = arith.truncf %get3A_9 : vector<256x2048xf32> to vector<256x2048xbf16>
    %dot_general3A_12 = arith.constant dense<0.000000e+00> : vector<64x256xf32>
    %dot_general3A_13 = tpu.matmul %convert_element_type3A_10, %convert_element_type3A_11, %dot_general3A_12 {dimension_numbers = #tpu.dot_dimension_numbers<[1], [1], [0], [0], [0, 0, 1, 0], [], []>, transpose_lhs_hint = false} : vector<64x2048xbf16>, vector<256x2048xbf16>, vector<64x256xf32> -> vector<64x256xf32>
    %logistic3A = arith.negf %dot_general3A_6 : vector<64x256xf32>
    %logistic3A_14 = math.exp %logistic3A : vector<64x256xf32>
    %logistic3A_15 = arith.constant 1.000000e+00 : f32
    %logistic3A_16 = vector.broadcast %logistic3A_15 : f32 to vector<64x256xf32>
    %logistic3A_17 = arith.addf %logistic3A_16, %logistic3A_14 : vector<64x256xf32>
    %logistic3A_18 = arith.divf %logistic3A_16, %logistic3A_17 : vector<64x256xf32>
    %mul3A = arith.mulf %dot_general3A_6, %logistic3A_18 : vector<64x256xf32>
    %mul3A_19 = arith.mulf %mul3A, %dot_general3A_13 : vector<64x256xf32>
    %get3A_20 = arith.constant 0 : index
    %get3A_21 = arith.constant 0 : index
    %get3A_22 = vector.load %arg5[%get3A_20, %get3A_21] : memref<1x2048xf32, #tpu.memory_space<vmem>>, vector<1x2048xf32>
    %dot_general3A_23 = arith.constant dense<0.000000e+00> : vector<64x1xf32>
    %dot_general3A_24 = tpu.matmul %get3A_1, %get3A_22, %dot_general3A_23 {dimension_numbers = #tpu.dot_dimension_numbers<[1], [1], [0], [0], [0, 0, 1, 0], [], []>, transpose_lhs_hint = false} : vector<64x2048xf32>, vector<1x2048xf32>, vector<64x1xf32> -> vector<64x1xf32>
    %logistic3A_25 = arith.negf %dot_general3A_24 : vector<64x1xf32>
    %logistic3A_26 = math.exp %logistic3A_25 : vector<64x1xf32>
    %logistic3A_27 = arith.constant 1.000000e+00 : f32
    %logistic3A_28 = vector.broadcast %logistic3A_27 : f32 to vector<64x1xf32>
    %logistic3A_29 = arith.addf %logistic3A_28, %logistic3A_26 : vector<64x1xf32>
    %logistic3A_30 = arith.divf %logistic3A_28, %logistic3A_29 : vector<64x1xf32>
    %get3A_31 = arith.constant 0 : index
    %get3A_32 = arith.constant 0 : index
    %get3A_33 = vector.load %arg4[%get3A_31, %get3A_32] : memref<2048x256xf32, #tpu.memory_space<vmem>>, vector<2048x256xf32>
    %convert_element_type3A_34 = arith.truncf %mul3A_19 : vector<64x256xf32> to vector<64x256xbf16>
    %convert_element_type3A_35 = arith.truncf %get3A_33 : vector<2048x256xf32> to vector<2048x256xbf16>
    %dot_general3A_36 = arith.constant dense<0.000000e+00> : vector<64x2048xf32>
    %dot_general3A_37 = tpu.matmul %convert_element_type3A_34, %convert_element_type3A_35, %dot_general3A_36 {dimension_numbers = #tpu.dot_dimension_numbers<[1], [1], [0], [0], [0, 0, 1, 0], [], []>, transpose_lhs_hint = false} : vector<64x256xbf16>, vector<2048x256xbf16>, vector<64x2048xf32> -> vector<64x2048xf32>
    %mul3A_38 = vector.broadcast %logistic3A_30 : vector<64x1xf32> to vector<64x2048xf32>
    %mul3A_39 = arith.mulf %mul3A_38, %dot_general3A_37 : vector<64x2048xf32>
    %eq3A = arith.constant 0 : i32
    %eq3A_40 = arith.cmpi eq, %arg0, %eq3A : i32
    %convert_element_type3A_41 = arith.extui %eq3A_40 : i1 to i32
    %cond3A = arith.constant 0 : i32
    %cond3A_42 = arith.cmpi ne, %convert_element_type3A_41, %cond3A : i32
    scf.if %cond3A_42 {
      %swap3A = arith.constant 0 : index
      %swap3A_47 = arith.constant 0 : index
      %swap3A_48 = vector.load %arg6[%swap3A, %swap3A_47] : memref<64x2048xf32, #tpu.memory_space<vmem>>, vector<64x2048xf32>
      tpu.vector_store %arg6[%swap3A, %swap3A_47], %mul3A_39 {strides = array<i32>} : memref<64x2048xf32, #tpu.memory_space<vmem>>, vector<64x2048xf32>,
    } else {
    }
    %ne3A = arith.constant 0 : i32
    %ne3A_43 = arith.cmpi ne, %arg0, %ne3A : i32
    %convert_element_type3A_44 = arith.extui %ne3A_43 : i1 to i32
    %cond3A_45 = arith.constant 0 : i32
    %cond3A_46 = arith.cmpi ne, %convert_element_type3A_44, %cond3A_45 : i32
    scf.if %cond3A_46 {
      %get3A_47 = arith.constant 0 : index
      %get3A_48 = arith.constant 0 : index
      %get3A_49 = vector.load %arg6[%get3A_47, %get3A_48] : memref<64x2048xf32, #tpu.memory_space<vmem>>, vector<64x2048xf32>
      %add3A = arith.addf %get3A_49, %mul3A_39 : vector<64x2048xf32>
      %swap3A = arith.constant 0 : index
      %swap3A_50 = arith.constant 0 : index
      %swap3A_51 = vector.load %arg6[%swap3A, %swap3A_50] : memref<64x2048xf32, #tpu.memory_space<vmem>>, vector<64x2048xf32>
      tpu.vector_store %arg6[%swap3A, %swap3A_50], %add3A {strides = array<i32>} : memref<64x2048xf32, #tpu.memory_space<vmem>>, vector<64x2048xf32>,
    } else {
    }
    return
  }
  func.func @transform_0(%arg0: i32) -> (i32, i32) {
    %c0_i32 = arith.constant 0 : i32
    %c0_i32_0 = arith.constant 0 : i32
    %c0_i32_1 = arith.constant 0 : i32
    return %c0_i32, %c0_i32_0 : i32, i32
  }
  func.func @transform_1(%arg0: i32) -> (i32, i32) {
    %c0_i32 = arith.constant 0 : i32
    %c0_i32_0 = arith.constant 0 : i32
    return %arg0, %c0_i32 : i32, i32
  }
  func.func @transform_2(%arg0: i32) -> (i32, i32) {
    %c0_i32 = arith.constant 0 : i32
    %c0_i32_0 = arith.constant 0 : i32
    return %arg0, %c0_i32 : i32, i32
  }
  func.func @transform_3(%arg0: i32) -> (i32, i32) {
    %c0_i32 = arith.constant 0 : i32
    %c0_i32_0 = arith.constant 0 : i32
    return %c0_i32, %arg0 : i32, i32
  }
  func.func @transform_4(%arg0: i32) -> (i32, i32) {
    %c0_i32 = arith.constant 0 : i32
    %c0_i32_0 = arith.constant 0 : i32
    %c0_i32_1 = arith.constant 0 : i32
    return %c0_i32, %c0_i32_0 : i32, i32
  }
  func.func @transform_5(%arg0: i32) -> (i32, i32) {
    %c0_i32 = arith.constant 0 : i32
    %c0_i32_0 = arith.constant 0 : i32
    %c0_i32_1 = arith.constant 0 : i32
    return %c0_i32, %c0_i32_0 : i32, i32
  }
}

module attributes {stable_mosaic.version = 14 : i64} {
  func.func @_moe_kernel(%arg0: i32, %arg1: memref<64x2048xf32, #tpu.memory_space<vmem>>, %arg2: memref<64x64xf32, #tpu.memory_space<vmem>>, %arg3: memref<64x2048xf32, #tpu.memory_space<vmem>>, %arg4: memref<1x512x2048xf32, #tpu.memory_space<vmem>>, %arg5: memref<1x512x2048xf32, #tpu.memory_space<vmem>>, %arg6: memref<1x2048x512xf32, #tpu.memory_space<vmem>>, %arg7: memref<64x2048xf32, #tpu.memory_space<vmem>>) attributes {dimension_semantics = [#tpu.dimension_semantics<arbitrary>], iteration_bounds = array<i64: 64>, scalar_prefetch = 0 : i64, scratch_operands = 0 : i64, tpu.core_type = #tpu.core_type<tc>, window_params = [{pipeline_mode = #tpu.pipeline_mode<synchronous>, transform_indices = @transform_0, window_bounds = array<i64: 64, 2048>}, {pipeline_mode = #tpu.pipeline_mode<synchronous>, transform_indices = @transform_1, window_bounds = array<i64: 64, 64>}, {pipeline_mode = #tpu.pipeline_mode<synchronous>, transform_indices = @transform_2, window_bounds = array<i64: 64, 2048>}, {transform_indices = @transform_3, window_bounds = array<i64: 1, 512, 2048>}, {transform_indices = @transform_4, window_bounds = array<i64: 1, 512, 2048>}, {transform_indices = @transform_5, window_bounds = array<i64: 1, 2048, 512>}, {pipeline_mode = #tpu.pipeline_mode<synchronous>, transform_indices = @transform_6, window_bounds = array<i64: 64, 2048>}]} {
    %get3A = arith.constant 0 : index
    %get3A_0 = arith.constant 0 : index
    %get3A_1 = vector.load %arg1[%get3A, %get3A_0] : memref<64x2048xf32, #tpu.memory_space<vmem>>, vector<64x2048xf32>
    %eq3A = arith.constant 0 : i32
    %eq3A_2 = arith.cmpi eq, %arg0, %eq3A : i32
    %convert_element_type3A = arith.extui %eq3A_2 : i1 to i32
    %cond3A = arith.constant 0 : i32
    %cond3A_3 = arith.cmpi ne, %convert_element_type3A, %cond3A : i32
    scf.if %cond3A_3 {
      %get3A_50 = arith.constant 0 : index
      %get3A_51 = arith.constant 0 : index
      %get3A_52 = vector.load %arg3[%get3A_50, %get3A_51] : memref<64x2048xf32, #tpu.memory_space<vmem>>, vector<64x2048xf32>
      %swap3A_53 = arith.constant 0 : index
      %swap3A_54 = arith.constant 0 : index
      %swap3A_55 = vector.load %arg7[%swap3A_53, %swap3A_54] : memref<64x2048xf32, #tpu.memory_space<vmem>>, vector<64x2048xf32>
      tpu.vector_store %arg7[%swap3A_53, %swap3A_54], %get3A_52 {strides = array<i32>} : memref<64x2048xf32, #tpu.memory_space<vmem>>, vector<64x2048xf32>,
    } else {
    }
    %iota3A = tpu.iota {dimensions = array<i32: 1>} : vector<64x64xi32>
    %eq3A_4 = vector.broadcast %arg0 : i32 to vector<64x64xi32>
    %eq3A_5 = arith.cmpi eq, %iota3A, %eq3A_4 : vector<64x64xi32>
    %get3A_6 = arith.constant 0 : index
    %get3A_7 = arith.constant 0 : index
    %get3A_8 = vector.load %arg2[%get3A_6, %get3A_7] : memref<64x64xf32, #tpu.memory_space<vmem>>, vector<64x64xf32>
    %jit3A = arith.constant 0.000000e+00 : f32
    %broadcast_in_dim3A = vector.broadcast %jit3A : f32 to vector<64x64xf32>
    %select_n3A = arith.select %eq3A_5, %get3A_8, %broadcast_in_dim3A : vector<64x64xi1>, vector<64x64xf32>
    %reduce_sum3A = arith.constant dense<0.000000e+00> : vector<64xf32>
    %reduce_sum3A_9 = vector.multi_reduction <add>, %select_n3A, %reduce_sum3A [1] : vector<64x64xf32> to vector<64xf32>
    %broadcast_in_dim3A_10 = vector.shape_cast %reduce_sum3A_9 : vector<64xf32> to vector<64x1xf32>
    %get3A_11 = arith.constant 0 : index
    %get3A_12 = arith.constant 0 : index
    %get3A_13 = arith.constant 0 : index
    %get3A_14 = vector.load %arg4[%get3A_11, %get3A_12, %get3A_13] : memref<1x512x2048xf32, #tpu.memory_space<vmem>>, vector<1x512x2048xf32>
    %get3A_15 = vector.shape_cast %get3A_14 : vector<1x512x2048xf32> to vector<512x2048xf32>
    %convert_element_type3A_16 = arith.truncf %get3A_1 : vector<64x2048xf32> to vector<64x2048xbf16>
    %convert_element_type3A_17 = arith.truncf %get3A_15 : vector<512x2048xf32> to vector<512x2048xbf16>
    %dot_general3A = arith.constant dense<0.000000e+00> : vector<64x512xf32>
    %dot_general3A_18 = tpu.matmul %convert_element_type3A_16, %convert_element_type3A_17, %dot_general3A {dimension_numbers = #tpu.dot_dimension_numbers<[1], [1], [0], [0], [0, 0, 1, 0], [], []>, transpose_lhs_hint = false} : vector<64x2048xbf16>, vector<512x2048xbf16>, vector<64x512xf32> -> vector<64x512xf32>
    %get3A_19 = arith.constant 0 : index
    %get3A_20 = arith.constant 0 : index
    %get3A_21 = arith.constant 0 : index
    %get3A_22 = vector.load %arg5[%get3A_19, %get3A_20, %get3A_21] : memref<1x512x2048xf32, #tpu.memory_space<vmem>>, vector<1x512x2048xf32>
    %get3A_23 = vector.shape_cast %get3A_22 : vector<1x512x2048xf32> to vector<512x2048xf32>
    %convert_element_type3A_24 = arith.truncf %get3A_1 : vector<64x2048xf32> to vector<64x2048xbf16>
    %convert_element_type3A_25 = arith.truncf %get3A_23 : vector<512x2048xf32> to vector<512x2048xbf16>
    %dot_general3A_26 = arith.constant dense<0.000000e+00> : vector<64x512xf32>
    %dot_general3A_27 = tpu.matmul %convert_element_type3A_24, %convert_element_type3A_25, %dot_general3A_26 {dimension_numbers = #tpu.dot_dimension_numbers<[1], [1], [0], [0], [0, 0, 1, 0], [], []>, transpose_lhs_hint = false} : vector<64x2048xbf16>, vector<512x2048xbf16>, vector<64x512xf32> -> vector<64x512xf32>
    %logistic3A = arith.negf %dot_general3A_18 : vector<64x512xf32>
    %logistic3A_28 = math.exp %logistic3A : vector<64x512xf32>
    %logistic3A_29 = arith.constant 1.000000e+00 : f32
    %logistic3A_30 = vector.broadcast %logistic3A_29 : f32 to vector<64x512xf32>
    %logistic3A_31 = arith.addf %logistic3A_30, %logistic3A_28 : vector<64x512xf32>
    %logistic3A_32 = arith.divf %logistic3A_30, %logistic3A_31 : vector<64x512xf32>
    %mul3A = arith.mulf %dot_general3A_18, %logistic3A_32 : vector<64x512xf32>
    %mul3A_33 = arith.mulf %mul3A, %dot_general3A_27 : vector<64x512xf32>
    %mul3A_34 = vector.broadcast %broadcast_in_dim3A_10 : vector<64x1xf32> to vector<64x512xf32>
    %mul3A_35 = arith.mulf %mul3A_33, %mul3A_34 : vector<64x512xf32>
    %get3A_36 = arith.constant 0 : index
    %get3A_37 = arith.constant 0 : index
    %get3A_38 = vector.load %arg7[%get3A_36, %get3A_37] : memref<64x2048xf32, #tpu.memory_space<vmem>>, vector<64x2048xf32>
    %get3A_39 = arith.constant 0 : index
    %get3A_40 = arith.constant 0 : index
    %get3A_41 = arith.constant 0 : index
    %get3A_42 = vector.load %arg6[%get3A_39, %get3A_40, %get3A_41] : memref<1x2048x512xf32, #tpu.memory_space<vmem>>, vector<1x2048x512xf32>
    %get3A_43 = vector.shape_cast %get3A_42 : vector<1x2048x512xf32> to vector<2048x512xf32>
    %convert_element_type3A_44 = arith.truncf %mul3A_35 : vector<64x512xf32> to vector<64x512xbf16>
    %convert_element_type3A_45 = arith.truncf %get3A_43 : vector<2048x512xf32> to vector<2048x512xbf16>
    %dot_general3A_46 = arith.constant dense<0.000000e+00> : vector<64x2048xf32>
    %dot_general3A_47 = tpu.matmul %convert_element_type3A_44, %convert_element_type3A_45, %dot_general3A_46 {dimension_numbers = #tpu.dot_dimension_numbers<[1], [1], [0], [0], [0, 0, 1, 0], [], []>, transpose_lhs_hint = false} : vector<64x512xbf16>, vector<2048x512xbf16>, vector<64x2048xf32> -> vector<64x2048xf32>
    %add3A = arith.addf %get3A_38, %dot_general3A_47 : vector<64x2048xf32>
    %swap3A = arith.constant 0 : index
    %swap3A_48 = arith.constant 0 : index
    %swap3A_49 = vector.load %arg7[%swap3A, %swap3A_48] : memref<64x2048xf32, #tpu.memory_space<vmem>>, vector<64x2048xf32>
    tpu.vector_store %arg7[%swap3A, %swap3A_48], %add3A {strides = array<i32>} : memref<64x2048xf32, #tpu.memory_space<vmem>>, vector<64x2048xf32>,
    return
  }
  func.func @transform_0(%arg0: i32) -> (i32, i32) {
    %c0_i32 = arith.constant 0 : i32
    %c0_i32_0 = arith.constant 0 : i32
    %c0_i32_1 = arith.constant 0 : i32
    return %c0_i32, %c0_i32_0 : i32, i32
  }
  func.func @transform_1(%arg0: i32) -> (i32, i32) {
    %c0_i32 = arith.constant 0 : i32
    %c0_i32_0 = arith.constant 0 : i32
    %c0_i32_1 = arith.constant 0 : i32
    return %c0_i32, %c0_i32_0 : i32, i32
  }
  func.func @transform_2(%arg0: i32) -> (i32, i32) {
    %c0_i32 = arith.constant 0 : i32
    %c0_i32_0 = arith.constant 0 : i32
    %c0_i32_1 = arith.constant 0 : i32
    return %c0_i32, %c0_i32_0 : i32, i32
  }
  func.func @transform_3(%arg0: i32) -> (i32, i32, i32) {
    %c0_i32 = arith.constant 0 : i32
    %c0_i32_0 = arith.constant 0 : i32
    %c0_i32_1 = arith.constant 0 : i32
    return %arg0, %c0_i32, %c0_i32_0 : i32, i32, i32
  }
  func.func @transform_4(%arg0: i32) -> (i32, i32, i32) {
    %c0_i32 = arith.constant 0 : i32
    %c0_i32_0 = arith.constant 0 : i32
    %c0_i32_1 = arith.constant 0 : i32
    return %arg0, %c0_i32, %c0_i32_0 : i32, i32, i32
  }
  func.func @transform_5(%arg0: i32) -> (i32, i32, i32) {
    %c0_i32 = arith.constant 0 : i32
    %c0_i32_0 = arith.constant 0 : i32
    %c0_i32_1 = arith.constant 0 : i32
    return %arg0, %c0_i32, %c0_i32_0 : i32, i32, i32
  }
  func.func @transform_6(%arg0: i32) -> (i32, i32) {
    %c0_i32 = arith.constant 0 : i32
    %c0_i32_0 = arith.constant 0 : i32
    %c0_i32_1 = arith.constant 0 : i32
    return %c0_i32, %c0_i32_0 : i32, i32
  }
}

</mosaic_0001>

<sc_bundles>
// kernel: kernel.6.cloned.1.call-start
scs
__scs_entry_jumppad:
0x0: {  	(pc) =	sbr.rel $0x88, $3  }
0x1: {  	(tag) =	ssettag $0x0;
	lr =	simm.s32 $0x1  }
0x2: {  	[smem:$0x3F98] =	sst lr;
	_ =	strace $0xD0000000  }
0x3: {  	_ = 	snop  }
0x4: {  	_ = 	snop  }
0x5: {  	_ = 	snop  }
0x6: {  	_ = 	snop  }
0x7: {  	_ = 	snop  }
__scs_overlays_trampoline_lowered:
0x8: {  	[smem:$0x3FA7] =	sst s0  }
0x9: {  	[smem:$0x3FA8] =	sst s1  }
0xa: {  	[smem:$0x3FA9] =	sst s2  }
0xb: {  	[smem:$0x3FAA] =	sst s3  }
0xc: {  	[smem:$0x3FAB] =	sst s4  }
0xd: {  	[smem:$0x3FAC] =	sst s5  }
0xe: {  	[smem:$0x3FAD] =	sst s6  }
0xf: {  	[smem:$0x3FAE] =	sst s7  }
0x10: {  	[smem:$0x3FAF] =	sst s8  }
0x11: {  	[smem:$0x3FB0] =	sst s9;
	s0 =	simm.s32 @!p0 $0x0  }
0x12: {  	s1 =	sld [smem:$0x3F96];
	s0 =	simm.s32 @p0 $0x1  }
0x13: {  	[smem:$0x3FB1] =	sst s0;
	s0 =	simm.s32 @!p1 $0x0  }
0x14: {  	s2 =	sld [smem:$0x3F95];
	s0 =	simm.s32 @p1 $0x1  }
0x15: {  	[smem:$0x3FB2] =	sst s0;
	s0 =	simm.s32 @!p2 $0x0  }
0x16: {  	s3 =	sld [smem:$0x3FDB];
	s0 =	simm.s32 @p2 $0x1  }
0x17: {  	s4 =	simm.s32 $0x1BF5;
	[smem:$0x3FB4] =	sst s0  }
0x18: {  	s0 =	sld [smem:$0x3F97];
	_ =	swait.ge [sflag:s4], $0x0  }
0x19: {  	s7 =	sld [smem:$0x3F98]  }
0x1a: {  	s8 =	sadd.s32 $0xFFFFE003, lr  }
0x1b: {  	s9 =	sadd.s32 $0xFFFFFEF7, lr;
	s5 =	simm.s32 $0xFFFFFFFF;
	p2 =	slt.u32 s8, $0xFFFFF086  }
0x1c: {  	p1 =	slt.u32 s9, $0xF7A;
	s5 =	simm.s32 @!p2 $0x0  }
0x1d: {  	s5 =	simm.s32 @p1 $0x1;
	p0 =	seq.s32 s7, s2  }
0x1e: {  	s7 =	smul.u32 @!p0 $0xF7A, s2;
	p2 =	seq.s32 @!p0 s5, $0x0  }
0x1f: {  	s9 =	smul.u32 $0xF7A, s1;
	s8 =	simm.s32 @!p0 $0x1BF5;
	p2 =	por !p2, p0  }
0x20: {  	[sflag:s8] =	ssyncset.s32 @!p0 $0xFFFFF086;
	s6 =	sadd.s32 @!p0 s3, s7;
	s7 =	simm.s32 @!p0 $0x108  }
0x21: {  	s3 =	sadd.s32 s3, s9;
	s6 =	sadd.s32 @!p0 $0x88, s6;
	s7 =	simm.s32 @p2 $0x1082  }
0x22: {  	[simem:s7], [sflag:s8] =	dma.local @!p0 [hbm:s6], $0xF7A  }
0x23: {  	s9 =	sor.u32 $0xD0000000, s2;
	s6 =	simm.s32 $0x108;
	_ =	swait.ge @!p0 [sflag:s8], $0x0  }
0x24: {  	s3 =	sadd.s32 $0x88, s3;
	s6 =	simm.s32 @!p1 $0x1082;
	[sflag:s4] =	ssyncset.s32 $0xFFFFF086  }
0x25: {  	[simem:s6], [sflag:s4] =	dma.local [hbm:s3], $0xF7A  }
0x26: {  	[smem:$0x3F98] =	sst s1;
	(tag) =	ssettag s2;
	_ =	strace s9  }
0x27: {  	s1 =	sld [smem:$0x3FA8]  }
0x28: {  	s2 =	sld [smem:$0x3FA9]  }
0x29: {  	s4 =	sld [smem:$0x3FAB]  }
0x2a: {  	p0 =	seq.s32 s5, $0x0;
	s5 =	sld [smem:$0x3FAC]  }
0x2b: {  	s6 =	sld [smem:$0x3FAD]  }
0x2c: {  	s7 =	sld [smem:$0x3FAE]  }
0x2d: {  	s3 =	simm.s32 $0x108;
	s8 =	sld [smem:$0x3FAF]  }
0x2e: {  	s3 =	simm.s32 @!p0 $0x1082;
	s9 =	sld [smem:$0x3FB0]  }
0x2f: {  	lr =	sadd.s32 s0, s3;
	s0 =	sld [smem:$0x3FA7]  }
0x30: {  	s3 =	sld [smem:$0x3FAA]  }
0x31: {  	[smem:$0x3FB3] =	sst s10  }
0x32: {  	s10 =	sld [smem:$0x3FB1];
	_ =	sdelay $0x3  }
0x33: {  	p0 =	seq.s32 s10, $0x1;
	s10 =	sld [smem:$0x3FB3];
	_ =	sdelay $0x3  }
0x34: {  	[smem:$0x3FB3] =	sst s10  }
0x35: {  	s10 =	sld [smem:$0x3FB2];
	_ =	sdelay $0x3  }
0x36: {  	p1 =	seq.s32 s10, $0x1;
	s10 =	sld [smem:$0x3FB3];
	_ =	sdelay $0x3  }
0x37: {  	[smem:$0x3FB3] =	sst s10  }
0x38: {  	s10 =	sld [smem:$0x3FB4]  }
0x39: {  	_ = 	snop;
	(pc) =	sbr.ind lr, $3  }
0x3a: {  	_ = 	snop  }
0x3b: {  	_ = 	snop  }
0x3c: {  	p2 =	seq.s32 s10, $0x1;
	s10 =	sld [smem:$0x3FB3]  }
0x3d: {  	_ =	shalt  }
0x3e: {  	_ =	shalt  }
0x3f: {  	_ =	shalt  }
0x40: {  	_ =	shalt  }
0x41: {  	_ =	shalt  }
0x42: {  	_ =	shalt  }
0x43: {  	_ =	shalt  }
0x44: {  	_ =	shalt  }
0x45: {  	_ =	shalt  }
0x46: {  	_ =	shalt  }
0x47: {  	_ =	shalt  }
0x48: {  	_ =	shalt  }
0x49: {  	_ =	shalt  }
0x4a: {  	_ =	shalt  }
0x4b: {  	_ =	shalt  }
0x4c: {  	_ =	shalt  }
0x4d: {  	_ =	shalt  }
0x4e: {  	_ =	shalt  }
0x4f: {  	_ =	shalt  }
0x50: {  	_ =	shalt  }
0x51: {  	_ =	shalt  }
0x52: {  	_ =	shalt  }
0x53: {  	_ =	shalt  }
0x54: {  	_ =	shalt  }
0x55: {  	_ =	shalt  }
0x56: {  	_ =	shalt  }
0x57: {  	_ =	shalt  }
0x58: {  	_ =	shalt  }
0x59: {  	_ =	shalt  }
0x5a: {  	_ =	shalt  }
0x5b: {  	_ =	shalt  }
0x5c: {  	_ =	shalt  }
0x5d: {  	_ =	shalt  }
0x5e: {  	_ =	shalt  }
0x5f: {  	_ =	shalt  }
0x60: {  	_ =	shalt  }
0x61: {  	_ =	shalt  }
0x62: {  	_ =	shalt  }
0x63: {  	_ =	shalt  }
0x64: {  	_ =	shalt  }
0x65: {  	_ =	shalt  }
0x66: {  	_ =	shalt  }
0x67: {  	_ =	shalt  }
0x68: {  	_ =	shalt  }
0x69: {  	_ =	shalt  }
0x6a: {  	_ =	shalt  }
0x6b: {  	_ =	shalt  }
0x6c: {  	_ =	shalt  }
0x6d: {  	_ =	shalt  }
0x6e: {  	_ =	shalt  }
0x6f: {  	_ =	shalt  }
0x70: {  	_ =	shalt  }
0x71: {  	_ =	shalt  }
0x72: {  	_ =	shalt  }
0x73: {  	_ =	shalt  }
0x74: {  	_ =	shalt  }
0x75: {  	_ =	shalt  }
0x76: {  	_ =	shalt  }
0x77: {  	_ =	shalt  }
0x78: {  	_ =	shalt  }
0x79: {  	_ =	shalt  }
0x7a: {  	_ =	shalt  }
0x7b: {  	_ =	shalt  }
0x7c: {  	_ =	shalt  }
0x7d: {  	_ =	shalt  }
0x7e: {  	_ =	shalt  }
0x7f: {  	_ =	shalt  }
0x80: {  	_ =	shalt  }
0x81: {  	_ =	shalt  }
0x82: {  	_ =	shalt  }
0x83: {  	_ =	shalt  }
0x84: {  	_ =	shalt  }
0x85: {  	_ =	shalt  }
0x86: {  	_ =	shalt  }
0x87: {  	_ =	shalt  }
.Lfunc_end0:
.L_simem_size_0:
called_computation_lowered:
.L_overlay_start_0:
0x88: {  	s2 =	sld [smem:$0x3FD9]  }
0x89: {  	s3 =	sld [smem:$0x3FFE];
	_ =	sdelay $0x1  }
0x8a: {  	s1 =	srdreg.scid  }
0x8b: {  	s0 =	sand.u32 $0x1, s1  }
0x8c: {  	s15 =	sshll.u32 s0, $0xA;
	s2 =	sadd.s32 s3, s2  }
0x8d: {  	s2 =	sadd.s32 s2, s15  }
0x8e: {  	[smem:$0x3FBF] =	sst s2  }
0x8f: {  	_ = 	snop  }
0x90: {  	s2 =	sld [smem:$0x3FD0];
	_ =	sdelay $0x2  }
0x91: {  	s16 =	simm.s32 $0xA;
	s4 =	simm.s32 $0x10  }
0x92: {  	[smem:s4], [sflag:s16] =	dma.local [hbm:s2], $0x1  }
0x93: {  	_ =	swait.eq [sflag:s16], $0x1  }
0x94: {  	[sflag:s16] =	ssyncset.done $0x0  }
0x95: {  	s17 =	sld [smem:$0x10];
	[sflag:s16] =	ssyncadd.s32 $0xFFFFFFFF  }
0x96: {  	s18 =	sld [smem:$0x11];
	(tm) =	ssettm $0x1  }
0x97: {  	s19 =	sld [smem:$0x3FFB];
	_ =	sdelay $0x3  }
0x98: {  	_ =	strace s19  }
0x99: {  	s4 =	sld [smem:$0x3FFC];
	_ =	sdelay $0x3  }
0x9a: {  	_ =	strace s4  }
0x9b: {  	s4 =	sld [smem:$0x3FFD];
	_ =	sdelay $0x3  }
0x9c: {  	_ =	strace s4  }
0x9d: {  	_ =	strace $0x8FFFFFFF  }
0x9e: {  	s20 =	sld [smem:$0x3FDB];
	_ =	sdelay $0x1  }
0x9f: {  	s5 =	simm.s32 $_scs_section_size  }
0xa0: {  	s6 =	simm.s32 $_size__tile_overlayer_lowered;
	s7 =	simm.s32 $_tile_overlayer_lowered  }
0xa1: {  	s23 =	simm.s32 $0x1BFF;
	s22 =	sshll.u32 s7, $0x1;
	s4 =	sadd.s32 s5, s20  }
0xa2: {  	s8 =	simm.s32 $0x0;
	s21 =	sshll.u32 s6, $0x1;
	s6 =	sadd.s32 s22, s4  }
0xa3: {  	[timem:s8], [sflag:s23] =	dma.local [hbm:s6], s21  }
0xa4: {  	_ =	swait.ge [sflag:s23], s21  }
0xa5: {  	s5 =	ssub.s32 $0x0, s21;
	[sflag:s23] =	ssyncset.done $0x0  }
0xa6: {  	[sflag:s23] =	ssyncadd.s32 s5;
	_ =	sdelay $0x1  }
0xa7: {  	s24 =	simm.s32 $0x1B8B  }
0xa8: {  	_ =	swait.ge [sflag:s24], $0x1  }
0xa9: {  	[sflag:s24] =	ssyncset.done $0x0  }
0xaa: {  	s25 =	simm.s32 $0x1B8E;
	[sflag:s24] =	ssyncadd.s32 $0xFFFFFFFF  }
0xab: {  	s26 =	simm.s32 $execute0_lowered;
	[smem:$0x3FD2] =	sst s25  }
0xac: {  	s5 =	sshll.u32 s26, $0x1;
	_ =	strace $0x80000046;
	[dreg:$0x1] =	wrdreg $0xFFFFFFFF  }
0xad: {  	s28 =	simm.s32 $_size_execute0_lowered;
	s4 =	sadd.s32 s4, s5;
	[dreg:$0x0] =	wrdreg $0x0  }
0xae: {  	s5 =	sshll.u32 s28, $0x1;
	[dreg:$0x2] =	wrdreg s4  }
0xaf: {  	[dreg:$0x3] =	wrdreg s5  }
0xb0: {  	[dreg:$0x4] =	wrdreg $0xC0  }
0xb1: {  	_ =	task [dreg:s8], $0x5FFFF  }
0xb2: {  	[dreg:$0x1] =	wrdreg $0xFFFFFFFF  }
0xb3: {  	[dreg:$0x0] =	wrdreg $0x60  }
0xb4: {  	[dreg:$0x2] =	wrdreg s18  }
0xb5: {  	[dreg:$0x3] =	wrdreg s17  }
0xb6: {  	[dreg:$0x4] =	wrdreg $0x9  }
0xb7: {  	_ =	task.clear_ibuf [dreg:s8], $0x5FFFF;
	_ =	strace $0x90000046  }
0xb8: {  	s29 =	simm.s32 $0x9;
	_ =	strace $0x80000048  }
0xb9: {  	_ =	swait.ge [sflag:s29], $0x1  }
0xba: {  	[sflag:s29] =	ssyncadd.s32 $0xFFFFFFFF  }
0xbb: {  	_ =	strace $0x90000048  }
0xbc: {  	_ =	sfence  }
0xbd: {  	s30 =	sld [smem:$0x0];
	_ =	sdelay $0x2  }
0xbe: {  	s31 =	sshll.u32 s1, $0xD;
	s1 =	sshrl.u32 s1, $0x2  }
0xbf: {  	s3 =	sand.u32 $0x4000, s31;
	s1 =	sadd.s32 s1, s30  }
0xc0: {  	s0 =	sor.u32 s3, s0;
	s1 =	sshll.u32 s1, $0x11  }
0xc1: {  	s0 =	sor.u32 s1, s0  }
0xc2: {  	s0 =	sadd.s32 $0x8F2B, s0  }
0xc3: {  	[sflag:s0] =	ssyncadd.remote.s32 $0x1  }
0xc4: {  	_ =	sfence.sel $0xFFFF  }
0xc5: {  	[dreg:$0x0] =	wrdreg $0xFFFFFFFF;
	(pc) =	sbr.abs _section_cstart, $3  }
0xc6: {  	[dreg:$0x1] =	wrdreg $0xFFFFFFFF  }
0xc7: {  	_ =	task.clear_ibuf [dreg:s8], $0x2FFFF;
	_ =	strace $0x9FFFFFFF  }
0xc8: {  	(tm) =	ssettm $0x7FFFFFFF  }
0xc9: {  	_ =	shalt  }
tec
execute0_lowered:
.L_overlay_start_1:
0x0: {  	(tag) =	ssettag $0x1  }
0x1: {  	s3 =	rddreg [dreg:$0x0]  }
0x2: {  	s4 =	rddreg [dreg:$0x1];
	s2 =	srdreg.scid  }
0x3: {  	s0 =	rddreg [dreg:$0x2];
	s1 =	stileid.u32  }
0x4: {  	s31 =	simm.s32 $0x100;
	s5 =	sand.u32 $0x1, s2;
	s2 =	simm.s32 $0x0  }
0x5: {  	s6 =	sshll.u32 s1, $0x6;
	s7 =	sshll.u32 s5, $0x5;
	[smem:$0x7FF] =	sst s2  }
0x6: {  	v0 =	vlaneseq.u32;
	s5 =	ssub.s32 $0x2, s5;
	s6 =	sor.u32 s7, s6;
	_ =	strace $0x80000047  }
0x7: {  	v1 =	vor.u32 $0x80000000, v0;
	s28 =	sshrl.u32 s5, $0x1;
	[dreg:$0x5] =	wrdreg s31;
	s3 =	sadd.s32 s3, s6  }
0x8: {  	v2 =	vor.u32 $0x80000010, v0;
	v3 =	vor.u32 $0x80000020, v0;
	v4 =	vor.u32 $0x80000030, v0;
	s29 =	sadd.s32 s4, s6;
	s30 =	ssub.s32 s5, s28;
	[dreg:$0x3] =	wrdreg s3  }
0x9: {  	v5 =	vor.u32 $0x10, v0;
	v6 =	vor.u32 $0x20, v0;
	v7 =	vor.u32 $0x30, v0;
	s4 =	simm.s32 $0x1;
	[dreg:$0x4] =	wrdreg s29;
	s3 =	smax.u32 s30, $0x1  }
.LBB2_1:
0xa: {  	s5 =	rddreg [dreg:$0x3]  }
0xb: {  	[tilespmem:s2], [sflag:$0x1] =	stream.linear.gather [hbm4b:s5+s2], $0x100, $0x38;
	[tilespmem:$0x200] =	vst v63  }
0xc: {  	_ =	swait.ge [sflag:s4], $0x100  }
0xd: {  	[sflag:s4] =	ssyncset.done $0x0  }
0xe: {  	[sflag:s4] =	ssyncadd.s32 $0xFFFFFF00  }
0xf: {  	v12 =	vld [tilespmem:$0x0]  }
0x10: {  	v10 =	vld [tilespmem:$0x10]  }
0x11: {  	v9 =	vld [tilespmem:$0x20]  }
0x12: {  	v8 =	vld [tilespmem:$0x30];
	_ =	sdelay $0x4  }
0x13: {  	v11 =	vmax.f32 v12, v10;
	v13 =	vmax.f32 v9, v8  }
0x14: {  	v11 =	vmax.f32 v11, v13  }
0x15: {  	(xrf0) =	vmax.scan.msk.f32 $0xffff, v11;
	_ =	sdelay $0x5  }
0x16: {  	v11, _, _ =	vpop (xrf0)  }
0x17: {  	v11 =	vbroadcast v11, $0xF;
	_ =	sdelay $0x1  }
0x18: {  	vm0 =	veq.f32 v12, v11  }
0x19: {  	vm7 =	veq.f32 v10, v11;
	v43 =	vnsel vm0, $0x80000040, v1  }
0x1a: {  	v44 =	vnsel vm7, $0x80000040, v2;
	(xrf0) =	vmin.scan.msk.u32 $0xffff, v43  }
0x1b: {  	vm8 =	veq.f32 v9, v11;
	(xrf0) =	vmin.scan.msk.u32 $0xffff, v44  }
0x1c: {  	v45 =	vnsel vm8, $0x80000040, v3  }
0x1d: {  	vm9 =	veq.f32 v8, v11;
	(xrf0) =	vmin.scan.msk.u32 $0xffff, v45  }
0x1e: {  	v46 =	vnsel vm9, $0x80000040, v4  }
0x1f: {  	(xrf0) =	vmin.scan.msk.u32 $0xffff, v46  }
0x20: {  	v47, _, _ =	vpop (xrf0)  }
0x21: {  	(v2sf) =	vpush v47, $0xF;
	v48, _, _ =	vpop (xrf0)  }
0x22: {  	(v2sf) =	vpush v48, $0xF  }
0x23: {  	v49, _, _ =	vpop (xrf0)  }
0x24: {  	(v2sf) =	vpush v49, $0xF  }
0x25: {  	v50, _, _ =	vpop (xrf0)  }
0x26: {  	(v2sf) =	vpush v50, $0xF;
	_ =	sdelay $0x9  }
0x27: {  	s9 =	spop (v2sf)  }
0x28: {  	s6 =	spop (v2sf)  }
0x29: {  	s5 =	sxor.u32 $0x80000000, s9;
	s6 =	sxor.u32 $0x80000000, s6  }
0x2a: {  	s7 =	spop (v2sf);
	p0 =	slt.s32 s5, s6  }
0x2b: {  	s6 =	smov.u32 @p0 s5;
	s5 =	sxor.u32 $0x80000000, s7  }
0x2c: {  	s10 =	spop (v2sf);
	p0 =	slt.s32 s6, s5  }
0x2d: {  	s5 =	smov.u32 @p0 s6;
	s6 =	sxor.u32 $0x80000000, s10  }
0x2e: {  	p0 =	slt.s32 s5, s6  }
0x2f: {  	s6 =	smov.u32 @p0 s5  }
0x30: {  	p0 =	slt.s32 s6, $0x40  }
0x31: {  	s6 =	simm.s32 @!p0 $0x40  }
0x32: {  	v51 =	vmov s6  }
0x33: {  	v13 =	vbroadcast v51, $0x0;
	_ =	sdelay $0x1  }
0x34: {  	vm10 =	veq.s32 v13, v0;
	vm2 =	veq.s32 v13, v5  }
0x35: {  	vm1 =	veq.s32 v13, v6;
	vm11 =	veq.s32 v13, v7;
	v52 =	vsel vm10, $0xFF800000, v12  }
0x36: {  	v55 =	vsel vm2, $0xFF800000, v10;
	v56 =	vsel vm1, $0xFF800000, v9;
	v16 =	vsel vm11, $0xFF800000, v8  }
0x37: {  	v17 =	vmax.f32 v52, v55;
	v18 =	vmax.f32 v56, v16  }
0x38: {  	v17 =	vmax.f32 v17, v18  }
0x39: {  	(xrf0) =	vmax.scan.msk.f32 $0xffff, v17;
	_ =	sdelay $0x5  }
0x3a: {  	v17, _, _ =	vpop (xrf0)  }
0x3b: {  	v17 =	vbroadcast v17, $0xF;
	_ =	sdelay $0x1  }
0x3c: {  	vm12 =	veq.f32 v52, v17  }
0x3d: {  	vm13 =	veq.f32 v55, v17;
	v57 =	vnsel vm12, $0x80000040, v1  }
0x3e: {  	v58 =	vnsel vm13, $0x80000040, v2;
	(xrf0) =	vmin.scan.msk.u32 $0xffff, v57  }
0x3f: {  	vm14 =	veq.f32 v56, v17;
	(xrf0) =	vmin.scan.msk.u32 $0xffff, v58  }
0x40: {  	v59 =	vnsel vm14, $0x80000040, v3  }
0x41: {  	vm15 =	veq.f32 v16, v17;
	(xrf0) =	vmin.scan.msk.u32 $0xffff, v59  }
0x42: {  	v17 =	vnsel vm15, $0x80000040, v4  }
0x43: {  	(xrf0) =	vmin.scan.msk.u32 $0xffff, v17  }
0x44: {  	v60, _, _ =	vpop (xrf0)  }
0x45: {  	(v2sf) =	vpush v60, $0xF;
	v61, _, _ =	vpop (xrf0)  }
0x46: {  	(v2sf) =	vpush v61, $0xF  }
0x47: {  	v62, _, _ =	vpop (xrf0)  }
0x48: {  	(v2sf) =	vpush v62, $0xF  }
0x49: {  	v63, _, _ =	vpop (xrf0)  }
0x4a: {  	(v2sf) =	vpush v63, $0xF;
	_ =	sdelay $0x9  }
0x4b: {  	s11 =	spop (v2sf)  }
0x4c: {  	s12 =	spop (v2sf)  }
0x4d: {  	s5 =	sxor.u32 $0x80000000, s11;
	s6 =	sxor.u32 $0x80000000, s12  }
0x4e: {  	s13 =	spop (v2sf);
	p0 =	slt.s32 s5, s6  }
0x4f: {  	s6 =	smov.u32 @p0 s5;
	s5 =	sxor.u32 $0x80000000, s13  }
0x50: {  	s14 =	spop (v2sf);
	p0 =	slt.s32 s6, s5  }
0x51: {  	s5 =	smov.u32 @p0 s6;
	s6 =	sxor.u32 $0x80000000, s14  }
0x52: {  	p0 =	slt.s32 s5, s6  }
0x53: {  	s6 =	smov.u32 @p0 s5  }
0x54: {  	p0 =	slt.s32 s6, $0x40  }
0x55: {  	v14 =	vimm.s32 $0x0;
	s6 =	simm.s32 @!p0 $0x40  }
0x56: {  	v15 =	vimm.s32 $0x0;
	v53 =	vimm.s32 $0x0;
	v20 =	vmov s6  }
0x57: {  	v54 =	vimm.s32 $0x0;
	v14 =	vsel vm10, $0xFFFFFFFF, v14;
	v17 =	vbroadcast v20, $0x0  }
0x58: {  	v24 =	vimm.s32 $0x0;
	v15 =	vsel vm2, $0xFFFFFFFF, v15;
	v13 =	vsel vm11, $0xFFFFFFFF, v54;
	[tilespmem:$0x1FE80] =	vst v14  }
0x59: {  	[tilespmem:$0x1FED0] =	vst v15;
	v15 =	vsel vm1, $0xFFFFFFFF, v53;
	vm4 =	veq.s32 v17, v0;
	vm5 =	veq.s32 v17, v5  }
0x5a: {  	[tilespmem:$0x1FF20] =	vst v13;
	vm6 =	veq.s32 v17, v6;
	vm7 =	veq.s32 v17, v7;
	v14 =	vsel vm4, $0xFF800000, v52  }
0x5b: {  	[tilespmem:$0x1FF00] =	vst v15;
	v13 =	vsel vm5, $0xFF800000, v55;
	v15 =	vsel vm6, $0xFF800000, v56;
	v16 =	vsel vm7, $0xFF800000, v16  }
0x5c: {  	v17 =	vsel vm7, $0xFFFFFFFF, v24;
	v25 =	vmax.f32 v14, v13;
	v26 =	vmax.f32 v15, v16  }
0x5d: {  	[tilespmem:$0x1FF10] =	vst v17;
	v17 =	vmax.f32 v25, v26  }
0x5e: {  	(xrf0) =	vmax.scan.msk.f32 $0xffff, v17;
	_ =	sdelay $0x5  }
0x5f: {  	v17, _, _ =	vpop (xrf0)  }
0x60: {  	v17 =	vbroadcast v17, $0xF;
	_ =	sdelay $0x1  }
0x61: {  	vm8 =	veq.f32 v14, v17  }
0x62: {  	vm9 =	veq.f32 v13, v17;
	v27 =	vnsel vm8, $0x80000040, v1  }
0x63: {  	v28 =	vnsel vm9, $0x80000040, v2;
	(xrf0) =	vmin.scan.msk.u32 $0xffff, v27  }
0x64: {  	vm10 =	veq.f32 v15, v17;
	(xrf0) =	vmin.scan.msk.u32 $0xffff, v28  }
0x65: {  	v29 =	vnsel vm10, $0x80000040, v3  }
0x66: {  	vm11 =	veq.f32 v16, v17;
	(xrf0) =	vmin.scan.msk.u32 $0xffff, v29  }
0x67: {  	v17 =	vnsel vm11, $0x80000040, v4  }
0x68: {  	(xrf0) =	vmin.scan.msk.u32 $0xffff, v17  }
0x69: {  	v30, _, _ =	vpop (xrf0)  }
0x6a: {  	(v2sf) =	vpush v30, $0xF;
	v31, _, _ =	vpop (xrf0)  }
0x6b: {  	(v2sf) =	vpush v31, $0xF  }
0x6c: {  	v32, _, _ =	vpop (xrf0)  }
0x6d: {  	(v2sf) =	vpush v32, $0xF  }
0x6e: {  	v33, _, _ =	vpop (xrf0)  }
0x6f: {  	(v2sf) =	vpush v33, $0xF;
	_ =	sdelay $0x9  }
0x70: {  	s15 =	spop (v2sf)  }
0x71: {  	s16 =	spop (v2sf)  }
0x72: {  	s5 =	sxor.u32 $0x80000000, s15;
	s6 =	sxor.u32 $0x80000000, s16  }
0x73: {  	s17 =	spop (v2sf);
	p0 =	slt.s32 s5, s6  }
0x74: {  	s6 =	smov.u32 @p0 s5;
	s5 =	sxor.u32 $0x80000000, s17  }
0x75: {  	s18 =	spop (v2sf);
	p0 =	slt.s32 s6, s5  }
0x76: {  	s5 =	smov.u32 @p0 s6;
	s6 =	sxor.u32 $0x80000000, s18  }
0x77: {  	p0 =	slt.s32 s5, s6  }
0x78: {  	s6 =	smov.u32 @p0 s5  }
0x79: {  	p0 =	slt.s32 s6, $0x40  }
0x7a: {  	s6 =	simm.s32 @!p0 $0x40  }
0x7b: {  	v34 =	vmov s6  }
0x7c: {  	v17 =	vbroadcast v34, $0x0;
	_ =	sdelay $0x1  }
0x7d: {  	v38 =	vimm.s32 $0x0;
	vm12 =	veq.s32 v17, v0;
	vm13 =	veq.s32 v17, v5  }
0x7e: {  	vm14 =	veq.s32 v17, v6;
	vm15 =	veq.s32 v17, v7;
	v14 =	vsel vm12, $0xFF800000, v14  }
0x7f: {  	v13 =	vsel vm13, $0xFF800000, v13;
	v15 =	vsel vm14, $0xFF800000, v15;
	v16 =	vsel vm15, $0xFF800000, v16  }
0x80: {  	v17 =	vsel vm15, $0xFFFFFFFF, v38;
	v39 =	vmax.f32 v14, v13;
	v40 =	vmax.f32 v15, v16  }
0x81: {  	[tilespmem:$0x1FEF0] =	vst v17;
	v17 =	vmax.f32 v39, v40  }
0x82: {  	(xrf0) =	vmax.scan.msk.f32 $0xffff, v17;
	_ =	sdelay $0x5  }
0x83: {  	v17, _, _ =	vpop (xrf0)  }
0x84: {  	v17 =	vbroadcast v17, $0xF  }
0x85: {  	v21 =	vimm.s32 $0x0  }
0x86: {  	v22 =	vimm.s32 $0x0;
	v18 =	vsel vm4, $0xFFFFFFFF, v21;
	vm4 =	veq.f32 v14, v17  }
0x87: {  	[tilespmem:$0x1FE70] =	vst v18;
	v18 =	vsel vm5, $0xFFFFFFFF, v22;
	vm5 =	veq.f32 v13, v17;
	v41 =	vnsel vm4, $0x80000040, v1  }
0x88: {  	v23 =	vimm.s32 $0x0;
	v42 =	vnsel vm5, $0x80000040, v2;
	(xrf0) =	vmin.scan.msk.u32 $0xffff, v41  }
0x89: {  	[tilespmem:$0x1FEA0] =	vst v18;
	v18 =	vsel vm6, $0xFFFFFFFF, v23;
	vm6 =	veq.f32 v15, v17;
	(xrf0) =	vmin.scan.msk.u32 $0xffff, v42  }
0x8a: {  	v43 =	vnsel vm6, $0x80000040, v3  }
0x8b: {  	vm7 =	veq.f32 v16, v17;
	(xrf0) =	vmin.scan.msk.u32 $0xffff, v43  }
0x8c: {  	v17 =	vnsel vm7, $0x80000040, v4  }
0x8d: {  	(xrf0) =	vmin.scan.msk.u32 $0xffff, v17  }
0x8e: {  	v44, _, _ =	vpop (xrf0)  }
0x8f: {  	(v2sf) =	vpush v44, $0xF;
	v45, _, _ =	vpop (xrf0)  }
0x90: {  	(v2sf) =	vpush v45, $0xF  }
0x91: {  	v46, _, _ =	vpop (xrf0)  }
0x92: {  	(v2sf) =	vpush v46, $0xF  }
0x93: {  	v47, _, _ =	vpop (xrf0)  }
0x94: {  	(v2sf) =	vpush v47, $0xF;
	_ =	sdelay $0x9  }
0x95: {  	s19 =	spop (v2sf)  }
0x96: {  	s20 =	spop (v2sf)  }
0x97: {  	s5 =	sxor.u32 $0x80000000, s19;
	s6 =	sxor.u32 $0x80000000, s20  }
0x98: {  	s21 =	spop (v2sf);
	p0 =	slt.s32 s5, s6  }
0x99: {  	s6 =	smov.u32 @p0 s5;
	s5 =	sxor.u32 $0x80000000, s21  }
0x9a: {  	s22 =	spop (v2sf);
	p0 =	slt.s32 s6, s5  }
0x9b: {  	s5 =	smov.u32 @p0 s6;
	s6 =	sxor.u32 $0x80000000, s22  }
0x9c: {  	p0 =	slt.s32 s5, s6  }
0x9d: {  	s6 =	smov.u32 @p0 s5  }
0x9e: {  	p0 =	slt.s32 s6, $0x40  }
0x9f: {  	s6 =	simm.s32 @!p0 $0x40  }
0xa0: {  	v35 =	vimm.s32 $0x0;
	v48 =	vmov s6  }
0xa1: {  	v36 =	vimm.s32 $0x0;
	[tilespmem:$0x1FEE0] =	vst v18;
	v18 =	vsel vm12, $0xFFFFFFFF, v35;
	v17 =	vbroadcast v48, $0x0  }
0xa2: {  	v37 =	vimm.s32 $0x0;
	v49 =	vimm.s32 $0x0;
	[tilespmem:$0x1FE60] =	vst v18;
	v18 =	vsel vm13, $0xFFFFFFFF, v36  }
0xa3: {  	[tilespmem:$0x1FE90] =	vst v18;
	v18 =	vsel vm14, $0xFFFFFFFF, v37;
	vm15 =	veq.s32 v17, v0;
	vm14 =	veq.s32 v17, v5  }
0xa4: {  	vm13 =	veq.s32 v17, v6;
	vm8 =	veq.s32 v17, v7;
	v14 =	vsel vm15, $0xFF800000, v14  }
0xa5: {  	v13 =	vsel vm14, $0xFF800000, v13;
	v15 =	vsel vm13, $0xFF800000, v15;
	v16 =	vsel vm8, $0xFF800000, v16  }
0xa6: {  	v17 =	vsel vm8, $0xFFFFFFFF, v49;
	v50 =	vmax.f32 v14, v13;
	v51 =	vmax.f32 v15, v16  }
0xa7: {  	[tilespmem:$0x1FEC0] =	vst v17;
	v17 =	vmax.f32 v50, v51  }
0xa8: {  	(xrf0) =	vmax.scan.msk.f32 $0xffff, v17;
	_ =	sdelay $0x5  }
0xa9: {  	v17, _, _ =	vpop (xrf0)  }
0xaa: {  	v17 =	vbroadcast v17, $0xF;
	_ =	sdelay $0x1  }
0xab: {  	vm9 =	veq.f32 v14, v17  }
0xac: {  	vm10 =	veq.f32 v13, v17;
	v52 =	vnsel vm9, $0x80000040, v1  }
0xad: {  	v19 =	vnsel vm10, $0x80000040, v2;
	(xrf0) =	vmin.scan.msk.u32 $0xffff, v52  }
0xae: {  	vm11 =	veq.f32 v15, v17;
	(xrf0) =	vmin.scan.msk.u32 $0xffff, v19  }
0xaf: {  	v53 =	vnsel vm11, $0x80000040, v3  }
0xb0: {  	vm12 =	veq.f32 v16, v17;
	(xrf0) =	vmin.scan.msk.u32 $0xffff, v53  }
0xb1: {  	v17 =	vnsel vm12, $0x80000040, v4  }
0xb2: {  	(xrf0) =	vmin.scan.msk.u32 $0xffff, v17  }
0xb3: {  	v54, _, _ =	vpop (xrf0)  }
0xb4: {  	(v2sf) =	vpush v54, $0xF;
	v55, _, _ =	vpop (xrf0)  }
0xb5: {  	(v2sf) =	vpush v55, $0xF  }
0xb6: {  	v56, _, _ =	vpop (xrf0)  }
0xb7: {  	(v2sf) =	vpush v56, $0xF  }
0xb8: {  	v57, _, _ =	vpop (xrf0)  }
0xb9: {  	(v2sf) =	vpush v57, $0xF;
	_ =	sdelay $0x9  }
0xba: {  	s23 =	spop (v2sf)  }
0xbb: {  	s24 =	spop (v2sf)  }
0xbc: {  	s5 =	sxor.u32 $0x80000000, s23;
	s6 =	sxor.u32 $0x80000000, s24  }
0xbd: {  	s25 =	spop (v2sf);
	p0 =	slt.s32 s5, s6  }
0xbe: {  	s6 =	smov.u32 @p0 s5;
	s5 =	sxor.u32 $0x80000000, s25  }
0xbf: {  	s26 =	spop (v2sf);
	p0 =	slt.s32 s6, s5  }
0xc0: {  	s5 =	smov.u32 @p0 s6;
	s6 =	sxor.u32 $0x80000000, s26  }
0xc1: {  	p0 =	slt.s32 s5, s6  }
0xc2: {  	s6 =	smov.u32 @p0 s5  }
0xc3: {  	p0 =	slt.s32 s6, $0x40  }
0xc4: {  	s6 =	simm.s32 @!p0 $0x40  }
0xc5: {  	v58 =	vmov s6  }
0xc6: {  	v17 =	vbroadcast v58, $0x0;
	_ =	sdelay $0x1  }
0xc7: {  	vm8 =	veq.s32 v17, v0;
	vm9 =	veq.s32 v17, v5  }
0xc8: {  	vm10 =	veq.s32 v17, v6;
	vm11 =	veq.s32 v17, v7;
	v14 =	vsel vm8, $0xFF800000, v14  }
0xc9: {  	v13 =	vsel vm9, $0xFF800000, v13;
	v15 =	vsel vm10, $0xFF800000, v15;
	v16 =	vsel vm11, $0xFF800000, v16  }
0xca: {  	v59 =	vmax.f32 v14, v13;
	v60 =	vmax.f32 v15, v16  }
0xcb: {  	v17 =	vmax.f32 v59, v60  }
0xcc: {  	(xrf0) =	vmax.scan.msk.f32 $0xffff, v17;
	_ =	sdelay $0x5  }
0xcd: {  	v17, _, _ =	vpop (xrf0)  }
0xce: {  	v17 =	vbroadcast v17, $0xF;
	_ =	sdelay $0x1  }
0xcf: {  	vm4 =	veq.f32 v14, v17  }
0xd0: {  	vm5 =	veq.f32 v13, v17;
	v61 =	vnsel vm4, $0x80000040, v1  }
0xd1: {  	v62 =	vnsel vm5, $0x80000040, v2;
	(xrf0) =	vmin.scan.msk.u32 $0xffff, v61  }
0xd2: {  	vm6 =	veq.f32 v15, v17;
	(xrf0) =	vmin.scan.msk.u32 $0xffff, v62  }
0xd3: {  	v63 =	vnsel vm6, $0x80000040, v3  }
0xd4: {  	vm7 =	veq.f32 v16, v17;
	(xrf0) =	vmin.scan.msk.u32 $0xffff, v63  }
0xd5: {  	v17 =	vnsel vm7, $0x80000040, v4  }
0xd6: {  	(xrf0) =	vmin.scan.msk.u32 $0xffff, v17  }
0xd7: {  	v20, _, _ =	vpop (xrf0)  }
0xd8: {  	(v2sf) =	vpush v20, $0xF;
	v21, _, _ =	vpop (xrf0)  }
0xd9: {  	(v2sf) =	vpush v21, $0xF  }
0xda: {  	v22, _, _ =	vpop (xrf0)  }
0xdb: {  	(v2sf) =	vpush v22, $0xF  }
0xdc: {  	v23, _, _ =	vpop (xrf0)  }
0xdd: {  	(v2sf) =	vpush v23, $0xF;
	_ =	sdelay $0x9  }
0xde: {  	s28 =	spop (v2sf)  }
0xdf: {  	s29 =	spop (v2sf)  }
0xe0: {  	s5 =	sxor.u32 $0x80000000, s28;
	s6 =	sxor.u32 $0x80000000, s29  }
0xe1: {  	s30 =	spop (v2sf);
	p0 =	slt.s32 s5, s6  }
0xe2: {  	s6 =	smov.u32 @p0 s5;
	s5 =	sxor.u32 $0x80000000, s30  }
0xe3: {  	s31 =	spop (v2sf);
	p0 =	slt.s32 s6, s5  }
0xe4: {  	s5 =	smov.u32 @p0 s6;
	s6 =	sxor.u32 $0x80000000, s31  }
0xe5: {  	p0 =	slt.s32 s5, s6  }
0xe6: {  	s6 =	smov.u32 @p0 s5  }
0xe7: {  	p0 =	slt.s32 s6, $0x40  }
0xe8: {  	s6 =	simm.s32 @!p0 $0x40  }
0xe9: {  	v24 =	vmov s6  }
0xea: {  	v17 =	vbroadcast v24, $0x0;
	_ =	sdelay $0x1  }
0xeb: {  	vm4 =	veq.s32 v17, v0;
	vm5 =	veq.s32 v17, v5  }
0xec: {  	vm6 =	veq.s32 v17, v6;
	vm7 =	veq.s32 v17, v7;
	v14 =	vsel vm4, $0xFF800000, v14  }
0xed: {  	v13 =	vsel vm5, $0xFF800000, v13;
	v15 =	vsel vm6, $0xFF800000, v15;
	v16 =	vsel vm7, $0xFF800000, v16  }
0xee: {  	v25 =	vmax.f32 v14, v13;
	v26 =	vmax.f32 v15, v16  }
0xef: {  	v17 =	vmax.f32 v25, v26  }
0xf0: {  	(xrf0) =	vmax.scan.msk.f32 $0xffff, v17;
	_ =	sdelay $0x5  }
0xf1: {  	v17, _, _ =	vpop (xrf0)  }
0xf2: {  	v17 =	vbroadcast v17, $0xF;
	_ =	sdelay $0x1  }
0xf3: {  	vm12 =	veq.f32 v14, v17  }
0xf4: {  	v27 =	vnsel vm12, $0x80000040, v1;
	vm12 =	veq.f32 v13, v17  }
0xf5: {  	v28 =	vnsel vm12, $0x80000040, v2;
	(xrf0) =	vmin.scan.msk.u32 $0xffff, v27  }
0xf6: {  	vm12 =	veq.f32 v15, v17;
	(xrf0) =	vmin.scan.msk.u32 $0xffff, v28  }
0xf7: {  	v29 =	vnsel vm12, $0x80000040, v3  }
0xf8: {  	vm12 =	veq.f32 v16, v17;
	(xrf0) =	vmin.scan.msk.u32 $0xffff, v29  }
0xf9: {  	v17 =	vnsel vm12, $0x80000040, v4  }
0xfa: {  	(xrf0) =	vmin.scan.msk.u32 $0xffff, v17  }
0xfb: {  	v30, _, _ =	vpop (xrf0)  }
0xfc: {  	(v2sf) =	vpush v30, $0xF;
	v31, _, _ =	vpop (xrf0)  }
0xfd: {  	(v2sf) =	vpush v31, $0xF  }
0xfe: {  	v32, _, _ =	vpop (xrf0)  }
0xff: {  	(v2sf) =	vpush v32, $0xF  }
0x100: {  	v33, _, _ =	vpop (xrf0)  }
0x101: {  	(v2sf) =	vpush v33, $0xF;
	_ =	sdelay $0x9  }
0x102: {  	s7 =	spop (v2sf)  }
0x103: {  	s8 =	spop (v2sf)  }
0x104: {  	s5 =	sxor.u32 $0x80000000, s7;
	s6 =	sxor.u32 $0x80000000, s8  }
0x105: {  	s9 =	spop (v2sf);
	p0 =	slt.s32 s5, s6  }
0x106: {  	s6 =	smov.u32 @p0 s5;
	s5 =	sxor.u32 $0x80000000, s9  }
0x107: {  	s10 =	spop (v2sf);
	p0 =	slt.s32 s6, s5  }
0x108: {  	s5 =	smov.u32 @p0 s6;
	s6 =	sxor.u32 $0x80000000, s10  }
0x109: {  	p0 =	slt.s32 s5, s6  }
0x10a: {  	s6 =	smov.u32 @p0 s5  }
0x10b: {  	p0 =	slt.s32 s6, $0x40  }
0x10c: {  	s6 =	simm.s32 @!p0 $0x40  }
0x10d: {  	v34 =	vmov s6  }
0x10e: {  	v17 =	vbroadcast v34, $0x0;
	_ =	sdelay $0x1  }
0x10f: {  	vm0 =	veq.s32 v17, v0;
	vm1 =	veq.s32 v17, v5  }
0x110: {  	vm2 =	veq.s32 v17, v6;
	vm3 =	veq.s32 v17, v7;
	v14 =	vsel vm0, $0xFF800000, v14  }
0x111: {  	v13 =	vsel vm1, $0xFF800000, v13;
	v15 =	vsel vm2, $0xFF800000, v15;
	v16 =	vsel vm3, $0xFF800000, v16  }
0x112: {  	v35 =	vmax.f32 v14, v13;
	v36 =	vmax.f32 v15, v16  }
0x113: {  	v17 =	vmax.f32 v35, v36  }
0x114: {  	(xrf0) =	vmax.scan.msk.f32 $0xffff, v17;
	_ =	sdelay $0x5  }
0x115: {  	v17, _, _ =	vpop (xrf0)  }
0x116: {  	v17 =	vbroadcast v17, $0xF;
	_ =	sdelay $0x1  }
0x117: {  	vm12 =	veq.f32 v14, v17  }
0x118: {  	v14 =	vnsel vm12, $0x80000040, v1;
	vm12 =	veq.f32 v13, v17  }
0x119: {  	v13 =	vnsel vm12, $0x80000040, v2;
	(xrf0) =	vmin.scan.msk.u32 $0xffff, v14  }
0x11a: {  	vm12 =	veq.f32 v15, v17;
	(xrf0) =	vmin.scan.msk.u32 $0xffff, v13  }
0x11b: {  	v37 =	vnsel vm12, $0x80000040, v3  }
0x11c: {  	vm12 =	veq.f32 v16, v17;
	(xrf0) =	vmin.scan.msk.u32 $0xffff, v37  }
0x11d: {  	v38 =	vnsel vm12, $0x80000040, v4  }
0x11e: {  	(xrf0) =	vmin.scan.msk.u32 $0xffff, v38  }
0x11f: {  	v39, _, _ =	vpop (xrf0)  }
0x120: {  	(v2sf) =	vpush v39, $0xF;
	v40, _, _ =	vpop (xrf0)  }
0x121: {  	(v2sf) =	vpush v40, $0xF  }
0x122: {  	v41, _, _ =	vpop (xrf0)  }
0x123: {  	(v2sf) =	vpush v41, $0xF  }
0x124: {  	v42, _, _ =	vpop (xrf0)  }
0x125: {  	(v2sf) =	vpush v42, $0xF;
	_ =	sdelay $0x9  }
0x126: {  	s11 =	spop (v2sf)  }
0x127: {  	v12 =	vsub.f32 v12, v11;
	s12 =	spop (v2sf)  }
0x128: {  	s5 =	sxor.u32 $0x80000000, s11;
	s6 =	sxor.u32 $0x80000000, s12  }
0x129: {  	v12 =	vmul.f32 $1.442695020e+00, v12;
	s13 =	spop (v2sf);
	p0 =	slt.s32 s5, s6  }
0x12a: {  	s6 =	smov.u32 @p0 s5;
	s5 =	sxor.u32 $0x80000000, s13  }
0x12b: {  	(erf) = vpow2.f32 v12;
	v12 =	vld [tilespmem:$0xB0];
	s14 =	spop (v2sf);
	p0 =	slt.s32 s6, s5  }
0x12c: {  	v10 =	vsub.f32 v10, v11;
	v15 =	vld [tilespmem:$0x80];
	s5 =	smov.u32 @p0 s6;
	s6 =	sxor.u32 $0x80000000, s14  }
0x12d: {  	v9 =	vsub.f32 v9, v11;
	v14 =	vld [tilespmem:$0x90];
	p0 =	slt.s32 s5, s6  }
0x12e: {  	v8 =	vsub.f32 v8, v11;
	v10 =	vmul.f32 $1.442695020e+00, v10;
	v13 =	vld [tilespmem:$0xA0];
	s6 =	smov.u32 @p0 s5  }
0x12f: {  	v9 =	vmul.f32 $1.442695020e+00, v9;
	v44 =	vld [tilespmem:$0x1FE60];
	p0 =	slt.s32 s6, $0x40  }
0x130: {  	v8 =	vmul.f32 $1.442695020e+00, v8;
	(erf) = vpow2.f32 v10;
	v45 =	vld [tilespmem:$0x1FE70];
	s6 =	simm.s32 @!p0 $0x40  }
0x131: {  	(erf) = vpow2.f32 v9;
	v46 =	vld [tilespmem:$0x1FE80];
	v43 =	vmov s6  }
0x132: {  	(erf) = vpow2.f32 v8;
	v50 =	vld [tilespmem:$0x1FE90];
	vm12 =	veq.s32 v43, v0  }
0x133: {  	v57 =	vld [tilespmem:$0x1FEF0];
	v48 =	vmax.f32 v15, v14;
	v49 =	vmax.f32 v13, v12;
	vm0 =	vmor vm12, vm0  }
0x134: {  	[tilespmem:$0x1FEB0] =	vst v18;
	v51 =	vld [tilespmem:$0x1FEA0];
	v9 =	vmax.f32 v48, v49;
	vm12 =	veq.s32 v43, v5;
	vm0 =	vmor vm0, vm4  }
0x135: {  	v52 =	vld [tilespmem:$0x1FEB0];
	vm1 =	vmor vm12, vm1;
	vm12 =	veq.s32 v43, v6;
	vm0 =	vmor vm0, vm8  }
0x136: {  	v56 =	vld [tilespmem:$0x1FEE0];
	vm8 =	vnez.u8 v45;
	vm1 =	vmor vm1, vm5;
	vm4 =	vmor vm12, vm2  }
0x137: {  	v53 =	vld [tilespmem:$0x1FEC0];
	vm5 =	veq.s32 v43, v7;
	vm0 =	vmor vm0, vm15;
	vm15 =	vnez.u8 v44  }
0x138: {  	v55 =	vld [tilespmem:$0x1FED0];
	vm12 =	vnez.u8 v57;
	vm2 =	vmor vm5, vm3;
	vm0 =	vmor vm0, vm15  }
0x139: {  	v60 =	vld [tilespmem:$0x1FF10];
	vm15 =	vnez.u8 v46;
	vm2 =	vmor vm2, vm7;
	vm7 =	vnez.u8 v51  }
0x13a: {  	v62 =	vld [tilespmem:$0x1FF20];
	vm0 =	vmor vm0, vm8;
	vm2 =	vmor vm2, vm11;
	vm8 =	vnez.u8 v52  }
0x13b: {  	vm11 =	vnez.u8 v56;
	vm0 =	vmor vm0, vm15;
	vm15 =	vmor vm1, vm9  }
0x13c: {  	v47 =	vpop (erf);
	v59 =	vld [tilespmem:$0x1FF00];
	vm1 =	vmor vm4, vm6;
	vm6 =	vnez.u8 v50;
	vm9 =	vnez.u8 v53  }
0x13d: {  	v8 =	vnsel vm0, $0x0, v47;
	vm0 =	vmor vm15, vm14;
	vm1 =	vmor vm1, vm10  }
0x13e: {  	vm2 =	vmor vm2, vm9;
	vm10 =	vnez.u8 v55;
	vm14 =	vnez.u8 v60  }
0x13f: {  	(xrf0) =	vmax.scan.msk.f32 $0xffff, v9;
	vm15 =	vnez.u8 v62;
	vm0 =	vmor vm0, vm6;
	vm1 =	vmor vm1, vm13  }
0x140: {  	vm2 =	vmor vm2, vm12;
	vm0 =	vmor vm0, vm7;
	vm1 =	vmor vm1, vm8  }
0x141: {  	v54 =	vpop (erf);
	vm13 =	vnez.u8 v59;
	vm0 =	vmor vm0, vm10;
	vm1 =	vmor vm1, vm11  }
0x142: {  	v58 =	vpop (erf);
	(xrf2) =	vadd.scan.msk.f32 $0xffff, v8;
	v9 =	vnsel vm0, $0x0, v54;
	vm0 =	vmor vm1, vm13;
	vm1 =	vmor vm2, vm14  }
0x143: {  	v61 =	vpop (erf);
	v10 =	vnsel vm0, $0x0, v58;
	vm0 =	vmor vm1, vm15;
	(xrf2) =	vadd.scan.msk.f32 $0xffff, v9  }
0x144: {  	v11 =	vnsel vm0, $0x0, v61;
	(xrf2) =	vadd.scan.msk.f32 $0xffff, v10  }
0x145: {  	v63, _, _ =	vpop (xrf0);
	(xrf2) =	vadd.scan.msk.f32 $0xffff, v11  }
0x146: {  	v16 =	vbroadcast v63, $0xF;
	_ =	sdelay $0x1  }
0x147: {  	vm4 =	veq.f32 v15, v16  }
0x148: {  	vm5 =	veq.f32 v14, v16;
	v20 =	vnsel vm4, $0x80000040, v1  }
0x149: {  	v21 =	vnsel vm5, $0x80000040, v2;
	(xrf0) =	vmin.scan.msk.u32 $0xffff, v20  }
0x14a: {  	vm6 =	veq.f32 v13, v16;
	(xrf0) =	vmin.scan.msk.u32 $0xffff, v21  }
0x14b: {  	v23 =	vnsel vm6, $0x80000040, v3;
	v22, _, _ =	vpop (xrf2)  }
0x14c: {  	vm7 =	veq.f32 v12, v16;
	(xrf0) =	vmin.scan.msk.u32 $0xffff, v23;
	(v2sf) =	vpush v22, $0xF;
	v24, _, _ =	vpop (xrf2)  }
0x14d: {  	v26 =	vnsel vm7, $0x80000040, v4;
	(v2sf) =	vpush v24, $0xF;
	v25, _, _ =	vpop (xrf2)  }
0x14e: {  	(xrf0) =	vmin.scan.msk.u32 $0xffff, v26;
	(v2sf) =	vpush v25, $0xF;
	v27, _, _ =	vpop (xrf2)  }
0x14f: {  	v28, _, _ =	vpop (xrf0);
	(v2sf) =	vpush v27, $0xF  }
0x150: {  	v29, _, _ =	vpop (xrf0);
	(v2sf) =	vpush v28, $0xF  }
0x151: {  	(v2sf) =	vpush v29, $0xF  }
0x152: {  	v30, _, _ =	vpop (xrf0)  }
0x153: {  	(v2sf) =	vpush v30, $0xF  }
0x154: {  	v31, _, _ =	vpop (xrf0)  }
0x155: {  	(v2sf) =	vpush v31, $0xF;
	_ =	sdelay $0x5  }
0x156: {  	s8 =	spop (v2sf)  }
0x157: {  	s7 =	spop (v2sf)  }
0x158: {  	s6 =	spop (v2sf)  }
0x159: {  	s5 =	spop (v2sf)  }
0x15a: {  	s9 =	spop (v2sf)  }
0x15b: {  	s10 =	spop (v2sf)  }
0x15c: {  	s9 =	sxor.u32 $0x80000000, s9;
	s10 =	sxor.u32 $0x80000000, s10  }
0x15d: {  	s11 =	spop (v2sf);
	p0 =	slt.s32 s9, s10  }
0x15e: {  	s10 =	smov.u32 @p0 s9;
	s9 =	sxor.u32 $0x80000000, s11  }
0x15f: {  	s15 =	spop (v2sf);
	p0 =	slt.s32 s10, s9  }
0x160: {  	s9 =	smov.u32 @p0 s10;
	s10 =	sxor.u32 $0x80000000, s15  }
0x161: {  	p0 =	slt.s32 s9, s10  }
0x162: {  	s10 =	smov.u32 @p0 s9  }
0x163: {  	p0 =	slt.s32 s10, $0x40  }
0x164: {  	s10 =	simm.s32 @!p0 $0x40  }
0x165: {  	v32 =	vmov s10  }
0x166: {  	v17 =	vbroadcast v32, $0x0;
	_ =	sdelay $0x1  }
0x167: {  	vm8 =	veq.s32 v17, v0;
	vm9 =	veq.s32 v17, v5  }
0x168: {  	vm10 =	veq.s32 v17, v6;
	vm11 =	veq.s32 v17, v7;
	v34 =	vsel vm8, $0xFF800000, v15  }
0x169: {  	v38 =	vsel vm9, $0xFF800000, v14;
	v39 =	vsel vm10, $0xFF800000, v13;
	v20 =	vsel vm11, $0xFF800000, v12  }
0x16a: {  	v21 =	vmax.f32 v34, v38;
	v22 =	vmax.f32 v39, v20  }
0x16b: {  	v21 =	vmax.f32 v21, v22  }
0x16c: {  	(xrf0) =	vmax.scan.msk.f32 $0xffff, v21;
	_ =	sdelay $0x5  }
0x16d: {  	v21, _, _ =	vpop (xrf0)  }
0x16e: {  	v21 =	vbroadcast v21, $0xF;
	_ =	sdelay $0x1  }
0x16f: {  	vm12 =	veq.f32 v34, v21  }
0x170: {  	vm13 =	veq.f32 v38, v21;
	v40 =	vnsel vm12, $0x80000040, v1  }
0x171: {  	v41 =	vnsel vm13, $0x80000040, v2;
	(xrf0) =	vmin.scan.msk.u32 $0xffff, v40  }
0x172: {  	vm14 =	veq.f32 v39, v21;
	(xrf0) =	vmin.scan.msk.u32 $0xffff, v41  }
0x173: {  	v42 =	vnsel vm14, $0x80000040, v3  }
0x174: {  	vm15 =	veq.f32 v20, v21;
	(xrf0) =	vmin.scan.msk.u32 $0xffff, v42  }
0x175: {  	v21 =	vnsel vm15, $0x80000040, v4  }
0x176: {  	(xrf0) =	vmin.scan.msk.u32 $0xffff, v21  }
0x177: {  	v43, _, _ =	vpop (xrf0)  }
0x178: {  	(v2sf) =	vpush v43, $0xF;
	v44, _, _ =	vpop (xrf0)  }
0x179: {  	(v2sf) =	vpush v44, $0xF  }
0x17a: {  	v45, _, _ =	vpop (xrf0)  }
0x17b: {  	(v2sf) =	vpush v45, $0xF  }
0x17c: {  	v46, _, _ =	vpop (xrf0)  }
0x17d: {  	(v2sf) =	vpush v46, $0xF;
	_ =	sdelay $0x9  }
0x17e: {  	s16 =	spop (v2sf)  }
0x17f: {  	s17 =	spop (v2sf)  }
0x180: {  	s9 =	sxor.u32 $0x80000000, s16;
	s10 =	sxor.u32 $0x80000000, s17  }
0x181: {  	s18 =	spop (v2sf);
	p0 =	slt.s32 s9, s10  }
0x182: {  	s10 =	smov.u32 @p0 s9;
	s9 =	sxor.u32 $0x80000000, s18  }
0x183: {  	s19 =	spop (v2sf);
	p0 =	slt.s32 s10, s9  }
0x184: {  	s9 =	smov.u32 @p0 s10;
	s10 =	sxor.u32 $0x80000000, s19  }
0x185: {  	p0 =	slt.s32 s9, s10  }
0x186: {  	s10 =	smov.u32 @p0 s9  }
0x187: {  	p0 =	slt.s32 s10, $0x40  }
0x188: {  	v33 =	vimm.s32 $0x0;
	s10 =	simm.s32 @!p0 $0x40  }
0x189: {  	v35 =	vimm.s32 $0x0;
	v36 =	vimm.s32 $0x0;
	v47 =	vmov s10  }
0x18a: {  	v37 =	vimm.s32 $0x0;
	v18 =	vsel vm8, $0xFFFFFFFF, v33;
	v21 =	vbroadcast v47, $0x0  }
0x18b: {  	v51 =	vimm.s32 $0x0;
	v19 =	vsel vm9, $0xFFFFFFFF, v35;
	v17 =	vsel vm11, $0xFFFFFFFF, v37;
	[tilespmem:$0x1FF50] =	vst v18  }
0x18c: {  	[tilespmem:$0x1FF80] =	vst v19;
	v19 =	vsel vm10, $0xFFFFFFFF, v36;
	vm4 =	veq.s32 v21, v0;
	vm5 =	veq.s32 v21, v5  }
0x18d: {  	[tilespmem:$0x1FFF0] =	vst v17;
	vm6 =	veq.s32 v21, v6;
	vm7 =	veq.s32 v21, v7;
	v18 =	vsel vm4, $0xFF800000, v34  }
0x18e: {  	[tilespmem:$0x1FFC0] =	vst v19;
	v17 =	vsel vm5, $0xFF800000, v38;
	v19 =	vsel vm6, $0xFF800000, v39;
	v20 =	vsel vm7, $0xFF800000, v20  }
0x18f: {  	v21 =	vsel vm7, $0xFFFFFFFF, v51;
	v52 =	vmax.f32 v18, v17;
	v53 =	vmax.f32 v19, v20  }
0x190: {  	[tilespmem:$0x1FFE0] =	vst v21;
	v21 =	vmax.f32 v52, v53  }
0x191: {  	(xrf0) =	vmax.scan.msk.f32 $0xffff, v21;
	_ =	sdelay $0x5  }
0x192: {  	v21, _, _ =	vpop (xrf0)  }
0x193: {  	v21 =	vbroadcast v21, $0xF;
	_ =	sdelay $0x1  }
0x194: {  	vm8 =	veq.f32 v18, v21  }
0x195: {  	vm9 =	veq.f32 v17, v21;
	v54 =	vnsel vm8, $0x80000040, v1  }
0x196: {  	v55 =	vnsel vm9, $0x80000040, v2;
	(xrf0) =	vmin.scan.msk.u32 $0xffff, v54  }
0x197: {  	vm10 =	veq.f32 v19, v21;
	(xrf0) =	vmin.scan.msk.u32 $0xffff, v55  }
0x198: {  	v56 =	vnsel vm10, $0x80000040, v3  }
0x199: {  	vm11 =	veq.f32 v20, v21;
	(xrf0) =	vmin.scan.msk.u32 $0xffff, v56  }
0x19a: {  	v21 =	vnsel vm11, $0x80000040, v4  }
0x19b: {  	(xrf0) =	vmin.scan.msk.u32 $0xffff, v21  }
0x19c: {  	v57, _, _ =	vpop (xrf0)  }
0x19d: {  	(v2sf) =	vpush v57, $0xF;
	v58, _, _ =	vpop (xrf0)  }
0x19e: {  	(v2sf) =	vpush v58, $0xF  }
0x19f: {  	v59, _, _ =	vpop (xrf0)  }
0x1a0: {  	(v2sf) =	vpush v59, $0xF  }
0x1a1: {  	v60, _, _ =	vpop (xrf0)  }
0x1a2: {  	(v2sf) =	vpush v60, $0xF;
	_ =	sdelay $0x9  }
0x1a3: {  	s20 =	spop (v2sf)  }
0x1a4: {  	s21 =	spop (v2sf)  }
0x1a5: {  	s9 =	sxor.u32 $0x80000000, s20;
	s10 =	sxor.u32 $0x80000000, s21  }
0x1a6: {  	s22 =	spop (v2sf);
	p0 =	slt.s32 s9, s10  }
0x1a7: {  	s10 =	smov.u32 @p0 s9;
	s9 =	sxor.u32 $0x80000000, s22  }
0x1a8: {  	s23 =	spop (v2sf);
	p0 =	slt.s32 s10, s9  }
0x1a9: {  	s9 =	smov.u32 @p0 s10;
	s10 =	sxor.u32 $0x80000000, s23  }
0x1aa: {  	p0 =	slt.s32 s9, s10  }
0x1ab: {  	s10 =	smov.u32 @p0 s9  }
0x1ac: {  	p0 =	slt.s32 s10, $0x40  }
0x1ad: {  	s10 =	simm.s32 @!p0 $0x40  }
0x1ae: {  	v61 =	vmov s10  }
0x1af: {  	v21 =	vbroadcast v61, $0x0;
	_ =	sdelay $0x1  }
0x1b0: {  	v25 =	vimm.s32 $0x0;
	vm12 =	veq.s32 v21, v0;
	vm13 =	veq.s32 v21, v5  }
0x1b1: {  	vm14 =	veq.s32 v21, v6;
	vm15 =	veq.s32 v21, v7;
	v18 =	vsel vm12, $0xFF800000, v18  }
0x1b2: {  	v17 =	vsel vm13, $0xFF800000, v17;
	v19 =	vsel vm14, $0xFF800000, v19;
	v20 =	vsel vm15, $0xFF800000, v20  }
0x1b3: {  	v21 =	vsel vm15, $0xFFFFFFFF, v25;
	v26 =	vmax.f32 v18, v17;
	v27 =	vmax.f32 v19, v20  }
0x1b4: {  	[tilespmem:$0x1FFD0] =	vst v21;
	v21 =	vmax.f32 v26, v27  }
0x1b5: {  	(xrf0) =	vmax.scan.msk.f32 $0xffff, v21;
	_ =	sdelay $0x5  }
0x1b6: {  	v21, _, _ =	vpop (xrf0)  }
0x1b7: {  	v21 =	vbroadcast v21, $0xF  }
0x1b8: {  	v48 =	vimm.s32 $0x0  }
0x1b9: {  	v49 =	vimm.s32 $0x0;
	v22 =	vsel vm4, $0xFFFFFFFF, v48;
	vm4 =	veq.f32 v18, v21  }
0x1ba: {  	[tilespmem:$0x1FF40] =	vst v22;
	v22 =	vsel vm5, $0xFFFFFFFF, v49;
	vm5 =	veq.f32 v17, v21;
	v28 =	vnsel vm4, $0x80000040, v1  }
0x1bb: {  	v50 =	vimm.s32 $0x0;
	v29 =	vnsel vm5, $0x80000040, v2;
	(xrf0) =	vmin.scan.msk.u32 $0xffff, v28  }
0x1bc: {  	[tilespmem:$0x1FF70] =	vst v22;
	v22 =	vsel vm6, $0xFFFFFFFF, v50;
	vm6 =	veq.f32 v19, v21;
	(xrf0) =	vmin.scan.msk.u32 $0xffff, v29  }
0x1bd: {  	v30 =	vnsel vm6, $0x80000040, v3  }
0x1be: {  	vm7 =	veq.f32 v20, v21;
	(xrf0) =	vmin.scan.msk.u32 $0xffff, v30  }
0x1bf: {  	v21 =	vnsel vm7, $0x80000040, v4  }
0x1c0: {  	(xrf0) =	vmin.scan.msk.u32 $0xffff, v21  }
0x1c1: {  	v31, _, _ =	vpop (xrf0)  }
0x1c2: {  	(v2sf) =	vpush v31, $0xF;
	v32, _, _ =	vpop (xrf0)  }
0x1c3: {  	(v2sf) =	vpush v32, $0xF  }
0x1c4: {  	v33, _, _ =	vpop (xrf0)  }
0x1c5: {  	(v2sf) =	vpush v33, $0xF  }
0x1c6: {  	v34, _, _ =	vpop (xrf0)  }
0x1c7: {  	(v2sf) =	vpush v34, $0xF;
	_ =	sdelay $0x9  }
0x1c8: {  	s24 =	spop (v2sf)  }
0x1c9: {  	s25 =	spop (v2sf)  }
0x1ca: {  	s9 =	sxor.u32 $0x80000000, s24;
	s10 =	sxor.u32 $0x80000000, s25  }
0x1cb: {  	s26 =	spop (v2sf);
	p0 =	slt.s32 s9, s10  }
0x1cc: {  	s10 =	smov.u32 @p0 s9;
	s9 =	sxor.u32 $0x80000000, s26  }
0x1cd: {  	s28 =	spop (v2sf);
	p0 =	slt.s32 s10, s9  }
0x1ce: {  	s9 =	smov.u32 @p0 s10;
	s10 =	sxor.u32 $0x80000000, s28  }
0x1cf: {  	p0 =	slt.s32 s9, s10  }
0x1d0: {  	s10 =	smov.u32 @p0 s9  }
0x1d1: {  	p0 =	slt.s32 s10, $0x40  }
0x1d2: {  	s10 =	simm.s32 @!p0 $0x40  }
0x1d3: {  	v62 =	vimm.s32 $0x0;
	v35 =	vmov s10  }
0x1d4: {  	v63 =	vimm.s32 $0x0;
	[tilespmem:$0x1FFA0] =	vst v22;
	v22 =	vsel vm12, $0xFFFFFFFF, v62;
	v21 =	vbroadcast v35, $0x0  }
0x1d5: {  	v24 =	vimm.s32 $0x0;
	v36 =	vimm.s32 $0x0;
	[tilespmem:$0x1FF30] =	vst v22;
	v22 =	vsel vm13, $0xFFFFFFFF, v63  }
0x1d6: {  	[tilespmem:$0x1FF60] =	vst v22;
	v22 =	vsel vm14, $0xFFFFFFFF, v24;
	vm15 =	veq.s32 v21, v0;
	vm14 =	veq.s32 v21, v5  }
0x1d7: {  	vm13 =	veq.s32 v21, v6;
	vm8 =	veq.s32 v21, v7;
	v18 =	vsel vm15, $0xFF800000, v18  }
0x1d8: {  	v17 =	vsel vm14, $0xFF800000, v17;
	v19 =	vsel vm13, $0xFF800000, v19;
	v20 =	vsel vm8, $0xFF800000, v20  }
0x1d9: {  	v21 =	vsel vm8, $0xFFFFFFFF, v36;
	v37 =	vmax.f32 v18, v17;
	v38 =	vmax.f32 v19, v20  }
0x1da: {  	[tilespmem:$0x1FFB0] =	vst v21;
	v21 =	vmax.f32 v37, v38  }
0x1db: {  	(xrf0) =	vmax.scan.msk.f32 $0xffff, v21;
	_ =	sdelay $0x5  }
0x1dc: {  	v21, _, _ =	vpop (xrf0)  }
0x1dd: {  	v21 =	vbroadcast v21, $0xF;
	_ =	sdelay $0x1  }
0x1de: {  	vm9 =	veq.f32 v18, v21  }
0x1df: {  	vm10 =	veq.f32 v17, v21;
	v39 =	vnsel vm9, $0x80000040, v1  }
0x1e0: {  	v23 =	vnsel vm10, $0x80000040, v2;
	(xrf0) =	vmin.scan.msk.u32 $0xffff, v39  }
0x1e1: {  	vm11 =	veq.f32 v19, v21;
	(xrf0) =	vmin.scan.msk.u32 $0xffff, v23  }
0x1e2: {  	v40 =	vnsel vm11, $0x80000040, v3  }
0x1e3: {  	vm12 =	veq.f32 v20, v21;
	(xrf0) =	vmin.scan.msk.u32 $0xffff, v40  }
0x1e4: {  	v21 =	vnsel vm12, $0x80000040, v4  }
0x1e5: {  	(xrf0) =	vmin.scan.msk.u32 $0xffff, v21  }
0x1e6: {  	v41, _, _ =	vpop (xrf0)  }
0x1e7: {  	(v2sf) =	vpush v41, $0xF;
	v42, _, _ =	vpop (xrf0)  }
0x1e8: {  	(v2sf) =	vpush v42, $0xF  }
0x1e9: {  	v43, _, _ =	vpop (xrf0)  }
0x1ea: {  	(v2sf) =	vpush v43, $0xF  }
0x1eb: {  	v44, _, _ =	vpop (xrf0)  }
0x1ec: {  	(v2sf) =	vpush v44, $0xF;
	_ =	sdelay $0x9  }
0x1ed: {  	s29 =	spop (v2sf)  }
0x1ee: {  	s30 =	spop (v2sf)  }
0x1ef: {  	s9 =	sxor.u32 $0x80000000, s29;
	s10 =	sxor.u32 $0x80000000, s30  }
0x1f0: {  	s31 =	spop (v2sf);
	p0 =	slt.s32 s9, s10  }
0x1f1: {  	s10 =	smov.u32 @p0 s9;
	s9 =	sxor.u32 $0x80000000, s31  }
0x1f2: {  	s12 =	spop (v2sf);
	p0 =	slt.s32 s10, s9  }
0x1f3: {  	s9 =	smov.u32 @p0 s10;
	s10 =	sxor.u32 $0x80000000, s12  }
0x1f4: {  	p0 =	slt.s32 s9, s10  }
0x1f5: {  	s10 =	smov.u32 @p0 s9  }
0x1f6: {  	p0 =	slt.s32 s10, $0x40  }
0x1f7: {  	s10 =	simm.s32 @!p0 $0x40  }
0x1f8: {  	v45 =	vmov s10  }
0x1f9: {  	v21 =	vbroadcast v45, $0x0;
	_ =	sdelay $0x1  }
0x1fa: {  	vm8 =	veq.s32 v21, v0;
	vm9 =	veq.s32 v21, v5  }
0x1fb: {  	vm10 =	veq.s32 v21, v6;
	vm11 =	veq.s32 v21, v7;
	v18 =	vsel vm8, $0xFF800000, v18  }
0x1fc: {  	v17 =	vsel vm9, $0xFF800000, v17;
	v19 =	vsel vm10, $0xFF800000, v19;
	v20 =	vsel vm11, $0xFF800000, v20  }
0x1fd: {  	v46 =	vmax.f32 v18, v17;
	v47 =	vmax.f32 v19, v20  }
0x1fe: {  	v21 =	vmax.f32 v46, v47  }
0x1ff: {  	(xrf0) =	vmax.scan.msk.f32 $0xffff, v21;
	_ =	sdelay $0x5  }
0x200: {  	v21, _, _ =	vpop (xrf0)  }
0x201: {  	v21 =	vbroadcast v21, $0xF;
	_ =	sdelay $0x1  }
0x202: {  	vm4 =	veq.f32 v18, v21  }
0x203: {  	vm5 =	veq.f32 v17, v21;
	v48 =	vnsel vm4, $0x80000040, v1  }
0x204: {  	v49 =	vnsel vm5, $0x80000040, v2;
	(xrf0) =	vmin.scan.msk.u32 $0xffff, v48  }
0x205: {  	vm6 =	veq.f32 v19, v21;
	(xrf0) =	vmin.scan.msk.u32 $0xffff, v49  }
0x206: {  	v50 =	vnsel vm6, $0x80000040, v3  }
0x207: {  	vm7 =	veq.f32 v20, v21;
	(xrf0) =	vmin.scan.msk.u32 $0xffff, v50  }
0x208: {  	v21 =	vnsel vm7, $0x80000040, v4  }
0x209: {  	(xrf0) =	vmin.scan.msk.u32 $0xffff, v21  }
0x20a: {  	v51, _, _ =	vpop (xrf0)  }
0x20b: {  	(v2sf) =	vpush v51, $0xF;
	v52, _, _ =	vpop (xrf0)  }
0x20c: {  	(v2sf) =	vpush v52, $0xF  }
0x20d: {  	v53, _, _ =	vpop (xrf0)  }
0x20e: {  	(v2sf) =	vpush v53, $0xF  }
0x20f: {  	v54, _, _ =	vpop (xrf0)  }
0x210: {  	(v2sf) =	vpush v54, $0xF;
	_ =	sdelay $0x9  }
0x211: {  	s13 =	spop (v2sf)  }
0x212: {  	s14 =	spop (v2sf)  }
0x213: {  	s9 =	sxor.u32 $0x80000000, s13;
	s10 =	sxor.u32 $0x80000000, s14  }
0x214: {  	s15 =	spop (v2sf);
	p0 =	slt.s32 s9, s10  }
0x215: {  	s10 =	smov.u32 @p0 s9;
	s9 =	sxor.u32 $0x80000000, s15  }
0x216: {  	s16 =	spop (v2sf);
	p0 =	slt.s32 s10, s9  }
0x217: {  	s9 =	smov.u32 @p0 s10;
	s10 =	sxor.u32 $0x80000000, s16  }
0x218: {  	p0 =	slt.s32 s9, s10  }
0x219: {  	s10 =	smov.u32 @p0 s9  }
0x21a: {  	p0 =	slt.s32 s10, $0x40  }
0x21b: {  	s10 =	simm.s32 @!p0 $0x40  }
0x21c: {  	v55 =	vmov s10  }
0x21d: {  	v21 =	vbroadcast v55, $0x0;
	_ =	sdelay $0x1  }
0x21e: {  	vm4 =	veq.s32 v21, v0;
	vm5 =	veq.s32 v21, v5  }
0x21f: {  	vm6 =	veq.s32 v21, v6;
	vm7 =	veq.s32 v21, v7;
	v18 =	vsel vm4, $0xFF800000, v18  }
0x220: {  	v17 =	vsel vm5, $0xFF800000, v17;
	v19 =	vsel vm6, $0xFF800000, v19;
	v20 =	vsel vm7, $0xFF800000, v20  }
0x221: {  	v56 =	vmax.f32 v18, v17;
	v57 =	vmax.f32 v19, v20  }
0x222: {  	v21 =	vmax.f32 v56, v57  }
0x223: {  	(xrf0) =	vmax.scan.msk.f32 $0xffff, v21;
	_ =	sdelay $0x5  }
0x224: {  	v21, _, _ =	vpop (xrf0)  }
0x225: {  	v21 =	vbroadcast v21, $0xF;
	_ =	sdelay $0x1  }
0x226: {  	vm12 =	veq.f32 v18, v21  }
0x227: {  	v58 =	vnsel vm12, $0x80000040, v1;
	vm12 =	veq.f32 v17, v21  }
0x228: {  	v59 =	vnsel vm12, $0x80000040, v2;
	(xrf0) =	vmin.scan.msk.u32 $0xffff, v58  }
0x229: {  	vm12 =	veq.f32 v19, v21;
	(xrf0) =	vmin.scan.msk.u32 $0xffff, v59  }
0x22a: {  	v60 =	vnsel vm12, $0x80000040, v3  }
0x22b: {  	vm12 =	veq.f32 v20, v21;
	(xrf0) =	vmin.scan.msk.u32 $0xffff, v60  }
0x22c: {  	v21 =	vnsel vm12, $0x80000040, v4  }
0x22d: {  	(xrf0) =	vmin.scan.msk.u32 $0xffff, v21  }
0x22e: {  	v61, _, _ =	vpop (xrf0)  }
0x22f: {  	(v2sf) =	vpush v61, $0xF;
	v62, _, _ =	vpop (xrf0)  }
0x230: {  	(v2sf) =	vpush v62, $0xF  }
0x231: {  	v63, _, _ =	vpop (xrf0)  }
0x232: {  	(v2sf) =	vpush v63, $0xF  }
0x233: {  	v24, _, _ =	vpop (xrf0)  }
0x234: {  	(v2sf) =	vpush v24, $0xF;
	_ =	sdelay $0x9  }
0x235: {  	s17 =	spop (v2sf)  }
0x236: {  	s18 =	spop (v2sf)  }
0x237: {  	s9 =	sxor.u32 $0x80000000, s17;
	s10 =	sxor.u32 $0x80000000, s18  }
0x238: {  	s19 =	spop (v2sf);
	p0 =	slt.s32 s9, s10  }
0x239: {  	s10 =	smov.u32 @p0 s9;
	s9 =	sxor.u32 $0x80000000, s19  }
0x23a: {  	s20 =	spop (v2sf);
	p0 =	slt.s32 s10, s9  }
0x23b: {  	s9 =	smov.u32 @p0 s10;
	s10 =	sxor.u32 $0x80000000, s20  }
0x23c: {  	p0 =	slt.s32 s9, s10  }
0x23d: {  	s10 =	smov.u32 @p0 s9  }
0x23e: {  	p0 =	slt.s32 s10, $0x40  }
0x23f: {  	s10 =	simm.s32 @!p0 $0x40  }
0x240: {  	v25 =	vmov s10  }
0x241: {  	v21 =	vbroadcast v25, $0x0;
	_ =	sdelay $0x1  }
0x242: {  	vm0 =	veq.s32 v21, v0;
	vm1 =	veq.s32 v21, v5  }
0x243: {  	vm2 =	veq.s32 v21, v6;
	vm3 =	veq.s32 v21, v7;
	v18 =	vsel vm0, $0xFF800000, v18  }
0x244: {  	v17 =	vsel vm1, $0xFF800000, v17;
	v19 =	vsel vm2, $0xFF800000, v19;
	v20 =	vsel vm3, $0xFF800000, v20  }
0x245: {  	v26 =	vmax.f32 v18, v17;
	v27 =	vmax.f32 v19, v20  }
0x246: {  	v21 =	vmax.f32 v26, v27  }
0x247: {  	(xrf0) =	vmax.scan.msk.f32 $0xffff, v21;
	_ =	sdelay $0x5  }
0x248: {  	v21, _, _ =	vpop (xrf0)  }
0x249: {  	v21 =	vbroadcast v21, $0xF;
	_ =	sdelay $0x1  }
0x24a: {  	vm12 =	veq.f32 v18, v21  }
0x24b: {  	v18 =	vnsel vm12, $0x80000040, v1;
	vm12 =	veq.f32 v17, v21  }
0x24c: {  	v17 =	vnsel vm12, $0x80000040, v2;
	(xrf0) =	vmin.scan.msk.u32 $0xffff, v18  }
0x24d: {  	vm12 =	veq.f32 v19, v21;
	(xrf0) =	vmin.scan.msk.u32 $0xffff, v17  }
0x24e: {  	v28 =	vnsel vm12, $0x80000040, v3  }
0x24f: {  	vm12 =	veq.f32 v20, v21;
	(xrf0) =	vmin.scan.msk.u32 $0xffff, v28  }
0x250: {  	v29 =	vnsel vm12, $0x80000040, v4  }
0x251: {  	(xrf0) =	vmin.scan.msk.u32 $0xffff, v29  }
0x252: {  	v30, _, _ =	vpop (xrf0)  }
0x253: {  	v31, _, _ =	vpop (xrf0);
	(v2sf) =	vpush v30, $0xF  }
0x254: {  	(v2sf) =	vpush v31, $0xF  }
0x255: {  	v32, _, _ =	vpop (xrf0)  }
0x256: {  	(v2sf) =	vpush v32, $0xF  }
0x257: {  	v33, _, _ =	vpop (xrf0)  }
0x258: {  	(v2sf) =	vpush v33, $0xF;
	_ =	sdelay $0x6  }
0x259: {  	s8 =	sadd.f32 $0.0e+00, s8;
	_ =	sdelay $0x1  }
0x25a: {  	s7 =	sadd.f32 s8, s7  }
0x25b: {  	s21 =	spop (v2sf)  }
0x25c: {  	s6 =	sadd.f32 s7, s6;
	s22 =	spop (v2sf)  }
0x25d: {  	s9 =	sxor.u32 $0x80000000, s21;
	s10 =	sxor.u32 $0x80000000, s22  }
0x25e: {  	s5 =	sadd.f32 s6, s5;
	s23 =	spop (v2sf);
	p0 =	slt.s32 s9, s10  }
0x25f: {  	s10 =	smov.u32 @p0 s9;
	s9 =	sxor.u32 $0x80000000, s23  }
0x260: {  	v34 =	vmov s5;
	s24 =	spop (v2sf);
	p0 =	slt.s32 s10, s9  }
0x261: {  	v15 =	vsub.f32 v15, v16;
	(erf) = vrcp.f32 v34;
	s8 =	sxor.u32 $0x80000000, s24;
	s9 =	smov.u32 @p0 s10  }
0x262: {  	p0 =	slt.s32 s9, s8  }
0x263: {  	v15 =	vmul.f32 $1.442695020e+00, v15;
	s8 =	smov.u32 @p0 s9  }
0x264: {  	v14 =	vsub.f32 v14, v16;
	p0 =	slt.s32 s8, $0x40  }
0x265: {  	v13 =	vsub.f32 v13, v16;
	(erf) = vpow2.f32 v15;
	v36 =	vld [tilespmem:$0x1FF30];
	s8 =	simm.s32 @!p0 $0x40  }
0x266: {  	v12 =	vsub.f32 v12, v16;
	v14 =	vmul.f32 $1.442695020e+00, v14;
	v37 =	vld [tilespmem:$0x1FF40];
	v35 =	vmov s8  }
0x267: {  	v13 =	vmul.f32 $1.442695020e+00, v13;
	v38 =	vld [tilespmem:$0x1FF50];
	vm12 =	veq.s32 v35, v0  }
0x268: {  	v12 =	vmul.f32 $1.442695020e+00, v12;
	(erf) = vpow2.f32 v14;
	v42 =	vld [tilespmem:$0x1FF60];
	vm0 =	vmor vm12, vm0  }
0x269: {  	(erf) = vpow2.f32 v13;
	v43 =	vld [tilespmem:$0x1FF70];
	vm0 =	vmor vm0, vm4  }
0x26a: {  	[tilespmem:$0x1FF90] =	vst v22;
	v39 =	vpop (erf);
	(erf) = vpow2.f32 v12;
	v44 =	vld [tilespmem:$0x1FF80];
	vm12 =	veq.s32 v35, v5;
	vm0 =	vmor vm0, vm8  }
0x26b: {  	v45 =	vld [tilespmem:$0x1FF90];
	vm1 =	vmor vm12, vm1;
	vm0 =	vmor vm0, vm15;
	vm15 =	vnez.u8 v36  }
0x26c: {  	v49 =	vld [tilespmem:$0x1FFC0];
	vm8 =	vnez.u8 v37;
	vm1 =	vmor vm1, vm5;
	vm0 =	vmor vm0, vm15  }
0x26d: {  	vm15 =	vnez.u8 v38;
	vm0 =	vmor vm0, vm8;
	vm8 =	veq.s32 v35, v6  }
0x26e: {  	v40 =	vpop (erf);
	v47 =	vld [tilespmem:$0x1FFA0];
	vm9 =	vmor vm1, vm9;
	vm0 =	vmor vm0, vm15;
	vm12 =	vmor vm8, vm2  }
0x26f: {  	v50 =	vld [tilespmem:$0x1FFD0];
	vm15 =	vnez.u8 v42;
	vm8 =	vnez.u8 v44;
	v41 =	vnsel vm0, $0x0, v40  }
0x270: {  	v48 =	vld [tilespmem:$0x1FFB0];
	vm0 =	vmor vm9, vm14;
	vm1 =	vmor vm12, vm6;
	vm14 =	veq.s32 v35, v7  }
0x271: {  	vm6 =	vnez.u8 v43;
	vm9 =	vnez.u8 v45;
	vm12 =	vnez.u8 v49  }
0x272: {  	v52 =	vld [tilespmem:$0x1FFE0];
	vm0 =	vmor vm0, vm15;
	vm1 =	vmor vm1, vm10;
	vm2 =	vmor vm14, vm3  }
0x273: {  	v53 =	vld [tilespmem:$0x1FFF0];
	vm10 =	vnez.u8 v47;
	vm0 =	vmor vm0, vm6;
	vm1 =	vmor vm1, vm13  }
0x274: {  	vm2 =	vmor vm2, vm7;
	vm13 =	vnez.u8 v50;
	vm0 =	vmor vm0, vm8  }
0x275: {  	v46 =	vpop (erf);
	(xrf2) =	vadd.scan.msk.f32 $0xffff, v41;
	vm1 =	vmor vm1, vm9;
	vm2 =	vmor vm2, vm11;
	vm11 =	vnez.u8 v48  }
0x276: {  	v14 =	vnsel vm0, $0x0, v46;
	vm0 =	vmor vm1, vm10;
	vm1 =	vmor vm2, vm11  }
0x277: {  	v51 =	vpop (erf);
	vm14 =	vnez.u8 v52;
	vm0 =	vmor vm0, vm12;
	vm1 =	vmor vm1, vm13;
	(xrf2) =	vadd.scan.msk.f32 $0xffff, v14  }
0x278: {  	vm15 =	vnez.u8 v53;
	v15 =	vnsel vm0, $0x0, v51;
	vm0 =	vmor vm1, vm14  }
0x279: {  	v54 =	vpop (erf);
	vm0 =	vmor vm0, vm15;
	(xrf2) =	vadd.scan.msk.f32 $0xffff, v15  }
0x27a: {  	v16 =	vnsel vm0, $0x0, v54  }
0x27b: {  	(xrf2) =	vadd.scan.msk.f32 $0xffff, v16;
	_ =	sdelay $0x3  }
0x27c: {  	v55, _, _ =	vpop (xrf2)  }
0x27d: {  	(v2sf) =	vpush v55, $0xF  }
0x27e: {  	v56, _, _ =	vpop (xrf2)  }
0x27f: {  	(v2sf) =	vpush v56, $0xF  }
0x280: {  	v57, _, _ =	vpop (xrf2)  }
0x281: {  	(v2sf) =	vpush v57, $0xF  }
0x282: {  	v58, _, _ =	vpop (xrf2)  }
0x283: {  	(v2sf) =	vpush v58, $0xF;
	_ =	sdelay $0x8  }
0x284: {  	s25 =	spop (v2sf)  }
0x285: {  	s5 =	sadd.f32 $0.0e+00, s25  }
0x286: {  	s26 =	spop (v2sf)  }
0x287: {  	s5 =	sadd.f32 s5, s26  }
0x288: {  	s28 =	spop (v2sf)  }
0x289: {  	s5 =	sadd.f32 s5, s28  }
0x28a: {  	s29 =	spop (v2sf)  }
0x28b: {  	s5 =	sadd.f32 s5, s29;
	_ =	sdelay $0x1  }
0x28c: {  	v59 =	vmov s5  }
0x28d: {  	(erf) = vrcp.f32 v59;
	_ =	sdelay $0x5  }
0x28e: {  	v8 =	vmul.f32 v39, v8  }
0x28f: {  	v9 =	vmul.f32 v39, v9  }
0x290: {  	[tilespmem:$0x100] =	vst v8;
	v8 =	vmul.f32 v39, v10  }
0x291: {  	[tilespmem:$0x110] =	vst v9;
	v60 =	vmul.f32 v39, v11;
	v61 =	vpop (erf)  }
0x292: {  	[tilespmem:$0x120] =	vst v8;
	v8 =	vmul.f32 v61, v41  }
0x293: {  	[tilespmem:$0x130] =	vst v60;
	v62 =	vmul.f32 v61, v14  }
0x294: {  	v63 =	vmul.f32 v61, v16;
	[tilespmem:$0x180] =	vst v8  }
0x295: {  	v8 =	vmul.f32 v61, v15;
	[tilespmem:$0x190] =	vst v62  }
0x296: {  	s30 =	rddreg [dreg:$0x4];
	p0 =	sne.s32 s3, $0x1;
	[tilespmem:$0x1B0] =	vst v63  }
.Ltmp0:
0x297: {  	s31 =	rddreg [dreg:$0x5];
	[tilespmem:$0x1A0] =	vst v8;
	(pc) =	sbr.rel @p0 .LBB2_1-.Ltmp0, $4  }
0x298: {  	[hbm4b:s30+s2] =	stream.linear.scatter [tilespmem:s31], [sflag:$0x1], $0x100, $0x38;
	[tilespmem:$0x200] =	vst v63  }
0x299: {  	_ =	swait.ge [sflag:s4], $0x100  }
0x29a: {  	[sflag:s4] =	ssyncset.done $0x0  }
0x29b: {  	s3 =	sadd.s32 $0xFFFFFFFF, s3;
	[sflag:s4] =	ssyncadd.s32 $0xFFFFFF00  }
0x29c: {  	_ =	sfence.sel $0x180000  }
0x29d: {  	[bflag:$0x0] =	sbarrier.arrive $0xFFFF  }
0x29e: {  	p0 =	sne.s32 s1, $0x0;
	_ =	strace $0x90000047  }
0x29f: {  	s0 =	sadd.s32 @!p0 $0x100000, s0;
	[bflag:$0x2] =	sbarrier.arrive $0xFFFF  }
0x2a0: {  	[sflag:s0] =	ssyncadd.tile.s32 @!p0 $0x1;
	_ =	shalt  }
.Lfunc_end2:
_tile_overlayer_lowered:
.L_overlay_start_2:
0x2a1: {  	(tag) =	ssettag $0x2  }
0x2a2: {  	s0 =	rddreg [dreg:$0x0];
	s2 =	stileid.u32  }
0x2a3: {  	s1 =	rddreg [dreg:$0x1];
	p0 =	sne.s32 s2, $0x0  }
0x2a4: {  	s3 =	rddreg [dreg:$0x2];
	[bflag:$0x3] =	sbarrier.arrive $0xFFFF;
	s2 =	simm.s32 @!p0 $0x1C01  }
0x2a5: {  	[timem:s3], [sflag:s2] =	dma.local @!p0 [hbm:s0], s1  }
0x2a6: {  	s0 =	simm.s32 @!p0 $0x1  }
0x2a7: {  	_ =	swait.ge @!p0 [sflag:s0], s1  }
0x2a8: {  	s1 =	ssub.s32 @!p0 $0x0, s1;
	[sflag:s0] =	ssyncset.done @!p0 $0x0  }
0x2a9: {  	[sflag:s0] =	ssyncadd.s32 @!p0 s1  }
0x2aa: {  	[bflag:$0x3] =	sbarrier.arrive $0xFFFF  }
0x2ab: {  	_ =	shalt  }

</sc_bundles>
